<compile_context>
chip_gen: v7x
topology: tpu7x:2x2x1
jax: 0.10.2.dev20260603
libtpu: 0.0.44.dev20260713+nightly
codegen_flags: <defaults>
</compile_context>

<pallas_src>
import functools

import numpy as np
import jax
import jax.numpy as jnp
from jax import lax
from jax.experimental import pallas as pl
from jax.experimental.pallas import tpu as pltpu
from jax.experimental.pallas import tpu_sc as plsc

_D = 3
_V = 5
_K = 12
_NDV = _D * _V
_Q = 8
_J = _K * _Q
_NW = 32
_LN2 = 0.6931471805599453

_t64, _glw64 = np.polynomial.legendre.leggauss(_Q)
_TQ2 = np.repeat(_t64, _K).astype(np.float32).reshape(1, _J)
_SEL2 = np.tile(np.eye(_K, dtype=np.float32), _Q)
_LF = np.zeros(128, np.float64)
_LF[1:] = np.cumsum(np.log(np.arange(1, 128.0)))
_LFP = np.stack([_LF, np.log(np.arange(1, 129, dtype=np.float64))]
                ).astype(np.float32)


def _prep_kernel(minp_ref, lenp_ref, wpre_ref, tq_ref, sel_ref,
                 ab_ref, hc_ref):
    f32 = jnp.float32
    minp = minp_ref[...]
    lenp = lenp_ref[...]
    x1 = jax.nn.sigmoid(minp)
    x2 = jax.nn.sigmoid(minp + jnp.exp(lenp))
    mid = (x1 + x2) * 0.5
    half = (x2 - x1) * 0.5
    sel = sel_ref[...]
    midj = lax.dot(mid, sel, preferred_element_type=f32)
    halfj = lax.dot(half, sel, preferred_element_type=f32)
    f = midj + halfj * tq_ref[...]
    lg1mf = jnp.log1p(-f)
    ab_ref[...] = jnp.concatenate([jnp.log(f) - lg1mf, lg1mf], axis=0)
    c1 = jax.nn.softmax(wpre_ref[...], axis=1) / (x2 - x1)
    hc_ref[...] = jnp.concatenate([half, c1], axis=0)


def _log_f32(z):
    f32, i32 = jnp.float32, jnp.int32
    bits = lax.bitcast_convert_type(z, i32)
    ex = lax.shift_right_logical(bits, 23) - 127
    man = lax.bitcast_convert_type(
        jnp.bitwise_or(jnp.bitwise_and(bits, 0x007FFFFF), 0x3F800000), f32)
    big = man > np.float32(1.4142135)
    man = jnp.where(big, man * 0.5, man)
    exf = (ex + jnp.where(big, jnp.ones((16,), i32),
                          jnp.zeros((16,), i32))).astype(f32)
    t = (man - 1.0) / (man + 1.0)
    t2 = t * t
    inner = 1.0 + t2 * (np.float32(1 / 3) + t2 * (np.float32(1 / 5)
            + t2 * (np.float32(1 / 7) + t2 * np.float32(1 / 9))))
    return 2.0 * t * inner + exf * np.float32(_LN2)


def _sc_body(inp_hbm, ab_hbm, hc_hbm, lfp_hbm, out_hbm,
             inp_v, ab_v, hc_v, lfp_v, out_v):
    f32, i32 = jnp.float32, jnp.int32
    wid = lax.axis_index("s") * 2 + lax.axis_index("c")
    per_w = inp_hbm.shape[1] // _NW
    base = wid * per_w
    pltpu.sync_copy(inp_hbm.at[:, pl.ds(base, per_w)], inp_v)
    pltpu.sync_copy(ab_hbm, ab_v)
    pltpu.sync_copy(hc_hbm, hc_v)
    pltpu.sync_copy(lfp_hbm, lfp_v)

    ngroups = per_w // 16

    def gbody(g, carry):
        off = g * 16
        vt = inp_v[0, pl.ds(off, 16)]
        dep = inp_v[1, pl.ds(off, 16)]
        alt = inp_v[2, pl.ds(off, 16)]
        one = jnp.ones((16,), i32)
        zero = jnp.zeros((16,), i32)
        db = jnp.where(dep >= 10, one, zero) + jnp.where(dep >= 20, one, zero)
        dv = db * _V + vt
        dv16 = dv + 16
        nf = dep.astype(f32)
        kf = alt.astype(f32)
        logc = (plsc.load_gather(lfp_v, [zero, dep])
                - plsc.load_gather(lfp_v, [zero, alt])
                - plsc.load_gather(lfp_v, [zero, dep - alt]))
        lnp1 = plsc.load_gather(lfp_v, [one, dep])

        ts = [jnp.zeros((16,), f32) for _ in range(_K)]
        for q in range(_Q):
            glw_q = np.float32(_glw64[q])
            for kc in range(_K):
                col = jnp.full((16,), q * _K + kc, i32)
                ak = plsc.load_gather(ab_v, [dv, col])
                bk = plsc.load_gather(ab_v, [dv16, col])
                ts[kc] = ts[kc] + glw_q * jnp.exp(kf * ak + nf * bk + logc)
        np1 = nf + 1.0
        z = jnp.zeros((16,), f32)
        for kc in range(_K):
            kcv = jnp.full((16,), kc, i32)
            halfg = plsc.load_gather(hc_v, [dv, kcv])
            c1g = plsc.load_gather(hc_v, [dv16, kcv])
            z = z + c1g * jnp.maximum(np1 * halfg * ts[kc], 1e-30)
        out_v[pl.ds(off, 16)] = _log_f32(z) - lnp1
        return carry

    lax.fori_loop(0, ngroups, gbody, 0)
    pltpu.sync_copy(out_v, out_hbm.at[pl.ds(base, per_w)])


@jax.jit
def kernel(variant_types_b, depths_b, alt_counts_b, weights_pre_softmax_dvk,
           min_pre_sigmoid_dvk, lengths_in_logit_space_pre_exp_dvk):
    f32 = jnp.float32
    bsz = variant_types_b.shape[0]
    per_w = bsz // _NW
    inp = jnp.stack([variant_types_b.astype(jnp.int32),
                     depths_b.astype(jnp.int32),
                     alt_counts_b.astype(jnp.int32)])
    pad16 = lambda a, val: jnp.concatenate(
        [a.reshape(_NDV, _K).astype(f32), jnp.full((1, _K), val, f32)], axis=0)
    minp = pad16(min_pre_sigmoid_dvk, -5.0)
    lenp = pad16(lengths_in_logit_space_pre_exp_dvk, 0.0)
    wpre = pad16(weights_pre_softmax_dvk, 0.0)

    full = lambda shape: pl.BlockSpec(shape, lambda: tuple(0 for _ in shape))
    ab_t, hc_t = pl.pallas_call(
        _prep_kernel,
        in_specs=[full((16, _K)), full((16, _K)), full((16, _K)),
                  full((1, _J)), full((_K, _J))],
        out_specs=[full((32, _J)), full((32, _K))],
        out_shape=[jax.ShapeDtypeStruct((32, _J), f32),
                   jax.ShapeDtypeStruct((32, _K), f32)],
    )(minp, lenp, wpre, jnp.asarray(_TQ2), jnp.asarray(_SEL2))
    ab_t = jnp.pad(ab_t, ((0, 0), (0, 1)))
    hc_t = jnp.pad(hc_t, ((0, 0), (0, 1)))

    sc_call = functools.partial(
        pl.kernel,
        mesh=plsc.VectorSubcoreMesh(core_axis_name="c", subcore_axis_name="s"),
        compiler_params=pltpu.CompilerParams(use_tc_tiling_on_sc=False,
                                             needs_layout_passes=False),
        out_type=jax.ShapeDtypeStruct((bsz,), f32),
        scratch_types=[
            pltpu.VMEM((3, per_w), jnp.int32),
            pltpu.VMEM((32, _J + 1), f32),
            pltpu.VMEM((32, _K + 1), f32),
            pltpu.VMEM((2, 128), f32),
            pltpu.VMEM((per_w,), f32),
        ],
    )(_sc_body)
    return sc_call(inp, ab_t, hc_t, jnp.asarray(_LFP))

# --- scband reference (transcript-rebuilt; emitter-appended) ---
"""Pipeline reference for scband-artifact-spectra-5059471474791 (READ-ONLY COPY).

The authoritative reference and input builder live on the scoring server;
editing this copy changes nothing except your own understanding.
"""

import jax, jax.numpy as jnp
import numpy as np

D = 3  # NUM_DEPTH_BINS = len(DEPTH_CUTOFFS=[10,20]) + 1
V = 5  # len(Variation): SNV, INSERTION, DELETION, BIG_INSERTION, BIG_DELETION
K = 12  # num_components
B = 16384


def uniform_binomial_log_lk(n, k, x1, x2):
    # Compound distribution: f ~ Uniform(x1, x2), count ~ Binomial(n, f).
    # integral_{x1}^{x2} C(n,k) f^k (1-f)^(n-k) df
    #   = [I_{x2}(k+1, n-k+1) - I_{x1}(k+1, n-k+1)] / (n+1)
    # where I is the regularized incomplete beta function. Dividing by the
    # uniform normalization (x2 - x1) gives the likelihood.
    a = k + 1.0
    b = n - k + 1.0
    cdf2 = jax.scipy.special.betainc(a, b, x2)
    cdf1 = jax.scipy.special.betainc(a, b, x1)
    diff = jnp.maximum(cdf2 - cdf1, 1e-30)
    return jnp.log(diff) - jnp.log(n + 1.0) - jnp.log(x2 - x1)


def setup_inputs(seed: int = 0) -> dict:
    key = jax.random.key(seed)
    k1, k2, k3, k4 = jax.random.split(key, 4)
    variant_types_b = jax.random.randint(k1, (B,), 0, V, dtype=jnp.int32)
    depths_b = jax.random.randint(k2, (B,), 1, 100, dtype=jnp.int32)
    u = jax.random.uniform(k3, (B,), dtype=jnp.float32)
    alt_counts_b = jnp.clip((u * (depths_b.astype(jnp.float32) + 1.0)).astype(jnp.int32), 0, depths_b)
    # learned parameters, initialized exactly as in ArtifactSpectra.__init__
    weights_pre_softmax_dvk = jnp.ones((D, V, K), dtype=jnp.float32)
    min_pre_sigmoid_dvk = -10.0 * jnp.ones((D, V, K), dtype=jnp.float32)
    initial_maxima_pre_sigmoid_dvk = -3.0 * jnp.ones((D, V, K), dtype=jnp.float32) + jax.random.uniform(k4, (D, V, K), dtype=jnp.float32)
    lengths_in_logit_space_pre_exp_dvk = jnp.log(initial_maxima_pre_sigmoid_dvk - min_pre_sigmoid_dvk)
    return {
        "variant_types_b": variant_types_b,
        "depths_b": depths_b,
        "alt_counts_b": alt_counts_b,
        "weights_pre_softmax_dvk": weights_pre_softmax_dvk,
        "min_pre_sigmoid_dvk": min_pre_sigmoid_dvk,
        "lengths_in_logit_space_pre_exp_dvk": lengths_in_logit_space_pre_exp_dvk,
    }


def reference(variant_types_b, depths_b, alt_counts_b, weights_pre_softmax_dvk, min_pre_sigmoid_dvk, lengths_in_logit_space_pre_exp_dvk):
    var_types_b = variant_types_b.astype(jnp.int32)
    # depths_to_depth_bins with DEPTH_CUTOFFS = [10, 20]
    depth_bins_b = (depths_b >= 10).astype(jnp.int32) + (depths_b >= 20).astype(jnp.int32)
    # get_minima_and_maxima_dvk
    minima_dvk = jax.nn.sigmoid(min_pre_sigmoid_dvk)
    maxima_dvk = jax.nn.sigmoid(min_pre_sigmoid_dvk + jnp.exp(lengths_in_logit_space_pre_exp_dvk))
    flattened_dv = depth_bins_b * V + var_types_b
    minima_bk = minima_dvk.reshape(-1, K)[flattened_dv]
    maxima_bk = maxima_dvk.reshape(-1, K)[flattened_dv]
    depths_bk = depths_b.reshape(-1, 1).astype(jnp.float32)
    alt_counts_bk = alt_counts_b.reshape(-1, 1).astype(jnp.float32)
    log_lks_bk = uniform_binomial_log_lk(n=depths_bk, k=alt_counts_bk, x1=minima_bk, x2=maxima_bk)
    log_weights_dvk = jax.nn.log_softmax(weights_pre_softmax_dvk, axis=-1)
    log_weights_bk = log_weights_dvk.reshape(-1, K)[flattened_dv]
    weighted_log_lks_bk = log_lks_bk + log_weights_bk
    result_b = jax.scipy.special.logsumexp(weighted_log_lks_bk, axis=-1)
    return result_b

if __name__ == "__main__":
    import jax
    _d = setup_inputs()
    print(jax.jit(kernel)(*tuple(_d.values())))

</pallas_src>

<mosaic_0001>
#map = affine_map<(d0, d1) -> (0, 0)>
#map1 = affine_map<(d0, d1) -> (0)>
module attributes {stable_mosaic.version = 14 : i64} {
  func.func @_sc_body(%arg0: i32, %arg1: i32, %arg2: memref<3x16384xi32, #tpu.memory_space<hbm>>, %arg3: memref<32x97xf32, #tpu.memory_space<hbm>>, %arg4: memref<32x13xf32, #tpu.memory_space<hbm>>, %arg5: memref<2x128xf32, #tpu.memory_space<hbm>>, %arg6: memref<16384xf32, #tpu.memory_space<hbm>>, %arg7: memref<3x512xi32, #tpu.memory_space<vmem>>, %arg8: memref<32x97xf32, #tpu.memory_space<vmem>>, %arg9: memref<32x13xf32, #tpu.memory_space<vmem>>, %arg10: memref<2x128xf32, #tpu.memory_space<vmem>>, %arg11: memref<512xf32, #tpu.memory_space<vmem>>) attributes {dimension_semantics = [#tpu.dimension_semantics<core_parallel>, #tpu.dimension_semantics<subcore_parallel>], iteration_bounds = array<i64: 2, 16>, scalar_prefetch = 0 : i64, scratch_operands = 5 : i64, tpu.core_type = #tpu.core_type<sc_vector_subcore>, window_params = [{transform_indices = #map}, {transform_indices = #map}, {transform_indices = #map}, {transform_indices = #map}, {transform_indices = #map1}]} {
    %mul3A = arith.constant 2 : i32
    %mul3A_0 = arith.muli %arg1, %mul3A : i32
    %add3A = arith.addi %mul3A_0, %arg0 : i32
    %mul3A_1 = arith.constant 512 : i32
    %mul3A_2 = arith.muli %add3A, %mul3A_1 : i32
    "tpu.region"() ({
      %run_scoped3A = tpu.sem_alloc : memref<!tpu.dma_semaphore, #tpu.memory_space<semaphore_mem>>
      %dma_start3A = arith.constant 0 : i32
      %dma_start3A_8 = tpu.memref_slice %arg2[%dma_start3A, %mul3A_2] : memref<3x16384xi32, #tpu.memory_space<hbm>> -> memref<3x512xi32, #tpu.memory_space<hbm>>
      %dma_start3A_9 = arith.constant 0 : i32
      %dma_start3A_10 = tpu.memref_slice %arg2[%dma_start3A_9, %mul3A_2] : memref<3x16384xi32, #tpu.memory_space<hbm>> -> memref<3x512xi32, #tpu.memory_space<hbm>>
      tpu.enqueue_dma source(%dma_start3A_10 : memref<3x512xi32, #tpu.memory_space<hbm>>) target(%arg7 : memref<3x512xi32, #tpu.memory_space<vmem>>) target_semaphore(%run_scoped3A : memref<!tpu.dma_semaphore, #tpu.memory_space<semaphore_mem>>)
      %dma_wait3A = arith.constant 0 : i32
      %dma_wait3A_11 = tpu.memref_slice %arg2[%dma_wait3A, %mul3A_2] : memref<3x16384xi32, #tpu.memory_space<hbm>> -> memref<3x512xi32, #tpu.memory_space<hbm>>
      %dma_wait3A_12 = arith.constant 0 : i32
      %dma_wait3A_13 = tpu.memref_slice %arg2[%dma_wait3A_12, %mul3A_2] : memref<3x16384xi32, #tpu.memory_space<hbm>> -> memref<3x512xi32, #tpu.memory_space<hbm>>
      tpu.wait_dma2 semaphore(%run_scoped3A : memref<!tpu.dma_semaphore, #tpu.memory_space<semaphore_mem>>) src(%dma_wait3A_13 : memref<3x512xi32, #tpu.memory_space<hbm>>) dst(%arg7 : memref<3x512xi32, #tpu.memory_space<vmem>>)
      tpu.yield
    }) : () -> ()
    "tpu.region"() ({
      %run_scoped3A = tpu.sem_alloc : memref<!tpu.dma_semaphore, #tpu.memory_space<semaphore_mem>>
      tpu.enqueue_dma source(%arg3 : memref<32x97xf32, #tpu.memory_space<hbm>>) target(%arg8 : memref<32x97xf32, #tpu.memory_space<vmem>>) target_semaphore(%run_scoped3A : memref<!tpu.dma_semaphore, #tpu.memory_space<semaphore_mem>>)
      tpu.wait_dma2 semaphore(%run_scoped3A : memref<!tpu.dma_semaphore, #tpu.memory_space<semaphore_mem>>) src(%arg3 : memref<32x97xf32, #tpu.memory_space<hbm>>) dst(%arg8 : memref<32x97xf32, #tpu.memory_space<vmem>>)
      tpu.yield
    }) : () -> ()
    "tpu.region"() ({
      %run_scoped3A = tpu.sem_alloc : memref<!tpu.dma_semaphore, #tpu.memory_space<semaphore_mem>>
      tpu.enqueue_dma source(%arg4 : memref<32x13xf32, #tpu.memory_space<hbm>>) target(%arg9 : memref<32x13xf32, #tpu.memory_space<vmem>>) target_semaphore(%run_scoped3A : memref<!tpu.dma_semaphore, #tpu.memory_space<semaphore_mem>>)
      tpu.wait_dma2 semaphore(%run_scoped3A : memref<!tpu.dma_semaphore, #tpu.memory_space<semaphore_mem>>) src(%arg4 : memref<32x13xf32, #tpu.memory_space<hbm>>) dst(%arg9 : memref<32x13xf32, #tpu.memory_space<vmem>>)
      tpu.yield
    }) : () -> ()
    "tpu.region"() ({
      %run_scoped3A = tpu.sem_alloc : memref<!tpu.dma_semaphore, #tpu.memory_space<semaphore_mem>>
      tpu.enqueue_dma source(%arg5 : memref<2x128xf32, #tpu.memory_space<hbm>>) target(%arg10 : memref<2x128xf32, #tpu.memory_space<vmem>>) target_semaphore(%run_scoped3A : memref<!tpu.dma_semaphore, #tpu.memory_space<semaphore_mem>>)
      tpu.wait_dma2 semaphore(%run_scoped3A : memref<!tpu.dma_semaphore, #tpu.memory_space<semaphore_mem>>) src(%arg5 : memref<2x128xf32, #tpu.memory_space<hbm>>) dst(%arg10 : memref<2x128xf32, #tpu.memory_space<vmem>>)
      tpu.yield
    }) : () -> ()
    %scan3A = arith.constant 0 : i32
    %scan3A_3 = arith.constant 0 : i32
    %scan3A_4 = arith.constant 32 : i32
    %scan3A_5 = arith.addi %scan3A_3, %scan3A_4 : i32
    %scan3A_6 = arith.constant 1 : i32
    scf.for %scan3A_8 = %scan3A_3 to %scan3A_5 step %scan3A_6  : i32 {
      %mul3A_9 = arith.constant 16 : i32
      %mul3A_10 = arith.muli %scan3A_8, %mul3A_9 : i32
      %get3A = arith.constant 0 : i32
      %get3A_11 = arith.index_cast %get3A : i32 to index
      %get3A_12 = arith.index_cast %mul3A_10 : i32 to index
      %get3A_13 = tpu.vector_load %arg7[%get3A_11, %get3A_12] {strides = array<i32>} : memref<3x512xi32, #tpu.memory_space<vmem>>, vector<16xi32>,
      %get3A_14 = arith.constant 1 : i32
      %get3A_15 = arith.index_cast %get3A_14 : i32 to index
      %get3A_16 = arith.index_cast %mul3A_10 : i32 to index
      %get3A_17 = tpu.vector_load %arg7[%get3A_15, %get3A_16] {strides = array<i32>} : memref<3x512xi32, #tpu.memory_space<vmem>>, vector<16xi32>,
      %get3A_18 = arith.constant 2 : i32
      %get3A_19 = arith.index_cast %get3A_18 : i32 to index
      %get3A_20 = arith.index_cast %mul3A_10 : i32 to index
      %get3A_21 = tpu.vector_load %arg7[%get3A_19, %get3A_20] {strides = array<i32>} : memref<3x512xi32, #tpu.memory_space<vmem>>, vector<16xi32>,
      %broadcast_in_dim3A = arith.constant 1 : i32
      %broadcast_in_dim3A_22 = vector.broadcast %broadcast_in_dim3A : i32 to vector<16xi32>
      %broadcast_in_dim3A_23 = arith.constant 0 : i32
      %broadcast_in_dim3A_24 = vector.broadcast %broadcast_in_dim3A_23 : i32 to vector<16xi32>
      %ge3A = arith.constant 10 : i32
      %ge3A_25 = vector.broadcast %ge3A : i32 to vector<16xi32>
      %ge3A_26 = arith.cmpi sge, %get3A_17, %ge3A_25 : vector<16xi32>
      %select_n3A = arith.select %ge3A_26, %broadcast_in_dim3A_22, %broadcast_in_dim3A_24 : vector<16xi1>, vector<16xi32>
      %ge3A_27 = arith.constant 20 : i32
      %ge3A_28 = vector.broadcast %ge3A_27 : i32 to vector<16xi32>
      %ge3A_29 = arith.cmpi sge, %get3A_17, %ge3A_28 : vector<16xi32>
      %select_n3A_30 = arith.select %ge3A_29, %broadcast_in_dim3A_22, %broadcast_in_dim3A_24 : vector<16xi1>, vector<16xi32>
      %add3A_31 = arith.addi %select_n3A, %select_n3A_30 : vector<16xi32>
      %mul3A_32 = arith.constant 5 : i32
      %mul3A_33 = vector.broadcast %mul3A_32 : i32 to vector<16xi32>
      %mul3A_34 = arith.muli %add3A_31, %mul3A_33 : vector<16xi32>
      %add3A_35 = arith.addi %mul3A_34, %get3A_13 : vector<16xi32>
      %add3A_36 = arith.constant 16 : i32
      %add3A_37 = vector.broadcast %add3A_36 : i32 to vector<16xi32>
      %add3A_38 = arith.addi %add3A_35, %add3A_37 : vector<16xi32>
      %convert_element_type3A = arith.sitofp %get3A_17 : vector<16xi32> to vector<16xf32>
      %convert_element_type3A_39 = arith.sitofp %get3A_21 : vector<16xi32> to vector<16xf32>
      %gather3A = tpu.vector_load_idx %arg10[%broadcast_in_dim3A_24, %get3A_17] : memref<2x128xf32, #tpu.memory_space<vmem>>[vector<16xi32>, vector<16xi32>], vector<16xf32>,
      %gather3A_40 = tpu.vector_load_idx %arg10[%broadcast_in_dim3A_24, %get3A_21] : memref<2x128xf32, #tpu.memory_space<vmem>>[vector<16xi32>, vector<16xi32>], vector<16xf32>,
      %sub3A = arith.subf %gather3A, %gather3A_40 : vector<16xf32>
      %sub3A_41 = arith.subi %get3A_17, %get3A_21 : vector<16xi32>
      %gather3A_42 = tpu.vector_load_idx %arg10[%broadcast_in_dim3A_24, %sub3A_41] : memref<2x128xf32, #tpu.memory_space<vmem>>[vector<16xi32>, vector<16xi32>], vector<16xf32>,
      %sub3A_43 = arith.subf %sub3A, %gather3A_42 : vector<16xf32>
      %gather3A_44 = tpu.vector_load_idx %arg10[%broadcast_in_dim3A_22, %get3A_17] : memref<2x128xf32, #tpu.memory_space<vmem>>[vector<16xi32>, vector<16xi32>], vector<16xf32>,
      %broadcast_in_dim3A_45 = arith.constant 0.000000e+00 : f32
      %broadcast_in_dim3A_46 = vector.broadcast %broadcast_in_dim3A_45 : f32 to vector<16xf32>
      %broadcast_in_dim3A_47 = arith.constant 0.000000e+00 : f32
      %broadcast_in_dim3A_48 = vector.broadcast %broadcast_in_dim3A_47 : f32 to vector<16xf32>
      %broadcast_in_dim3A_49 = arith.constant 0.000000e+00 : f32
      %broadcast_in_dim3A_50 = vector.broadcast %broadcast_in_dim3A_49 : f32 to vector<16xf32>
      %broadcast_in_dim3A_51 = arith.constant 0.000000e+00 : f32
      %broadcast_in_dim3A_52 = vector.broadcast %broadcast_in_dim3A_51 : f32 to vector<16xf32>
      %broadcast_in_dim3A_53 = arith.constant 0.000000e+00 : f32
      %broadcast_in_dim3A_54 = vector.broadcast %broadcast_in_dim3A_53 : f32 to vector<16xf32>
      %broadcast_in_dim3A_55 = arith.constant 0.000000e+00 : f32
      %broadcast_in_dim3A_56 = vector.broadcast %broadcast_in_dim3A_55 : f32 to vector<16xf32>
      %broadcast_in_dim3A_57 = arith.constant 0.000000e+00 : f32
      %broadcast_in_dim3A_58 = vector.broadcast %broadcast_in_dim3A_57 : f32 to vector<16xf32>
      %broadcast_in_dim3A_59 = arith.constant 0.000000e+00 : f32
      %broadcast_in_dim3A_60 = vector.broadcast %broadcast_in_dim3A_59 : f32 to vector<16xf32>
      %broadcast_in_dim3A_61 = arith.constant 0.000000e+00 : f32
      %broadcast_in_dim3A_62 = vector.broadcast %broadcast_in_dim3A_61 : f32 to vector<16xf32>
      %broadcast_in_dim3A_63 = arith.constant 0.000000e+00 : f32
      %broadcast_in_dim3A_64 = vector.broadcast %broadcast_in_dim3A_63 : f32 to vector<16xf32>
      %broadcast_in_dim3A_65 = arith.constant 0.000000e+00 : f32
      %broadcast_in_dim3A_66 = vector.broadcast %broadcast_in_dim3A_65 : f32 to vector<16xf32>
      %broadcast_in_dim3A_67 = arith.constant 0.000000e+00 : f32
      %broadcast_in_dim3A_68 = vector.broadcast %broadcast_in_dim3A_67 : f32 to vector<16xf32>
      %broadcast_in_dim3A_69 = arith.constant 0 : i32
      %broadcast_in_dim3A_70 = vector.broadcast %broadcast_in_dim3A_69 : i32 to vector<16xi32>
      %gather3A_71 = tpu.vector_load_idx %arg8[%add3A_35, %broadcast_in_dim3A_70] : memref<32x97xf32, #tpu.memory_space<vmem>>[vector<16xi32>, vector<16xi32>], vector<16xf32>,
      %gather3A_72 = tpu.vector_load_idx %arg8[%add3A_38, %broadcast_in_dim3A_70] : memref<32x97xf32, #tpu.memory_space<vmem>>[vector<16xi32>, vector<16xi32>], vector<16xf32>,
      %mul3A_73 = arith.mulf %convert_element_type3A_39, %gather3A_71 : vector<16xf32>
      %mul3A_74 = arith.mulf %convert_element_type3A, %gather3A_72 : vector<16xf32>
      %add3A_75 = arith.addf %mul3A_73, %mul3A_74 : vector<16xf32>
      %add3A_76 = arith.addf %add3A_75, %sub3A_43 : vector<16xf32>
      %exp3A = math.exp %add3A_76 : vector<16xf32>
      %mul3A_77 = arith.constant 0.101228535 : f32
      %mul3A_78 = vector.broadcast %mul3A_77 : f32 to vector<16xf32>
      %mul3A_79 = arith.mulf %mul3A_78, %exp3A : vector<16xf32>
      %add3A_80 = arith.addf %broadcast_in_dim3A_46, %mul3A_79 : vector<16xf32>
      %broadcast_in_dim3A_81 = arith.constant 1 : i32
      %broadcast_in_dim3A_82 = vector.broadcast %broadcast_in_dim3A_81 : i32 to vector<16xi32>
      %gather3A_83 = tpu.vector_load_idx %arg8[%add3A_35, %broadcast_in_dim3A_82] : memref<32x97xf32, #tpu.memory_space<vmem>>[vector<16xi32>, vector<16xi32>], vector<16xf32>,
      %gather3A_84 = tpu.vector_load_idx %arg8[%add3A_38, %broadcast_in_dim3A_82] : memref<32x97xf32, #tpu.memory_space<vmem>>[vector<16xi32>, vector<16xi32>], vector<16xf32>,
      %mul3A_85 = arith.mulf %convert_element_type3A_39, %gather3A_83 : vector<16xf32>
      %mul3A_86 = arith.mulf %convert_element_type3A, %gather3A_84 : vector<16xf32>
      %add3A_87 = arith.addf %mul3A_85, %mul3A_86 : vector<16xf32>
      %add3A_88 = arith.addf %add3A_87, %sub3A_43 : vector<16xf32>
      %exp3A_89 = math.exp %add3A_88 : vector<16xf32>
      %mul3A_90 = arith.constant 0.101228535 : f32
      %mul3A_91 = vector.broadcast %mul3A_90 : f32 to vector<16xf32>
      %mul3A_92 = arith.mulf %mul3A_91, %exp3A_89 : vector<16xf32>
      %add3A_93 = arith.addf %broadcast_in_dim3A_48, %mul3A_92 : vector<16xf32>
      %broadcast_in_dim3A_94 = arith.constant 2 : i32
      %broadcast_in_dim3A_95 = vector.broadcast %broadcast_in_dim3A_94 : i32 to vector<16xi32>
      %gather3A_96 = tpu.vector_load_idx %arg8[%add3A_35, %broadcast_in_dim3A_95] : memref<32x97xf32, #tpu.memory_space<vmem>>[vector<16xi32>, vector<16xi32>], vector<16xf32>,
      %gather3A_97 = tpu.vector_load_idx %arg8[%add3A_38, %broadcast_in_dim3A_95] : memref<32x97xf32, #tpu.memory_space<vmem>>[vector<16xi32>, vector<16xi32>], vector<16xf32>,
      %mul3A_98 = arith.mulf %convert_element_type3A_39, %gather3A_96 : vector<16xf32>
      %mul3A_99 = arith.mulf %convert_element_type3A, %gather3A_97 : vector<16xf32>
      %add3A_100 = arith.addf %mul3A_98, %mul3A_99 : vector<16xf32>
      %add3A_101 = arith.addf %add3A_100, %sub3A_43 : vector<16xf32>
      %exp3A_102 = math.exp %add3A_101 : vector<16xf32>
      %mul3A_103 = arith.constant 0.101228535 : f32
      %mul3A_104 = vector.broadcast %mul3A_103 : f32 to vector<16xf32>
      %mul3A_105 = arith.mulf %mul3A_104, %exp3A_102 : vector<16xf32>
      %add3A_106 = arith.addf %broadcast_in_dim3A_50, %mul3A_105 : vector<16xf32>
      %broadcast_in_dim3A_107 = arith.constant 3 : i32
      %broadcast_in_dim3A_108 = vector.broadcast %broadcast_in_dim3A_107 : i32 to vector<16xi32>
      %gather3A_109 = tpu.vector_load_idx %arg8[%add3A_35, %broadcast_in_dim3A_108] : memref<32x97xf32, #tpu.memory_space<vmem>>[vector<16xi32>, vector<16xi32>], vector<16xf32>,
      %gather3A_110 = tpu.vector_load_idx %arg8[%add3A_38, %broadcast_in_dim3A_108] : memref<32x97xf32, #tpu.memory_space<vmem>>[vector<16xi32>, vector<16xi32>], vector<16xf32>,
      %mul3A_111 = arith.mulf %convert_element_type3A_39, %gather3A_109 : vector<16xf32>
      %mul3A_112 = arith.mulf %convert_element_type3A, %gather3A_110 : vector<16xf32>
      %add3A_113 = arith.addf %mul3A_111, %mul3A_112 : vector<16xf32>
      %add3A_114 = arith.addf %add3A_113, %sub3A_43 : vector<16xf32>
      %exp3A_115 = math.exp %add3A_114 : vector<16xf32>
      %mul3A_116 = arith.constant 0.101228535 : f32
      %mul3A_117 = vector.broadcast %mul3A_116 : f32 to vector<16xf32>
      %mul3A_118 = arith.mulf %mul3A_117, %exp3A_115 : vector<16xf32>
      %add3A_119 = arith.addf %broadcast_in_dim3A_52, %mul3A_118 : vector<16xf32>
      %broadcast_in_dim3A_120 = arith.constant 4 : i32
      %broadcast_in_dim3A_121 = vector.broadcast %broadcast_in_dim3A_120 : i32 to vector<16xi32>
      %gather3A_122 = tpu.vector_load_idx %arg8[%add3A_35, %broadcast_in_dim3A_121] : memref<32x97xf32, #tpu.memory_space<vmem>>[vector<16xi32>, vector<16xi32>], vector<16xf32>,
      %gather3A_123 = tpu.vector_load_idx %arg8[%add3A_38, %broadcast_in_dim3A_121] : memref<32x97xf32, #tpu.memory_space<vmem>>[vector<16xi32>, vector<16xi32>], vector<16xf32>,
      %mul3A_124 = arith.mulf %convert_element_type3A_39, %gather3A_122 : vector<16xf32>
      %mul3A_125 = arith.mulf %convert_element_type3A, %gather3A_123 : vector<16xf32>
      %add3A_126 = arith.addf %mul3A_124, %mul3A_125 : vector<16xf32>
      %add3A_127 = arith.addf %add3A_126, %sub3A_43 : vector<16xf32>
      %exp3A_128 = math.exp %add3A_127 : vector<16xf32>
      %mul3A_129 = arith.constant 0.101228535 : f32
      %mul3A_130 = vector.broadcast %mul3A_129 : f32 to vector<16xf32>
      %mul3A_131 = arith.mulf %mul3A_130, %exp3A_128 : vector<16xf32>
      %add3A_132 = arith.addf %broadcast_in_dim3A_54, %mul3A_131 : vector<16xf32>
      %broadcast_in_dim3A_133 = arith.constant 5 : i32
      %broadcast_in_dim3A_134 = vector.broadcast %broadcast_in_dim3A_133 : i32 to vector<16xi32>
      %gather3A_135 = tpu.vector_load_idx %arg8[%add3A_35, %broadcast_in_dim3A_134] : memref<32x97xf32, #tpu.memory_space<vmem>>[vector<16xi32>, vector<16xi32>], vector<16xf32>,
      %gather3A_136 = tpu.vector_load_idx %arg8[%add3A_38, %broadcast_in_dim3A_134] : memref<32x97xf32, #tpu.memory_space<vmem>>[vector<16xi32>, vector<16xi32>], vector<16xf32>,
      %mul3A_137 = arith.mulf %convert_element_type3A_39, %gather3A_135 : vector<16xf32>
      %mul3A_138 = arith.mulf %convert_element_type3A, %gather3A_136 : vector<16xf32>
      %add3A_139 = arith.addf %mul3A_137, %mul3A_138 : vector<16xf32>
      %add3A_140 = arith.addf %add3A_139, %sub3A_43 : vector<16xf32>
      %exp3A_141 = math.exp %add3A_140 : vector<16xf32>
      %mul3A_142 = arith.constant 0.101228535 : f32
      %mul3A_143 = vector.broadcast %mul3A_142 : f32 to vector<16xf32>
      %mul3A_144 = arith.mulf %mul3A_143, %exp3A_141 : vector<16xf32>
      %add3A_145 = arith.addf %broadcast_in_dim3A_56, %mul3A_144 : vector<16xf32>
      %broadcast_in_dim3A_146 = arith.constant 6 : i32
      %broadcast_in_dim3A_147 = vector.broadcast %broadcast_in_dim3A_146 : i32 to vector<16xi32>
      %gather3A_148 = tpu.vector_load_idx %arg8[%add3A_35, %broadcast_in_dim3A_147] : memref<32x97xf32, #tpu.memory_space<vmem>>[vector<16xi32>, vector<16xi32>], vector<16xf32>,
      %gather3A_149 = tpu.vector_load_idx %arg8[%add3A_38, %broadcast_in_dim3A_147] : memref<32x97xf32, #tpu.memory_space<vmem>>[vector<16xi32>, vector<16xi32>], vector<16xf32>,
      %mul3A_150 = arith.mulf %convert_element_type3A_39, %gather3A_148 : vector<16xf32>
      %mul3A_151 = arith.mulf %convert_element_type3A, %gather3A_149 : vector<16xf32>
      %add3A_152 = arith.addf %mul3A_150, %mul3A_151 : vector<16xf32>
      %add3A_153 = arith.addf %add3A_152, %sub3A_43 : vector<16xf32>
      %exp3A_154 = math.exp %add3A_153 : vector<16xf32>
      %mul3A_155 = arith.constant 0.101228535 : f32
      %mul3A_156 = vector.broadcast %mul3A_155 : f32 to vector<16xf32>
      %mul3A_157 = arith.mulf %mul3A_156, %exp3A_154 : vector<16xf32>
      %add3A_158 = arith.addf %broadcast_in_dim3A_58, %mul3A_157 : vector<16xf32>
      %broadcast_in_dim3A_159 = arith.constant 7 : i32
      %broadcast_in_dim3A_160 = vector.broadcast %broadcast_in_dim3A_159 : i32 to vector<16xi32>
      %gather3A_161 = tpu.vector_load_idx %arg8[%add3A_35, %broadcast_in_dim3A_160] : memref<32x97xf32, #tpu.memory_space<vmem>>[vector<16xi32>, vector<16xi32>], vector<16xf32>,
      %gather3A_162 = tpu.vector_load_idx %arg8[%add3A_38, %broadcast_in_dim3A_160] : memref<32x97xf32, #tpu.memory_space<vmem>>[vector<16xi32>, vector<16xi32>], vector<16xf32>,
      %mul3A_163 = arith.mulf %convert_element_type3A_39, %gather3A_161 : vector<16xf32>
      %mul3A_164 = arith.mulf %convert_element_type3A, %gather3A_162 : vector<16xf32>
      %add3A_165 = arith.addf %mul3A_163, %mul3A_164 : vector<16xf32>
      %add3A_166 = arith.addf %add3A_165, %sub3A_43 : vector<16xf32>
      %exp3A_167 = math.exp %add3A_166 : vector<16xf32>
      %mul3A_168 = arith.constant 0.101228535 : f32
      %mul3A_169 = vector.broadcast %mul3A_168 : f32 to vector<16xf32>
      %mul3A_170 = arith.mulf %mul3A_169, %exp3A_167 : vector<16xf32>
      %add3A_171 = arith.addf %broadcast_in_dim3A_60, %mul3A_170 : vector<16xf32>
      %broadcast_in_dim3A_172 = arith.constant 8 : i32
      %broadcast_in_dim3A_173 = vector.broadcast %broadcast_in_dim3A_172 : i32 to vector<16xi32>
      %gather3A_174 = tpu.vector_load_idx %arg8[%add3A_35, %broadcast_in_dim3A_173] : memref<32x97xf32, #tpu.memory_space<vmem>>[vector<16xi32>, vector<16xi32>], vector<16xf32>,
      %gather3A_175 = tpu.vector_load_idx %arg8[%add3A_38, %broadcast_in_dim3A_173] : memref<32x97xf32, #tpu.memory_space<vmem>>[vector<16xi32>, vector<16xi32>], vector<16xf32>,
      %mul3A_176 = arith.mulf %convert_element_type3A_39, %gather3A_174 : vector<16xf32>
      %mul3A_177 = arith.mulf %convert_element_type3A, %gather3A_175 : vector<16xf32>
      %add3A_178 = arith.addf %mul3A_176, %mul3A_177 : vector<16xf32>
      %add3A_179 = arith.addf %add3A_178, %sub3A_43 : vector<16xf32>
      %exp3A_180 = math.exp %add3A_179 : vector<16xf32>
      %mul3A_181 = arith.constant 0.101228535 : f32
      %mul3A_182 = vector.broadcast %mul3A_181 : f32 to vector<16xf32>
      %mul3A_183 = arith.mulf %mul3A_182, %exp3A_180 : vector<16xf32>
      %add3A_184 = arith.addf %broadcast_in_dim3A_62, %mul3A_183 : vector<16xf32>
      %broadcast_in_dim3A_185 = arith.constant 9 : i32
      %broadcast_in_dim3A_186 = vector.broadcast %broadcast_in_dim3A_185 : i32 to vector<16xi32>
      %gather3A_187 = tpu.vector_load_idx %arg8[%add3A_35, %broadcast_in_dim3A_186] : memref<32x97xf32, #tpu.memory_space<vmem>>[vector<16xi32>, vector<16xi32>], vector<16xf32>,
      %gather3A_188 = tpu.vector_load_idx %arg8[%add3A_38, %broadcast_in_dim3A_186] : memref<32x97xf32, #tpu.memory_space<vmem>>[vector<16xi32>, vector<16xi32>], vector<16xf32>,
      %mul3A_189 = arith.mulf %convert_element_type3A_39, %gather3A_187 : vector<16xf32>
      %mul3A_190 = arith.mulf %convert_element_type3A, %gather3A_188 : vector<16xf32>
      %add3A_191 = arith.addf %mul3A_189, %mul3A_190 : vector<16xf32>
      %add3A_192 = arith.addf %add3A_191, %sub3A_43 : vector<16xf32>
      %exp3A_193 = math.exp %add3A_192 : vector<16xf32>
      %mul3A_194 = arith.constant 0.101228535 : f32
      %mul3A_195 = vector.broadcast %mul3A_194 : f32 to vector<16xf32>
      %mul3A_196 = arith.mulf %mul3A_195, %exp3A_193 : vector<16xf32>
      %add3A_197 = arith.addf %broadcast_in_dim3A_64, %mul3A_196 : vector<16xf32>
      %broadcast_in_dim3A_198 = arith.constant 10 : i32
      %broadcast_in_dim3A_199 = vector.broadcast %broadcast_in_dim3A_198 : i32 to vector<16xi32>
      %gather3A_200 = tpu.vector_load_idx %arg8[%add3A_35, %broadcast_in_dim3A_199] : memref<32x97xf32, #tpu.memory_space<vmem>>[vector<16xi32>, vector<16xi32>], vector<16xf32>,
      %gather3A_201 = tpu.vector_load_idx %arg8[%add3A_38, %broadcast_in_dim3A_199] : memref<32x97xf32, #tpu.memory_space<vmem>>[vector<16xi32>, vector<16xi32>], vector<16xf32>,
      %mul3A_202 = arith.mulf %convert_element_type3A_39, %gather3A_200 : vector<16xf32>
      %mul3A_203 = arith.mulf %convert_element_type3A, %gather3A_201 : vector<16xf32>
      %add3A_204 = arith.addf %mul3A_202, %mul3A_203 : vector<16xf32>
      %add3A_205 = arith.addf %add3A_204, %sub3A_43 : vector<16xf32>
      %exp3A_206 = math.exp %add3A_205 : vector<16xf32>
      %mul3A_207 = arith.constant 0.101228535 : f32
      %mul3A_208 = vector.broadcast %mul3A_207 : f32 to vector<16xf32>
      %mul3A_209 = arith.mulf %mul3A_208, %exp3A_206 : vector<16xf32>
      %add3A_210 = arith.addf %broadcast_in_dim3A_66, %mul3A_209 : vector<16xf32>
      %broadcast_in_dim3A_211 = arith.constant 11 : i32
      %broadcast_in_dim3A_212 = vector.broadcast %broadcast_in_dim3A_211 : i32 to vector<16xi32>
      %gather3A_213 = tpu.vector_load_idx %arg8[%add3A_35, %broadcast_in_dim3A_212] : memref<32x97xf32, #tpu.memory_space<vmem>>[vector<16xi32>, vector<16xi32>], vector<16xf32>,
      %gather3A_214 = tpu.vector_load_idx %arg8[%add3A_38, %broadcast_in_dim3A_212] : memref<32x97xf32, #tpu.memory_space<vmem>>[vector<16xi32>, vector<16xi32>], vector<16xf32>,
      %mul3A_215 = arith.mulf %convert_element_type3A_39, %gather3A_213 : vector<16xf32>
      %mul3A_216 = arith.mulf %convert_element_type3A, %gather3A_214 : vector<16xf32>
      %add3A_217 = arith.addf %mul3A_215, %mul3A_216 : vector<16xf32>
      %add3A_218 = arith.addf %add3A_217, %sub3A_43 : vector<16xf32>
      %exp3A_219 = math.exp %add3A_218 : vector<16xf32>
      %mul3A_220 = arith.constant 0.101228535 : f32
      %mul3A_221 = vector.broadcast %mul3A_220 : f32 to vector<16xf32>
      %mul3A_222 = arith.mulf %mul3A_221, %exp3A_219 : vector<16xf32>
      %add3A_223 = arith.addf %broadcast_in_dim3A_68, %mul3A_222 : vector<16xf32>
      %broadcast_in_dim3A_224 = arith.constant 12 : i32
      %broadcast_in_dim3A_225 = vector.broadcast %broadcast_in_dim3A_224 : i32 to vector<16xi32>
      %gather3A_226 = tpu.vector_load_idx %arg8[%add3A_35, %broadcast_in_dim3A_225] : memref<32x97xf32, #tpu.memory_space<vmem>>[vector<16xi32>, vector<16xi32>], vector<16xf32>,
      %gather3A_227 = tpu.vector_load_idx %arg8[%add3A_38, %broadcast_in_dim3A_225] : memref<32x97xf32, #tpu.memory_space<vmem>>[vector<16xi32>, vector<16xi32>], vector<16xf32>,
      %mul3A_228 = arith.mulf %convert_element_type3A_39, %gather3A_226 : vector<16xf32>
      %mul3A_229 = arith.mulf %convert_element_type3A, %gather3A_227 : vector<16xf32>
      %add3A_230 = arith.addf %mul3A_228, %mul3A_229 : vector<16xf32>
      %add3A_231 = arith.addf %add3A_230, %sub3A_43 : vector<16xf32>
      %exp3A_232 = math.exp %add3A_231 : vector<16xf32>
      %mul3A_233 = arith.constant 0.22238104 : f32
      %mul3A_234 = vector.broadcast %mul3A_233 : f32 to vector<16xf32>
      %mul3A_235 = arith.mulf %mul3A_234, %exp3A_232 : vector<16xf32>
      %add3A_236 = arith.addf %add3A_80, %mul3A_235 : vector<16xf32>
      %broadcast_in_dim3A_237 = arith.constant 13 : i32
      %broadcast_in_dim3A_238 = vector.broadcast %broadcast_in_dim3A_237 : i32 to vector<16xi32>
      %gather3A_239 = tpu.vector_load_idx %arg8[%add3A_35, %broadcast_in_dim3A_238] : memref<32x97xf32, #tpu.memory_space<vmem>>[vector<16xi32>, vector<16xi32>], vector<16xf32>,
      %gather3A_240 = tpu.vector_load_idx %arg8[%add3A_38, %broadcast_in_dim3A_238] : memref<32x97xf32, #tpu.memory_space<vmem>>[vector<16xi32>, vector<16xi32>], vector<16xf32>,
      %mul3A_241 = arith.mulf %convert_element_type3A_39, %gather3A_239 : vector<16xf32>
      %mul3A_242 = arith.mulf %convert_element_type3A, %gather3A_240 : vector<16xf32>
      %add3A_243 = arith.addf %mul3A_241, %mul3A_242 : vector<16xf32>
      %add3A_244 = arith.addf %add3A_243, %sub3A_43 : vector<16xf32>
      %exp3A_245 = math.exp %add3A_244 : vector<16xf32>
      %mul3A_246 = arith.constant 0.22238104 : f32
      %mul3A_247 = vector.broadcast %mul3A_246 : f32 to vector<16xf32>
      %mul3A_248 = arith.mulf %mul3A_247, %exp3A_245 : vector<16xf32>
      %add3A_249 = arith.addf %add3A_93, %mul3A_248 : vector<16xf32>
      %broadcast_in_dim3A_250 = arith.constant 14 : i32
      %broadcast_in_dim3A_251 = vector.broadcast %broadcast_in_dim3A_250 : i32 to vector<16xi32>
      %gather3A_252 = tpu.vector_load_idx %arg8[%add3A_35, %broadcast_in_dim3A_251] : memref<32x97xf32, #tpu.memory_space<vmem>>[vector<16xi32>, vector<16xi32>], vector<16xf32>,
      %gather3A_253 = tpu.vector_load_idx %arg8[%add3A_38, %broadcast_in_dim3A_251] : memref<32x97xf32, #tpu.memory_space<vmem>>[vector<16xi32>, vector<16xi32>], vector<16xf32>,
      %mul3A_254 = arith.mulf %convert_element_type3A_39, %gather3A_252 : vector<16xf32>
      %mul3A_255 = arith.mulf %convert_element_type3A, %gather3A_253 : vector<16xf32>
      %add3A_256 = arith.addf %mul3A_254, %mul3A_255 : vector<16xf32>
      %add3A_257 = arith.addf %add3A_256, %sub3A_43 : vector<16xf32>
      %exp3A_258 = math.exp %add3A_257 : vector<16xf32>
      %mul3A_259 = arith.constant 0.22238104 : f32
      %mul3A_260 = vector.broadcast %mul3A_259 : f32 to vector<16xf32>
      %mul3A_261 = arith.mulf %mul3A_260, %exp3A_258 : vector<16xf32>
      %add3A_262 = arith.addf %add3A_106, %mul3A_261 : vector<16xf32>
      %broadcast_in_dim3A_263 = arith.constant 15 : i32
      %broadcast_in_dim3A_264 = vector.broadcast %broadcast_in_dim3A_263 : i32 to vector<16xi32>
      %gather3A_265 = tpu.vector_load_idx %arg8[%add3A_35, %broadcast_in_dim3A_264] : memref<32x97xf32, #tpu.memory_space<vmem>>[vector<16xi32>, vector<16xi32>], vector<16xf32>,
      %gather3A_266 = tpu.vector_load_idx %arg8[%add3A_38, %broadcast_in_dim3A_264] : memref<32x97xf32, #tpu.memory_space<vmem>>[vector<16xi32>, vector<16xi32>], vector<16xf32>,
      %mul3A_267 = arith.mulf %convert_element_type3A_39, %gather3A_265 : vector<16xf32>
      %mul3A_268 = arith.mulf %convert_element_type3A, %gather3A_266 : vector<16xf32>
      %add3A_269 = arith.addf %mul3A_267, %mul3A_268 : vector<16xf32>
      %add3A_270 = arith.addf %add3A_269, %sub3A_43 : vector<16xf32>
      %exp3A_271 = math.exp %add3A_270 : vector<16xf32>
      %mul3A_272 = arith.constant 0.22238104 : f32
      %mul3A_273 = vector.broadcast %mul3A_272 : f32 to vector<16xf32>
      %mul3A_274 = arith.mulf %mul3A_273, %exp3A_271 : vector<16xf32>
      %add3A_275 = arith.addf %add3A_119, %mul3A_274 : vector<16xf32>
      %broadcast_in_dim3A_276 = arith.constant 16 : i32
      %broadcast_in_dim3A_277 = vector.broadcast %broadcast_in_dim3A_276 : i32 to vector<16xi32>
      %gather3A_278 = tpu.vector_load_idx %arg8[%add3A_35, %broadcast_in_dim3A_277] : memref<32x97xf32, #tpu.memory_space<vmem>>[vector<16xi32>, vector<16xi32>], vector<16xf32>,
      %gather3A_279 = tpu.vector_load_idx %arg8[%add3A_38, %broadcast_in_dim3A_277] : memref<32x97xf32, #tpu.memory_space<vmem>>[vector<16xi32>, vector<16xi32>], vector<16xf32>,
      %mul3A_280 = arith.mulf %convert_element_type3A_39, %gather3A_278 : vector<16xf32>
      %mul3A_281 = arith.mulf %convert_element_type3A, %gather3A_279 : vector<16xf32>
      %add3A_282 = arith.addf %mul3A_280, %mul3A_281 : vector<16xf32>
      %add3A_283 = arith.addf %add3A_282, %sub3A_43 : vector<16xf32>
      %exp3A_284 = math.exp %add3A_283 : vector<16xf32>
      %mul3A_285 = arith.constant 0.22238104 : f32
      %mul3A_286 = vector.broadcast %mul3A_285 : f32 to vector<16xf32>
      %mul3A_287 = arith.mulf %mul3A_286, %exp3A_284 : vector<16xf32>
      %add3A_288 = arith.addf %add3A_132, %mul3A_287 : vector<16xf32>
      %broadcast_in_dim3A_289 = arith.constant 17 : i32
      %broadcast_in_dim3A_290 = vector.broadcast %broadcast_in_dim3A_289 : i32 to vector<16xi32>
      %gather3A_291 = tpu.vector_load_idx %arg8[%add3A_35, %broadcast_in_dim3A_290] : memref<32x97xf32, #tpu.memory_space<vmem>>[vector<16xi32>, vector<16xi32>], vector<16xf32>,
      %gather3A_292 = tpu.vector_load_idx %arg8[%add3A_38, %broadcast_in_dim3A_290] : memref<32x97xf32, #tpu.memory_space<vmem>>[vector<16xi32>, vector<16xi32>], vector<16xf32>,
      %mul3A_293 = arith.mulf %convert_element_type3A_39, %gather3A_291 : vector<16xf32>
      %mul3A_294 = arith.mulf %convert_element_type3A, %gather3A_292 : vector<16xf32>
      %add3A_295 = arith.addf %mul3A_293, %mul3A_294 : vector<16xf32>
      %add3A_296 = arith.addf %add3A_295, %sub3A_43 : vector<16xf32>
      %exp3A_297 = math.exp %add3A_296 : vector<16xf32>
      %mul3A_298 = arith.constant 0.22238104 : f32
      %mul3A_299 = vector.broadcast %mul3A_298 : f32 to vector<16xf32>
      %mul3A_300 = arith.mulf %mul3A_299, %exp3A_297 : vector<16xf32>
      %add3A_301 = arith.addf %add3A_145, %mul3A_300 : vector<16xf32>
      %broadcast_in_dim3A_302 = arith.constant 18 : i32
      %broadcast_in_dim3A_303 = vector.broadcast %broadcast_in_dim3A_302 : i32 to vector<16xi32>
      %gather3A_304 = tpu.vector_load_idx %arg8[%add3A_35, %broadcast_in_dim3A_303] : memref<32x97xf32, #tpu.memory_space<vmem>>[vector<16xi32>, vector<16xi32>], vector<16xf32>,
      %gather3A_305 = tpu.vector_load_idx %arg8[%add3A_38, %broadcast_in_dim3A_303] : memref<32x97xf32, #tpu.memory_space<vmem>>[vector<16xi32>, vector<16xi32>], vector<16xf32>,
      %mul3A_306 = arith.mulf %convert_element_type3A_39, %gather3A_304 : vector<16xf32>
      %mul3A_307 = arith.mulf %convert_element_type3A, %gather3A_305 : vector<16xf32>
      %add3A_308 = arith.addf %mul3A_306, %mul3A_307 : vector<16xf32>
      %add3A_309 = arith.addf %add3A_308, %sub3A_43 : vector<16xf32>
      %exp3A_310 = math.exp %add3A_309 : vector<16xf32>
      %mul3A_311 = arith.constant 0.22238104 : f32
      %mul3A_312 = vector.broadcast %mul3A_311 : f32 to vector<16xf32>
      %mul3A_313 = arith.mulf %mul3A_312, %exp3A_310 : vector<16xf32>
      %add3A_314 = arith.addf %add3A_158, %mul3A_313 : vector<16xf32>
      %broadcast_in_dim3A_315 = arith.constant 19 : i32
      %broadcast_in_dim3A_316 = vector.broadcast %broadcast_in_dim3A_315 : i32 to vector<16xi32>
      %gather3A_317 = tpu.vector_load_idx %arg8[%add3A_35, %broadcast_in_dim3A_316] : memref<32x97xf32, #tpu.memory_space<vmem>>[vector<16xi32>, vector<16xi32>], vector<16xf32>,
      %gather3A_318 = tpu.vector_load_idx %arg8[%add3A_38, %broadcast_in_dim3A_316] : memref<32x97xf32, #tpu.memory_space<vmem>>[vector<16xi32>, vector<16xi32>], vector<16xf32>,
      %mul3A_319 = arith.mulf %convert_element_type3A_39, %gather3A_317 : vector<16xf32>
      %mul3A_320 = arith.mulf %convert_element_type3A, %gather3A_318 : vector<16xf32>
      %add3A_321 = arith.addf %mul3A_319, %mul3A_320 : vector<16xf32>
      %add3A_322 = arith.addf %add3A_321, %sub3A_43 : vector<16xf32>
      %exp3A_323 = math.exp %add3A_322 : vector<16xf32>
      %mul3A_324 = arith.constant 0.22238104 : f32
      %mul3A_325 = vector.broadcast %mul3A_324 : f32 to vector<16xf32>
      %mul3A_326 = arith.mulf %mul3A_325, %exp3A_323 : vector<16xf32>
      %add3A_327 = arith.addf %add3A_171, %mul3A_326 : vector<16xf32>
      %broadcast_in_dim3A_328 = arith.constant 20 : i32
      %broadcast_in_dim3A_329 = vector.broadcast %broadcast_in_dim3A_328 : i32 to vector<16xi32>
      %gather3A_330 = tpu.vector_load_idx %arg8[%add3A_35, %broadcast_in_dim3A_329] : memref<32x97xf32, #tpu.memory_space<vmem>>[vector<16xi32>, vector<16xi32>], vector<16xf32>,
      %gather3A_331 = tpu.vector_load_idx %arg8[%add3A_38, %broadcast_in_dim3A_329] : memref<32x97xf32, #tpu.memory_space<vmem>>[vector<16xi32>, vector<16xi32>], vector<16xf32>,
      %mul3A_332 = arith.mulf %convert_element_type3A_39, %gather3A_330 : vector<16xf32>
      %mul3A_333 = arith.mulf %convert_element_type3A, %gather3A_331 : vector<16xf32>
      %add3A_334 = arith.addf %mul3A_332, %mul3A_333 : vector<16xf32>
      %add3A_335 = arith.addf %add3A_334, %sub3A_43 : vector<16xf32>
      %exp3A_336 = math.exp %add3A_335 : vector<16xf32>
      %mul3A_337 = arith.constant 0.22238104 : f32
      %mul3A_338 = vector.broadcast %mul3A_337 : f32 to vector<16xf32>
      %mul3A_339 = arith.mulf %mul3A_338, %exp3A_336 : vector<16xf32>
      %add3A_340 = arith.addf %add3A_184, %mul3A_339 : vector<16xf32>
      %broadcast_in_dim3A_341 = arith.constant 21 : i32
      %broadcast_in_dim3A_342 = vector.broadcast %broadcast_in_dim3A_341 : i32 to vector<16xi32>
      %gather3A_343 = tpu.vector_load_idx %arg8[%add3A_35, %broadcast_in_dim3A_342] : memref<32x97xf32, #tpu.memory_space<vmem>>[vector<16xi32>, vector<16xi32>], vector<16xf32>,
      %gather3A_344 = tpu.vector_load_idx %arg8[%add3A_38, %broadcast_in_dim3A_342] : memref<32x97xf32, #tpu.memory_space<vmem>>[vector<16xi32>, vector<16xi32>], vector<16xf32>,
      %mul3A_345 = arith.mulf %convert_element_type3A_39, %gather3A_343 : vector<16xf32>
      %mul3A_346 = arith.mulf %convert_element_type3A, %gather3A_344 : vector<16xf32>
      %add3A_347 = arith.addf %mul3A_345, %mul3A_346 : vector<16xf32>
      %add3A_348 = arith.addf %add3A_347, %sub3A_43 : vector<16xf32>
      %exp3A_349 = math.exp %add3A_348 : vector<16xf32>
      %mul3A_350 = arith.constant 0.22238104 : f32
      %mul3A_351 = vector.broadcast %mul3A_350 : f32 to vector<16xf32>
      %mul3A_352 = arith.mulf %mul3A_351, %exp3A_349 : vector<16xf32>
      %add3A_353 = arith.addf %add3A_197, %mul3A_352 : vector<16xf32>
      %broadcast_in_dim3A_354 = arith.constant 22 : i32
      %broadcast_in_dim3A_355 = vector.broadcast %broadcast_in_dim3A_354 : i32 to vector<16xi32>
      %gather3A_356 = tpu.vector_load_idx %arg8[%add3A_35, %broadcast_in_dim3A_355] : memref<32x97xf32, #tpu.memory_space<vmem>>[vector<16xi32>, vector<16xi32>], vector<16xf32>,
      %gather3A_357 = tpu.vector_load_idx %arg8[%add3A_38, %broadcast_in_dim3A_355] : memref<32x97xf32, #tpu.memory_space<vmem>>[vector<16xi32>, vector<16xi32>], vector<16xf32>,
      %mul3A_358 = arith.mulf %convert_element_type3A_39, %gather3A_356 : vector<16xf32>
      %mul3A_359 = arith.mulf %convert_element_type3A, %gather3A_357 : vector<16xf32>
      %add3A_360 = arith.addf %mul3A_358, %mul3A_359 : vector<16xf32>
      %add3A_361 = arith.addf %add3A_360, %sub3A_43 : vector<16xf32>
      %exp3A_362 = math.exp %add3A_361 : vector<16xf32>
      %mul3A_363 = arith.constant 0.22238104 : f32
      %mul3A_364 = vector.broadcast %mul3A_363 : f32 to vector<16xf32>
      %mul3A_365 = arith.mulf %mul3A_364, %exp3A_362 : vector<16xf32>
      %add3A_366 = arith.addf %add3A_210, %mul3A_365 : vector<16xf32>
      %broadcast_in_dim3A_367 = arith.constant 23 : i32
      %broadcast_in_dim3A_368 = vector.broadcast %broadcast_in_dim3A_367 : i32 to vector<16xi32>
      %gather3A_369 = tpu.vector_load_idx %arg8[%add3A_35, %broadcast_in_dim3A_368] : memref<32x97xf32, #tpu.memory_space<vmem>>[vector<16xi32>, vector<16xi32>], vector<16xf32>,
      %gather3A_370 = tpu.vector_load_idx %arg8[%add3A_38, %broadcast_in_dim3A_368] : memref<32x97xf32, #tpu.memory_space<vmem>>[vector<16xi32>, vector<16xi32>], vector<16xf32>,
      %mul3A_371 = arith.mulf %convert_element_type3A_39, %gather3A_369 : vector<16xf32>
      %mul3A_372 = arith.mulf %convert_element_type3A, %gather3A_370 : vector<16xf32>
      %add3A_373 = arith.addf %mul3A_371, %mul3A_372 : vector<16xf32>
      %add3A_374 = arith.addf %add3A_373, %sub3A_43 : vector<16xf32>
      %exp3A_375 = math.exp %add3A_374 : vector<16xf32>
      %mul3A_376 = arith.constant 0.22238104 : f32
      %mul3A_377 = vector.broadcast %mul3A_376 : f32 to vector<16xf32>
      %mul3A_378 = arith.mulf %mul3A_377, %exp3A_375 : vector<16xf32>
      %add3A_379 = arith.addf %add3A_223, %mul3A_378 : vector<16xf32>
      %broadcast_in_dim3A_380 = arith.constant 24 : i32
      %broadcast_in_dim3A_381 = vector.broadcast %broadcast_in_dim3A_380 : i32 to vector<16xi32>
      %gather3A_382 = tpu.vector_load_idx %arg8[%add3A_35, %broadcast_in_dim3A_381] : memref<32x97xf32, #tpu.memory_space<vmem>>[vector<16xi32>, vector<16xi32>], vector<16xf32>,
      %gather3A_383 = tpu.vector_load_idx %arg8[%add3A_38, %broadcast_in_dim3A_381] : memref<32x97xf32, #tpu.memory_space<vmem>>[vector<16xi32>, vector<16xi32>], vector<16xf32>,
      %mul3A_384 = arith.mulf %convert_element_type3A_39, %gather3A_382 : vector<16xf32>
      %mul3A_385 = arith.mulf %convert_element_type3A, %gather3A_383 : vector<16xf32>
      %add3A_386 = arith.addf %mul3A_384, %mul3A_385 : vector<16xf32>
      %add3A_387 = arith.addf %add3A_386, %sub3A_43 : vector<16xf32>
      %exp3A_388 = math.exp %add3A_387 : vector<16xf32>
      %mul3A_389 = arith.constant 0.313706636 : f32
      %mul3A_390 = vector.broadcast %mul3A_389 : f32 to vector<16xf32>
      %mul3A_391 = arith.mulf %mul3A_390, %exp3A_388 : vector<16xf32>
      %add3A_392 = arith.addf %add3A_236, %mul3A_391 : vector<16xf32>
      %broadcast_in_dim3A_393 = arith.constant 25 : i32
      %broadcast_in_dim3A_394 = vector.broadcast %broadcast_in_dim3A_393 : i32 to vector<16xi32>
      %gather3A_395 = tpu.vector_load_idx %arg8[%add3A_35, %broadcast_in_dim3A_394] : memref<32x97xf32, #tpu.memory_space<vmem>>[vector<16xi32>, vector<16xi32>], vector<16xf32>,
      %gather3A_396 = tpu.vector_load_idx %arg8[%add3A_38, %broadcast_in_dim3A_394] : memref<32x97xf32, #tpu.memory_space<vmem>>[vector<16xi32>, vector<16xi32>], vector<16xf32>,
      %mul3A_397 = arith.mulf %convert_element_type3A_39, %gather3A_395 : vector<16xf32>
      %mul3A_398 = arith.mulf %convert_element_type3A, %gather3A_396 : vector<16xf32>
      %add3A_399 = arith.addf %mul3A_397, %mul3A_398 : vector<16xf32>
      %add3A_400 = arith.addf %add3A_399, %sub3A_43 : vector<16xf32>
      %exp3A_401 = math.exp %add3A_400 : vector<16xf32>
      %mul3A_402 = arith.constant 0.313706636 : f32
      %mul3A_403 = vector.broadcast %mul3A_402 : f32 to vector<16xf32>
      %mul3A_404 = arith.mulf %mul3A_403, %exp3A_401 : vector<16xf32>
      %add3A_405 = arith.addf %add3A_249, %mul3A_404 : vector<16xf32>
      %broadcast_in_dim3A_406 = arith.constant 26 : i32
      %broadcast_in_dim3A_407 = vector.broadcast %broadcast_in_dim3A_406 : i32 to vector<16xi32>
      %gather3A_408 = tpu.vector_load_idx %arg8[%add3A_35, %broadcast_in_dim3A_407] : memref<32x97xf32, #tpu.memory_space<vmem>>[vector<16xi32>, vector<16xi32>], vector<16xf32>,
      %gather3A_409 = tpu.vector_load_idx %arg8[%add3A_38, %broadcast_in_dim3A_407] : memref<32x97xf32, #tpu.memory_space<vmem>>[vector<16xi32>, vector<16xi32>], vector<16xf32>,
      %mul3A_410 = arith.mulf %convert_element_type3A_39, %gather3A_408 : vector<16xf32>
      %mul3A_411 = arith.mulf %convert_element_type3A, %gather3A_409 : vector<16xf32>
      %add3A_412 = arith.addf %mul3A_410, %mul3A_411 : vector<16xf32>
      %add3A_413 = arith.addf %add3A_412, %sub3A_43 : vector<16xf32>
      %exp3A_414 = math.exp %add3A_413 : vector<16xf32>
      %mul3A_415 = arith.constant 0.313706636 : f32
      %mul3A_416 = vector.broadcast %mul3A_415 : f32 to vector<16xf32>
      %mul3A_417 = arith.mulf %mul3A_416, %exp3A_414 : vector<16xf32>
      %add3A_418 = arith.addf %add3A_262, %mul3A_417 : vector<16xf32>
      %broadcast_in_dim3A_419 = arith.constant 27 : i32
      %broadcast_in_dim3A_420 = vector.broadcast %broadcast_in_dim3A_419 : i32 to vector<16xi32>
      %gather3A_421 = tpu.vector_load_idx %arg8[%add3A_35, %broadcast_in_dim3A_420] : memref<32x97xf32, #tpu.memory_space<vmem>>[vector<16xi32>, vector<16xi32>], vector<16xf32>,
      %gather3A_422 = tpu.vector_load_idx %arg8[%add3A_38, %broadcast_in_dim3A_420] : memref<32x97xf32, #tpu.memory_space<vmem>>[vector<16xi32>, vector<16xi32>], vector<16xf32>,
      %mul3A_423 = arith.mulf %convert_element_type3A_39, %gather3A_421 : vector<16xf32>
      %mul3A_424 = arith.mulf %convert_element_type3A, %gather3A_422 : vector<16xf32>
      %add3A_425 = arith.addf %mul3A_423, %mul3A_424 : vector<16xf32>
      %add3A_426 = arith.addf %add3A_425, %sub3A_43 : vector<16xf32>
      %exp3A_427 = math.exp %add3A_426 : vector<16xf32>
      %mul3A_428 = arith.constant 0.313706636 : f32
      %mul3A_429 = vector.broadcast %mul3A_428 : f32 to vector<16xf32>
      %mul3A_430 = arith.mulf %mul3A_429, %exp3A_427 : vector<16xf32>
      %add3A_431 = arith.addf %add3A_275, %mul3A_430 : vector<16xf32>
      %broadcast_in_dim3A_432 = arith.constant 28 : i32
      %broadcast_in_dim3A_433 = vector.broadcast %broadcast_in_dim3A_432 : i32 to vector<16xi32>
      %gather3A_434 = tpu.vector_load_idx %arg8[%add3A_35, %broadcast_in_dim3A_433] : memref<32x97xf32, #tpu.memory_space<vmem>>[vector<16xi32>, vector<16xi32>], vector<16xf32>,
      %gather3A_435 = tpu.vector_load_idx %arg8[%add3A_38, %broadcast_in_dim3A_433] : memref<32x97xf32, #tpu.memory_space<vmem>>[vector<16xi32>, vector<16xi32>], vector<16xf32>,
      %mul3A_436 = arith.mulf %convert_element_type3A_39, %gather3A_434 : vector<16xf32>
      %mul3A_437 = arith.mulf %convert_element_type3A, %gather3A_435 : vector<16xf32>
      %add3A_438 = arith.addf %mul3A_436, %mul3A_437 : vector<16xf32>
      %add3A_439 = arith.addf %add3A_438, %sub3A_43 : vector<16xf32>
      %exp3A_440 = math.exp %add3A_439 : vector<16xf32>
      %mul3A_441 = arith.constant 0.313706636 : f32
      %mul3A_442 = vector.broadcast %mul3A_441 : f32 to vector<16xf32>
      %mul3A_443 = arith.mulf %mul3A_442, %exp3A_440 : vector<16xf32>
      %add3A_444 = arith.addf %add3A_288, %mul3A_443 : vector<16xf32>
      %broadcast_in_dim3A_445 = arith.constant 29 : i32
      %broadcast_in_dim3A_446 = vector.broadcast %broadcast_in_dim3A_445 : i32 to vector<16xi32>
      %gather3A_447 = tpu.vector_load_idx %arg8[%add3A_35, %broadcast_in_dim3A_446] : memref<32x97xf32, #tpu.memory_space<vmem>>[vector<16xi32>, vector<16xi32>], vector<16xf32>,
      %gather3A_448 = tpu.vector_load_idx %arg8[%add3A_38, %broadcast_in_dim3A_446] : memref<32x97xf32, #tpu.memory_space<vmem>>[vector<16xi32>, vector<16xi32>], vector<16xf32>,
      %mul3A_449 = arith.mulf %convert_element_type3A_39, %gather3A_447 : vector<16xf32>
      %mul3A_450 = arith.mulf %convert_element_type3A, %gather3A_448 : vector<16xf32>
      %add3A_451 = arith.addf %mul3A_449, %mul3A_450 : vector<16xf32>
      %add3A_452 = arith.addf %add3A_451, %sub3A_43 : vector<16xf32>
      %exp3A_453 = math.exp %add3A_452 : vector<16xf32>
      %mul3A_454 = arith.constant 0.313706636 : f32
      %mul3A_455 = vector.broadcast %mul3A_454 : f32 to vector<16xf32>
      %mul3A_456 = arith.mulf %mul3A_455, %exp3A_453 : vector<16xf32>
      %add3A_457 = arith.addf %add3A_301, %mul3A_456 : vector<16xf32>
      %broadcast_in_dim3A_458 = arith.constant 30 : i32
      %broadcast_in_dim3A_459 = vector.broadcast %broadcast_in_dim3A_458 : i32 to vector<16xi32>
      %gather3A_460 = tpu.vector_load_idx %arg8[%add3A_35, %broadcast_in_dim3A_459] : memref<32x97xf32, #tpu.memory_space<vmem>>[vector<16xi32>, vector<16xi32>], vector<16xf32>,
      %gather3A_461 = tpu.vector_load_idx %arg8[%add3A_38, %broadcast_in_dim3A_459] : memref<32x97xf32, #tpu.memory_space<vmem>>[vector<16xi32>, vector<16xi32>], vector<16xf32>,
      %mul3A_462 = arith.mulf %convert_element_type3A_39, %gather3A_460 : vector<16xf32>
      %mul3A_463 = arith.mulf %convert_element_type3A, %gather3A_461 : vector<16xf32>
      %add3A_464 = arith.addf %mul3A_462, %mul3A_463 : vector<16xf32>
      %add3A_465 = arith.addf %add3A_464, %sub3A_43 : vector<16xf32>
      %exp3A_466 = math.exp %add3A_465 : vector<16xf32>
      %mul3A_467 = arith.constant 0.313706636 : f32
      %mul3A_468 = vector.broadcast %mul3A_467 : f32 to vector<16xf32>
      %mul3A_469 = arith.mulf %mul3A_468, %exp3A_466 : vector<16xf32>
      %add3A_470 = arith.addf %add3A_314, %mul3A_469 : vector<16xf32>
      %broadcast_in_dim3A_471 = arith.constant 31 : i32
      %broadcast_in_dim3A_472 = vector.broadcast %broadcast_in_dim3A_471 : i32 to vector<16xi32>
      %gather3A_473 = tpu.vector_load_idx %arg8[%add3A_35, %broadcast_in_dim3A_472] : memref<32x97xf32, #tpu.memory_space<vmem>>[vector<16xi32>, vector<16xi32>], vector<16xf32>,
      %gather3A_474 = tpu.vector_load_idx %arg8[%add3A_38, %broadcast_in_dim3A_472] : memref<32x97xf32, #tpu.memory_space<vmem>>[vector<16xi32>, vector<16xi32>], vector<16xf32>,
      %mul3A_475 = arith.mulf %convert_element_type3A_39, %gather3A_473 : vector<16xf32>
      %mul3A_476 = arith.mulf %convert_element_type3A, %gather3A_474 : vector<16xf32>
      %add3A_477 = arith.addf %mul3A_475, %mul3A_476 : vector<16xf32>
      %add3A_478 = arith.addf %add3A_477, %sub3A_43 : vector<16xf32>
      %exp3A_479 = math.exp %add3A_478 : vector<16xf32>
      %mul3A_480 = arith.constant 0.313706636 : f32
      %mul3A_481 = vector.broadcast %mul3A_480 : f32 to vector<16xf32>
      %mul3A_482 = arith.mulf %mul3A_481, %exp3A_479 : vector<16xf32>
      %add3A_483 = arith.addf %add3A_327, %mul3A_482 : vector<16xf32>
      %broadcast_in_dim3A_484 = arith.constant 32 : i32
      %broadcast_in_dim3A_485 = vector.broadcast %broadcast_in_dim3A_484 : i32 to vector<16xi32>
      %gather3A_486 = tpu.vector_load_idx %arg8[%add3A_35, %broadcast_in_dim3A_485] : memref<32x97xf32, #tpu.memory_space<vmem>>[vector<16xi32>, vector<16xi32>], vector<16xf32>,
      %gather3A_487 = tpu.vector_load_idx %arg8[%add3A_38, %broadcast_in_dim3A_485] : memref<32x97xf32, #tpu.memory_space<vmem>>[vector<16xi32>, vector<16xi32>], vector<16xf32>,
      %mul3A_488 = arith.mulf %convert_element_type3A_39, %gather3A_486 : vector<16xf32>
      %mul3A_489 = arith.mulf %convert_element_type3A, %gather3A_487 : vector<16xf32>
      %add3A_490 = arith.addf %mul3A_488, %mul3A_489 : vector<16xf32>
      %add3A_491 = arith.addf %add3A_490, %sub3A_43 : vector<16xf32>
      %exp3A_492 = math.exp %add3A_491 : vector<16xf32>
      %mul3A_493 = arith.constant 0.313706636 : f32
      %mul3A_494 = vector.broadcast %mul3A_493 : f32 to vector<16xf32>
      %mul3A_495 = arith.mulf %mul3A_494, %exp3A_492 : vector<16xf32>
      %add3A_496 = arith.addf %add3A_340, %mul3A_495 : vector<16xf32>
      %broadcast_in_dim3A_497 = arith.constant 33 : i32
      %broadcast_in_dim3A_498 = vector.broadcast %broadcast_in_dim3A_497 : i32 to vector<16xi32>
      %gather3A_499 = tpu.vector_load_idx %arg8[%add3A_35, %broadcast_in_dim3A_498] : memref<32x97xf32, #tpu.memory_space<vmem>>[vector<16xi32>, vector<16xi32>], vector<16xf32>,
      %gather3A_500 = tpu.vector_load_idx %arg8[%add3A_38, %broadcast_in_dim3A_498] : memref<32x97xf32, #tpu.memory_space<vmem>>[vector<16xi32>, vector<16xi32>], vector<16xf32>,
      %mul3A_501 = arith.mulf %convert_element_type3A_39, %gather3A_499 : vector<16xf32>
      %mul3A_502 = arith.mulf %convert_element_type3A, %gather3A_500 : vector<16xf32>
      %add3A_503 = arith.addf %mul3A_501, %mul3A_502 : vector<16xf32>
      %add3A_504 = arith.addf %add3A_503, %sub3A_43 : vector<16xf32>
      %exp3A_505 = math.exp %add3A_504 : vector<16xf32>
      %mul3A_506 = arith.constant 0.313706636 : f32
      %mul3A_507 = vector.broadcast %mul3A_506 : f32 to vector<16xf32>
      %mul3A_508 = arith.mulf %mul3A_507, %exp3A_505 : vector<16xf32>
      %add3A_509 = arith.addf %add3A_353, %mul3A_508 : vector<16xf32>
      %broadcast_in_dim3A_510 = arith.constant 34 : i32
      %broadcast_in_dim3A_511 = vector.broadcast %broadcast_in_dim3A_510 : i32 to vector<16xi32>
      %gather3A_512 = tpu.vector_load_idx %arg8[%add3A_35, %broadcast_in_dim3A_511] : memref<32x97xf32, #tpu.memory_space<vmem>>[vector<16xi32>, vector<16xi32>], vector<16xf32>,
      %gather3A_513 = tpu.vector_load_idx %arg8[%add3A_38, %broadcast_in_dim3A_511] : memref<32x97xf32, #tpu.memory_space<vmem>>[vector<16xi32>, vector<16xi32>], vector<16xf32>,
      %mul3A_514 = arith.mulf %convert_element_type3A_39, %gather3A_512 : vector<16xf32>
      %mul3A_515 = arith.mulf %convert_element_type3A, %gather3A_513 : vector<16xf32>
      %add3A_516 = arith.addf %mul3A_514, %mul3A_515 : vector<16xf32>
      %add3A_517 = arith.addf %add3A_516, %sub3A_43 : vector<16xf32>
      %exp3A_518 = math.exp %add3A_517 : vector<16xf32>
      %mul3A_519 = arith.constant 0.313706636 : f32
      %mul3A_520 = vector.broadcast %mul3A_519 : f32 to vector<16xf32>
      %mul3A_521 = arith.mulf %mul3A_520, %exp3A_518 : vector<16xf32>
      %add3A_522 = arith.addf %add3A_366, %mul3A_521 : vector<16xf32>
      %broadcast_in_dim3A_523 = arith.constant 35 : i32
      %broadcast_in_dim3A_524 = vector.broadcast %broadcast_in_dim3A_523 : i32 to vector<16xi32>
      %gather3A_525 = tpu.vector_load_idx %arg8[%add3A_35, %broadcast_in_dim3A_524] : memref<32x97xf32, #tpu.memory_space<vmem>>[vector<16xi32>, vector<16xi32>], vector<16xf32>,
      %gather3A_526 = tpu.vector_load_idx %arg8[%add3A_38, %broadcast_in_dim3A_524] : memref<32x97xf32, #tpu.memory_space<vmem>>[vector<16xi32>, vector<16xi32>], vector<16xf32>,
      %mul3A_527 = arith.mulf %convert_element_type3A_39, %gather3A_525 : vector<16xf32>
      %mul3A_528 = arith.mulf %convert_element_type3A, %gather3A_526 : vector<16xf32>
      %add3A_529 = arith.addf %mul3A_527, %mul3A_528 : vector<16xf32>
      %add3A_530 = arith.addf %add3A_529, %sub3A_43 : vector<16xf32>
      %exp3A_531 = math.exp %add3A_530 : vector<16xf32>
      %mul3A_532 = arith.constant 0.313706636 : f32
      %mul3A_533 = vector.broadcast %mul3A_532 : f32 to vector<16xf32>
      %mul3A_534 = arith.mulf %mul3A_533, %exp3A_531 : vector<16xf32>
      %add3A_535 = arith.addf %add3A_379, %mul3A_534 : vector<16xf32>
      %broadcast_in_dim3A_536 = arith.constant 36 : i32
      %broadcast_in_dim3A_537 = vector.broadcast %broadcast_in_dim3A_536 : i32 to vector<16xi32>
      %gather3A_538 = tpu.vector_load_idx %arg8[%add3A_35, %broadcast_in_dim3A_537] : memref<32x97xf32, #tpu.memory_space<vmem>>[vector<16xi32>, vector<16xi32>], vector<16xf32>,
      %gather3A_539 = tpu.vector_load_idx %arg8[%add3A_38, %broadcast_in_dim3A_537] : memref<32x97xf32, #tpu.memory_space<vmem>>[vector<16xi32>, vector<16xi32>], vector<16xf32>,
      %mul3A_540 = arith.mulf %convert_element_type3A_39, %gather3A_538 : vector<16xf32>
      %mul3A_541 = arith.mulf %convert_element_type3A, %gather3A_539 : vector<16xf32>
      %add3A_542 = arith.addf %mul3A_540, %mul3A_541 : vector<16xf32>
      %add3A_543 = arith.addf %add3A_542, %sub3A_43 : vector<16xf32>
      %exp3A_544 = math.exp %add3A_543 : vector<16xf32>
      %mul3A_545 = arith.constant 0.362683773 : f32
      %mul3A_546 = vector.broadcast %mul3A_545 : f32 to vector<16xf32>
      %mul3A_547 = arith.mulf %mul3A_546, %exp3A_544 : vector<16xf32>
      %add3A_548 = arith.addf %add3A_392, %mul3A_547 : vector<16xf32>
      %broadcast_in_dim3A_549 = arith.constant 37 : i32
      %broadcast_in_dim3A_550 = vector.broadcast %broadcast_in_dim3A_549 : i32 to vector<16xi32>
      %gather3A_551 = tpu.vector_load_idx %arg8[%add3A_35, %broadcast_in_dim3A_550] : memref<32x97xf32, #tpu.memory_space<vmem>>[vector<16xi32>, vector<16xi32>], vector<16xf32>,
      %gather3A_552 = tpu.vector_load_idx %arg8[%add3A_38, %broadcast_in_dim3A_550] : memref<32x97xf32, #tpu.memory_space<vmem>>[vector<16xi32>, vector<16xi32>], vector<16xf32>,
      %mul3A_553 = arith.mulf %convert_element_type3A_39, %gather3A_551 : vector<16xf32>
      %mul3A_554 = arith.mulf %convert_element_type3A, %gather3A_552 : vector<16xf32>
      %add3A_555 = arith.addf %mul3A_553, %mul3A_554 : vector<16xf32>
      %add3A_556 = arith.addf %add3A_555, %sub3A_43 : vector<16xf32>
      %exp3A_557 = math.exp %add3A_556 : vector<16xf32>
      %mul3A_558 = arith.constant 0.362683773 : f32
      %mul3A_559 = vector.broadcast %mul3A_558 : f32 to vector<16xf32>
      %mul3A_560 = arith.mulf %mul3A_559, %exp3A_557 : vector<16xf32>
      %add3A_561 = arith.addf %add3A_405, %mul3A_560 : vector<16xf32>
      %broadcast_in_dim3A_562 = arith.constant 38 : i32
      %broadcast_in_dim3A_563 = vector.broadcast %broadcast_in_dim3A_562 : i32 to vector<16xi32>
      %gather3A_564 = tpu.vector_load_idx %arg8[%add3A_35, %broadcast_in_dim3A_563] : memref<32x97xf32, #tpu.memory_space<vmem>>[vector<16xi32>, vector<16xi32>], vector<16xf32>,
      %gather3A_565 = tpu.vector_load_idx %arg8[%add3A_38, %broadcast_in_dim3A_563] : memref<32x97xf32, #tpu.memory_space<vmem>>[vector<16xi32>, vector<16xi32>], vector<16xf32>,
      %mul3A_566 = arith.mulf %convert_element_type3A_39, %gather3A_564 : vector<16xf32>
      %mul3A_567 = arith.mulf %convert_element_type3A, %gather3A_565 : vector<16xf32>
      %add3A_568 = arith.addf %mul3A_566, %mul3A_567 : vector<16xf32>
      %add3A_569 = arith.addf %add3A_568, %sub3A_43 : vector<16xf32>
      %exp3A_570 = math.exp %add3A_569 : vector<16xf32>
      %mul3A_571 = arith.constant 0.362683773 : f32
      %mul3A_572 = vector.broadcast %mul3A_571 : f32 to vector<16xf32>
      %mul3A_573 = arith.mulf %mul3A_572, %exp3A_570 : vector<16xf32>
      %add3A_574 = arith.addf %add3A_418, %mul3A_573 : vector<16xf32>
      %broadcast_in_dim3A_575 = arith.constant 39 : i32
      %broadcast_in_dim3A_576 = vector.broadcast %broadcast_in_dim3A_575 : i32 to vector<16xi32>
      %gather3A_577 = tpu.vector_load_idx %arg8[%add3A_35, %broadcast_in_dim3A_576] : memref<32x97xf32, #tpu.memory_space<vmem>>[vector<16xi32>, vector<16xi32>], vector<16xf32>,
      %gather3A_578 = tpu.vector_load_idx %arg8[%add3A_38, %broadcast_in_dim3A_576] : memref<32x97xf32, #tpu.memory_space<vmem>>[vector<16xi32>, vector<16xi32>], vector<16xf32>,
      %mul3A_579 = arith.mulf %convert_element_type3A_39, %gather3A_577 : vector<16xf32>
      %mul3A_580 = arith.mulf %convert_element_type3A, %gather3A_578 : vector<16xf32>
      %add3A_581 = arith.addf %mul3A_579, %mul3A_580 : vector<16xf32>
      %add3A_582 = arith.addf %add3A_581, %sub3A_43 : vector<16xf32>
      %exp3A_583 = math.exp %add3A_582 : vector<16xf32>
      %mul3A_584 = arith.constant 0.362683773 : f32
      %mul3A_585 = vector.broadcast %mul3A_584 : f32 to vector<16xf32>
      %mul3A_586 = arith.mulf %mul3A_585, %exp3A_583 : vector<16xf32>
      %add3A_587 = arith.addf %add3A_431, %mul3A_586 : vector<16xf32>
      %broadcast_in_dim3A_588 = arith.constant 40 : i32
      %broadcast_in_dim3A_589 = vector.broadcast %broadcast_in_dim3A_588 : i32 to vector<16xi32>
      %gather3A_590 = tpu.vector_load_idx %arg8[%add3A_35, %broadcast_in_dim3A_589] : memref<32x97xf32, #tpu.memory_space<vmem>>[vector<16xi32>, vector<16xi32>], vector<16xf32>,
      %gather3A_591 = tpu.vector_load_idx %arg8[%add3A_38, %broadcast_in_dim3A_589] : memref<32x97xf32, #tpu.memory_space<vmem>>[vector<16xi32>, vector<16xi32>], vector<16xf32>,
      %mul3A_592 = arith.mulf %convert_element_type3A_39, %gather3A_590 : vector<16xf32>
      %mul3A_593 = arith.mulf %convert_element_type3A, %gather3A_591 : vector<16xf32>
      %add3A_594 = arith.addf %mul3A_592, %mul3A_593 : vector<16xf32>
      %add3A_595 = arith.addf %add3A_594, %sub3A_43 : vector<16xf32>
      %exp3A_596 = math.exp %add3A_595 : vector<16xf32>
      %mul3A_597 = arith.constant 0.362683773 : f32
      %mul3A_598 = vector.broadcast %mul3A_597 : f32 to vector<16xf32>
      %mul3A_599 = arith.mulf %mul3A_598, %exp3A_596 : vector<16xf32>
      %add3A_600 = arith.addf %add3A_444, %mul3A_599 : vector<16xf32>
      %broadcast_in_dim3A_601 = arith.constant 41 : i32
      %broadcast_in_dim3A_602 = vector.broadcast %broadcast_in_dim3A_601 : i32 to vector<16xi32>
      %gather3A_603 = tpu.vector_load_idx %arg8[%add3A_35, %broadcast_in_dim3A_602] : memref<32x97xf32, #tpu.memory_space<vmem>>[vector<16xi32>, vector<16xi32>], vector<16xf32>,
      %gather3A_604 = tpu.vector_load_idx %arg8[%add3A_38, %broadcast_in_dim3A_602] : memref<32x97xf32, #tpu.memory_space<vmem>>[vector<16xi32>, vector<16xi32>], vector<16xf32>,
      %mul3A_605 = arith.mulf %convert_element_type3A_39, %gather3A_603 : vector<16xf32>
      %mul3A_606 = arith.mulf %convert_element_type3A, %gather3A_604 : vector<16xf32>
      %add3A_607 = arith.addf %mul3A_605, %mul3A_606 : vector<16xf32>
      %add3A_608 = arith.addf %add3A_607, %sub3A_43 : vector<16xf32>
      %exp3A_609 = math.exp %add3A_608 : vector<16xf32>
      %mul3A_610 = arith.constant 0.362683773 : f32
      %mul3A_611 = vector.broadcast %mul3A_610 : f32 to vector<16xf32>
      %mul3A_612 = arith.mulf %mul3A_611, %exp3A_609 : vector<16xf32>
      %add3A_613 = arith.addf %add3A_457, %mul3A_612 : vector<16xf32>
      %broadcast_in_dim3A_614 = arith.constant 42 : i32
      %broadcast_in_dim3A_615 = vector.broadcast %broadcast_in_dim3A_614 : i32 to vector<16xi32>
      %gather3A_616 = tpu.vector_load_idx %arg8[%add3A_35, %broadcast_in_dim3A_615] : memref<32x97xf32, #tpu.memory_space<vmem>>[vector<16xi32>, vector<16xi32>], vector<16xf32>,
      %gather3A_617 = tpu.vector_load_idx %arg8[%add3A_38, %broadcast_in_dim3A_615] : memref<32x97xf32, #tpu.memory_space<vmem>>[vector<16xi32>, vector<16xi32>], vector<16xf32>,
      %mul3A_618 = arith.mulf %convert_element_type3A_39, %gather3A_616 : vector<16xf32>
      %mul3A_619 = arith.mulf %convert_element_type3A, %gather3A_617 : vector<16xf32>
      %add3A_620 = arith.addf %mul3A_618, %mul3A_619 : vector<16xf32>
      %add3A_621 = arith.addf %add3A_620, %sub3A_43 : vector<16xf32>
      %exp3A_622 = math.exp %add3A_621 : vector<16xf32>
      %mul3A_623 = arith.constant 0.362683773 : f32
      %mul3A_624 = vector.broadcast %mul3A_623 : f32 to vector<16xf32>
      %mul3A_625 = arith.mulf %mul3A_624, %exp3A_622 : vector<16xf32>
      %add3A_626 = arith.addf %add3A_470, %mul3A_625 : vector<16xf32>
      %broadcast_in_dim3A_627 = arith.constant 43 : i32
      %broadcast_in_dim3A_628 = vector.broadcast %broadcast_in_dim3A_627 : i32 to vector<16xi32>
      %gather3A_629 = tpu.vector_load_idx %arg8[%add3A_35, %broadcast_in_dim3A_628] : memref<32x97xf32, #tpu.memory_space<vmem>>[vector<16xi32>, vector<16xi32>], vector<16xf32>,
      %gather3A_630 = tpu.vector_load_idx %arg8[%add3A_38, %broadcast_in_dim3A_628] : memref<32x97xf32, #tpu.memory_space<vmem>>[vector<16xi32>, vector<16xi32>], vector<16xf32>,
      %mul3A_631 = arith.mulf %convert_element_type3A_39, %gather3A_629 : vector<16xf32>
      %mul3A_632 = arith.mulf %convert_element_type3A, %gather3A_630 : vector<16xf32>
      %add3A_633 = arith.addf %mul3A_631, %mul3A_632 : vector<16xf32>
      %add3A_634 = arith.addf %add3A_633, %sub3A_43 : vector<16xf32>
      %exp3A_635 = math.exp %add3A_634 : vector<16xf32>
      %mul3A_636 = arith.constant 0.362683773 : f32
      %mul3A_637 = vector.broadcast %mul3A_636 : f32 to vector<16xf32>
      %mul3A_638 = arith.mulf %mul3A_637, %exp3A_635 : vector<16xf32>
      %add3A_639 = arith.addf %add3A_483, %mul3A_638 : vector<16xf32>
      %broadcast_in_dim3A_640 = arith.constant 44 : i32
      %broadcast_in_dim3A_641 = vector.broadcast %broadcast_in_dim3A_640 : i32 to vector<16xi32>
      %gather3A_642 = tpu.vector_load_idx %arg8[%add3A_35, %broadcast_in_dim3A_641] : memref<32x97xf32, #tpu.memory_space<vmem>>[vector<16xi32>, vector<16xi32>], vector<16xf32>,
      %gather3A_643 = tpu.vector_load_idx %arg8[%add3A_38, %broadcast_in_dim3A_641] : memref<32x97xf32, #tpu.memory_space<vmem>>[vector<16xi32>, vector<16xi32>], vector<16xf32>,
      %mul3A_644 = arith.mulf %convert_element_type3A_39, %gather3A_642 : vector<16xf32>
      %mul3A_645 = arith.mulf %convert_element_type3A, %gather3A_643 : vector<16xf32>
      %add3A_646 = arith.addf %mul3A_644, %mul3A_645 : vector<16xf32>
      %add3A_647 = arith.addf %add3A_646, %sub3A_43 : vector<16xf32>
      %exp3A_648 = math.exp %add3A_647 : vector<16xf32>
      %mul3A_649 = arith.constant 0.362683773 : f32
      %mul3A_650 = vector.broadcast %mul3A_649 : f32 to vector<16xf32>
      %mul3A_651 = arith.mulf %mul3A_650, %exp3A_648 : vector<16xf32>
      %add3A_652 = arith.addf %add3A_496, %mul3A_651 : vector<16xf32>
      %broadcast_in_dim3A_653 = arith.constant 45 : i32
      %broadcast_in_dim3A_654 = vector.broadcast %broadcast_in_dim3A_653 : i32 to vector<16xi32>
      %gather3A_655 = tpu.vector_load_idx %arg8[%add3A_35, %broadcast_in_dim3A_654] : memref<32x97xf32, #tpu.memory_space<vmem>>[vector<16xi32>, vector<16xi32>], vector<16xf32>,
      %gather3A_656 = tpu.vector_load_idx %arg8[%add3A_38, %broadcast_in_dim3A_654] : memref<32x97xf32, #tpu.memory_space<vmem>>[vector<16xi32>, vector<16xi32>], vector<16xf32>,
      %mul3A_657 = arith.mulf %convert_element_type3A_39, %gather3A_655 : vector<16xf32>
      %mul3A_658 = arith.mulf %convert_element_type3A, %gather3A_656 : vector<16xf32>
      %add3A_659 = arith.addf %mul3A_657, %mul3A_658 : vector<16xf32>
      %add3A_660 = arith.addf %add3A_659, %sub3A_43 : vector<16xf32>
      %exp3A_661 = math.exp %add3A_660 : vector<16xf32>
      %mul3A_662 = arith.constant 0.362683773 : f32
      %mul3A_663 = vector.broadcast %mul3A_662 : f32 to vector<16xf32>
      %mul3A_664 = arith.mulf %mul3A_663, %exp3A_661 : vector<16xf32>
      %add3A_665 = arith.addf %add3A_509, %mul3A_664 : vector<16xf32>
      %broadcast_in_dim3A_666 = arith.constant 46 : i32
      %broadcast_in_dim3A_667 = vector.broadcast %broadcast_in_dim3A_666 : i32 to vector<16xi32>
      %gather3A_668 = tpu.vector_load_idx %arg8[%add3A_35, %broadcast_in_dim3A_667] : memref<32x97xf32, #tpu.memory_space<vmem>>[vector<16xi32>, vector<16xi32>], vector<16xf32>,
      %gather3A_669 = tpu.vector_load_idx %arg8[%add3A_38, %broadcast_in_dim3A_667] : memref<32x97xf32, #tpu.memory_space<vmem>>[vector<16xi32>, vector<16xi32>], vector<16xf32>,
      %mul3A_670 = arith.mulf %convert_element_type3A_39, %gather3A_668 : vector<16xf32>
      %mul3A_671 = arith.mulf %convert_element_type3A, %gather3A_669 : vector<16xf32>
      %add3A_672 = arith.addf %mul3A_670, %mul3A_671 : vector<16xf32>
      %add3A_673 = arith.addf %add3A_672, %sub3A_43 : vector<16xf32>
      %exp3A_674 = math.exp %add3A_673 : vector<16xf32>
      %mul3A_675 = arith.constant 0.362683773 : f32
      %mul3A_676 = vector.broadcast %mul3A_675 : f32 to vector<16xf32>
      %mul3A_677 = arith.mulf %mul3A_676, %exp3A_674 : vector<16xf32>
      %add3A_678 = arith.addf %add3A_522, %mul3A_677 : vector<16xf32>
      %broadcast_in_dim3A_679 = arith.constant 47 : i32
      %broadcast_in_dim3A_680 = vector.broadcast %broadcast_in_dim3A_679 : i32 to vector<16xi32>
      %gather3A_681 = tpu.vector_load_idx %arg8[%add3A_35, %broadcast_in_dim3A_680] : memref<32x97xf32, #tpu.memory_space<vmem>>[vector<16xi32>, vector<16xi32>], vector<16xf32>,
      %gather3A_682 = tpu.vector_load_idx %arg8[%add3A_38, %broadcast_in_dim3A_680] : memref<32x97xf32, #tpu.memory_space<vmem>>[vector<16xi32>, vector<16xi32>], vector<16xf32>,
      %mul3A_683 = arith.mulf %convert_element_type3A_39, %gather3A_681 : vector<16xf32>
      %mul3A_684 = arith.mulf %convert_element_type3A, %gather3A_682 : vector<16xf32>
      %add3A_685 = arith.addf %mul3A_683, %mul3A_684 : vector<16xf32>
      %add3A_686 = arith.addf %add3A_685, %sub3A_43 : vector<16xf32>
      %exp3A_687 = math.exp %add3A_686 : vector<16xf32>
      %mul3A_688 = arith.constant 0.362683773 : f32
      %mul3A_689 = vector.broadcast %mul3A_688 : f32 to vector<16xf32>
      %mul3A_690 = arith.mulf %mul3A_689, %exp3A_687 : vector<16xf32>
      %add3A_691 = arith.addf %add3A_535, %mul3A_690 : vector<16xf32>
      %broadcast_in_dim3A_692 = arith.constant 48 : i32
      %broadcast_in_dim3A_693 = vector.broadcast %broadcast_in_dim3A_692 : i32 to vector<16xi32>
      %gather3A_694 = tpu.vector_load_idx %arg8[%add3A_35, %broadcast_in_dim3A_693] : memref<32x97xf32, #tpu.memory_space<vmem>>[vector<16xi32>, vector<16xi32>], vector<16xf32>,
      %gather3A_695 = tpu.vector_load_idx %arg8[%add3A_38, %broadcast_in_dim3A_693] : memref<32x97xf32, #tpu.memory_space<vmem>>[vector<16xi32>, vector<16xi32>], vector<16xf32>,
      %mul3A_696 = arith.mulf %convert_element_type3A_39, %gather3A_694 : vector<16xf32>
      %mul3A_697 = arith.mulf %convert_element_type3A, %gather3A_695 : vector<16xf32>
      %add3A_698 = arith.addf %mul3A_696, %mul3A_697 : vector<16xf32>
      %add3A_699 = arith.addf %add3A_698, %sub3A_43 : vector<16xf32>
      %exp3A_700 = math.exp %add3A_699 : vector<16xf32>
      %mul3A_701 = arith.constant 0.362683773 : f32
      %mul3A_702 = vector.broadcast %mul3A_701 : f32 to vector<16xf32>
      %mul3A_703 = arith.mulf %mul3A_702, %exp3A_700 : vector<16xf32>
      %add3A_704 = arith.addf %add3A_548, %mul3A_703 : vector<16xf32>
      %broadcast_in_dim3A_705 = arith.constant 49 : i32
      %broadcast_in_dim3A_706 = vector.broadcast %broadcast_in_dim3A_705 : i32 to vector<16xi32>
      %gather3A_707 = tpu.vector_load_idx %arg8[%add3A_35, %broadcast_in_dim3A_706] : memref<32x97xf32, #tpu.memory_space<vmem>>[vector<16xi32>, vector<16xi32>], vector<16xf32>,
      %gather3A_708 = tpu.vector_load_idx %arg8[%add3A_38, %broadcast_in_dim3A_706] : memref<32x97xf32, #tpu.memory_space<vmem>>[vector<16xi32>, vector<16xi32>], vector<16xf32>,
      %mul3A_709 = arith.mulf %convert_element_type3A_39, %gather3A_707 : vector<16xf32>
      %mul3A_710 = arith.mulf %convert_element_type3A, %gather3A_708 : vector<16xf32>
      %add3A_711 = arith.addf %mul3A_709, %mul3A_710 : vector<16xf32>
      %add3A_712 = arith.addf %add3A_711, %sub3A_43 : vector<16xf32>
      %exp3A_713 = math.exp %add3A_712 : vector<16xf32>
      %mul3A_714 = arith.constant 0.362683773 : f32
      %mul3A_715 = vector.broadcast %mul3A_714 : f32 to vector<16xf32>
      %mul3A_716 = arith.mulf %mul3A_715, %exp3A_713 : vector<16xf32>
      %add3A_717 = arith.addf %add3A_561, %mul3A_716 : vector<16xf32>
      %broadcast_in_dim3A_718 = arith.constant 50 : i32
      %broadcast_in_dim3A_719 = vector.broadcast %broadcast_in_dim3A_718 : i32 to vector<16xi32>
      %gather3A_720 = tpu.vector_load_idx %arg8[%add3A_35, %broadcast_in_dim3A_719] : memref<32x97xf32, #tpu.memory_space<vmem>>[vector<16xi32>, vector<16xi32>], vector<16xf32>,
      %gather3A_721 = tpu.vector_load_idx %arg8[%add3A_38, %broadcast_in_dim3A_719] : memref<32x97xf32, #tpu.memory_space<vmem>>[vector<16xi32>, vector<16xi32>], vector<16xf32>,
      %mul3A_722 = arith.mulf %convert_element_type3A_39, %gather3A_720 : vector<16xf32>
      %mul3A_723 = arith.mulf %convert_element_type3A, %gather3A_721 : vector<16xf32>
      %add3A_724 = arith.addf %mul3A_722, %mul3A_723 : vector<16xf32>
      %add3A_725 = arith.addf %add3A_724, %sub3A_43 : vector<16xf32>
      %exp3A_726 = math.exp %add3A_725 : vector<16xf32>
      %mul3A_727 = arith.constant 0.362683773 : f32
      %mul3A_728 = vector.broadcast %mul3A_727 : f32 to vector<16xf32>
      %mul3A_729 = arith.mulf %mul3A_728, %exp3A_726 : vector<16xf32>
      %add3A_730 = arith.addf %add3A_574, %mul3A_729 : vector<16xf32>
      %broadcast_in_dim3A_731 = arith.constant 51 : i32
      %broadcast_in_dim3A_732 = vector.broadcast %broadcast_in_dim3A_731 : i32 to vector<16xi32>
      %gather3A_733 = tpu.vector_load_idx %arg8[%add3A_35, %broadcast_in_dim3A_732] : memref<32x97xf32, #tpu.memory_space<vmem>>[vector<16xi32>, vector<16xi32>], vector<16xf32>,
      %gather3A_734 = tpu.vector_load_idx %arg8[%add3A_38, %broadcast_in_dim3A_732] : memref<32x97xf32, #tpu.memory_space<vmem>>[vector<16xi32>, vector<16xi32>], vector<16xf32>,
      %mul3A_735 = arith.mulf %convert_element_type3A_39, %gather3A_733 : vector<16xf32>
      %mul3A_736 = arith.mulf %convert_element_type3A, %gather3A_734 : vector<16xf32>
      %add3A_737 = arith.addf %mul3A_735, %mul3A_736 : vector<16xf32>
      %add3A_738 = arith.addf %add3A_737, %sub3A_43 : vector<16xf32>
      %exp3A_739 = math.exp %add3A_738 : vector<16xf32>
      %mul3A_740 = arith.constant 0.362683773 : f32
      %mul3A_741 = vector.broadcast %mul3A_740 : f32 to vector<16xf32>
      %mul3A_742 = arith.mulf %mul3A_741, %exp3A_739 : vector<16xf32>
      %add3A_743 = arith.addf %add3A_587, %mul3A_742 : vector<16xf32>
      %broadcast_in_dim3A_744 = arith.constant 52 : i32
      %broadcast_in_dim3A_745 = vector.broadcast %broadcast_in_dim3A_744 : i32 to vector<16xi32>
      %gather3A_746 = tpu.vector_load_idx %arg8[%add3A_35, %broadcast_in_dim3A_745] : memref<32x97xf32, #tpu.memory_space<vmem>>[vector<16xi32>, vector<16xi32>], vector<16xf32>,
      %gather3A_747 = tpu.vector_load_idx %arg8[%add3A_38, %broadcast_in_dim3A_745] : memref<32x97xf32, #tpu.memory_space<vmem>>[vector<16xi32>, vector<16xi32>], vector<16xf32>,
      %mul3A_748 = arith.mulf %convert_element_type3A_39, %gather3A_746 : vector<16xf32>
      %mul3A_749 = arith.mulf %convert_element_type3A, %gather3A_747 : vector<16xf32>
      %add3A_750 = arith.addf %mul3A_748, %mul3A_749 : vector<16xf32>
      %add3A_751 = arith.addf %add3A_750, %sub3A_43 : vector<16xf32>
      %exp3A_752 = math.exp %add3A_751 : vector<16xf32>
      %mul3A_753 = arith.constant 0.362683773 : f32
      %mul3A_754 = vector.broadcast %mul3A_753 : f32 to vector<16xf32>
      %mul3A_755 = arith.mulf %mul3A_754, %exp3A_752 : vector<16xf32>
      %add3A_756 = arith.addf %add3A_600, %mul3A_755 : vector<16xf32>
      %broadcast_in_dim3A_757 = arith.constant 53 : i32
      %broadcast_in_dim3A_758 = vector.broadcast %broadcast_in_dim3A_757 : i32 to vector<16xi32>
      %gather3A_759 = tpu.vector_load_idx %arg8[%add3A_35, %broadcast_in_dim3A_758] : memref<32x97xf32, #tpu.memory_space<vmem>>[vector<16xi32>, vector<16xi32>], vector<16xf32>,
      %gather3A_760 = tpu.vector_load_idx %arg8[%add3A_38, %broadcast_in_dim3A_758] : memref<32x97xf32, #tpu.memory_space<vmem>>[vector<16xi32>, vector<16xi32>], vector<16xf32>,
      %mul3A_761 = arith.mulf %convert_element_type3A_39, %gather3A_759 : vector<16xf32>
      %mul3A_762 = arith.mulf %convert_element_type3A, %gather3A_760 : vector<16xf32>
      %add3A_763 = arith.addf %mul3A_761, %mul3A_762 : vector<16xf32>
      %add3A_764 = arith.addf %add3A_763, %sub3A_43 : vector<16xf32>
      %exp3A_765 = math.exp %add3A_764 : vector<16xf32>
      %mul3A_766 = arith.constant 0.362683773 : f32
      %mul3A_767 = vector.broadcast %mul3A_766 : f32 to vector<16xf32>
      %mul3A_768 = arith.mulf %mul3A_767, %exp3A_765 : vector<16xf32>
      %add3A_769 = arith.addf %add3A_613, %mul3A_768 : vector<16xf32>
      %broadcast_in_dim3A_770 = arith.constant 54 : i32
      %broadcast_in_dim3A_771 = vector.broadcast %broadcast_in_dim3A_770 : i32 to vector<16xi32>
      %gather3A_772 = tpu.vector_load_idx %arg8[%add3A_35, %broadcast_in_dim3A_771] : memref<32x97xf32, #tpu.memory_space<vmem>>[vector<16xi32>, vector<16xi32>], vector<16xf32>,
      %gather3A_773 = tpu.vector_load_idx %arg8[%add3A_38, %broadcast_in_dim3A_771] : memref<32x97xf32, #tpu.memory_space<vmem>>[vector<16xi32>, vector<16xi32>], vector<16xf32>,
      %mul3A_774 = arith.mulf %convert_element_type3A_39, %gather3A_772 : vector<16xf32>
      %mul3A_775 = arith.mulf %convert_element_type3A, %gather3A_773 : vector<16xf32>
      %add3A_776 = arith.addf %mul3A_774, %mul3A_775 : vector<16xf32>
      %add3A_777 = arith.addf %add3A_776, %sub3A_43 : vector<16xf32>
      %exp3A_778 = math.exp %add3A_777 : vector<16xf32>
      %mul3A_779 = arith.constant 0.362683773 : f32
      %mul3A_780 = vector.broadcast %mul3A_779 : f32 to vector<16xf32>
      %mul3A_781 = arith.mulf %mul3A_780, %exp3A_778 : vector<16xf32>
      %add3A_782 = arith.addf %add3A_626, %mul3A_781 : vector<16xf32>
      %broadcast_in_dim3A_783 = arith.constant 55 : i32
      %broadcast_in_dim3A_784 = vector.broadcast %broadcast_in_dim3A_783 : i32 to vector<16xi32>
      %gather3A_785 = tpu.vector_load_idx %arg8[%add3A_35, %broadcast_in_dim3A_784] : memref<32x97xf32, #tpu.memory_space<vmem>>[vector<16xi32>, vector<16xi32>], vector<16xf32>,
      %gather3A_786 = tpu.vector_load_idx %arg8[%add3A_38, %broadcast_in_dim3A_784] : memref<32x97xf32, #tpu.memory_space<vmem>>[vector<16xi32>, vector<16xi32>], vector<16xf32>,
      %mul3A_787 = arith.mulf %convert_element_type3A_39, %gather3A_785 : vector<16xf32>
      %mul3A_788 = arith.mulf %convert_element_type3A, %gather3A_786 : vector<16xf32>
      %add3A_789 = arith.addf %mul3A_787, %mul3A_788 : vector<16xf32>
      %add3A_790 = arith.addf %add3A_789, %sub3A_43 : vector<16xf32>
      %exp3A_791 = math.exp %add3A_790 : vector<16xf32>
      %mul3A_792 = arith.constant 0.362683773 : f32
      %mul3A_793 = vector.broadcast %mul3A_792 : f32 to vector<16xf32>
      %mul3A_794 = arith.mulf %mul3A_793, %exp3A_791 : vector<16xf32>
      %add3A_795 = arith.addf %add3A_639, %mul3A_794 : vector<16xf32>
      %broadcast_in_dim3A_796 = arith.constant 56 : i32
      %broadcast_in_dim3A_797 = vector.broadcast %broadcast_in_dim3A_796 : i32 to vector<16xi32>
      %gather3A_798 = tpu.vector_load_idx %arg8[%add3A_35, %broadcast_in_dim3A_797] : memref<32x97xf32, #tpu.memory_space<vmem>>[vector<16xi32>, vector<16xi32>], vector<16xf32>,
      %gather3A_799 = tpu.vector_load_idx %arg8[%add3A_38, %broadcast_in_dim3A_797] : memref<32x97xf32, #tpu.memory_space<vmem>>[vector<16xi32>, vector<16xi32>], vector<16xf32>,
      %mul3A_800 = arith.mulf %convert_element_type3A_39, %gather3A_798 : vector<16xf32>
      %mul3A_801 = arith.mulf %convert_element_type3A, %gather3A_799 : vector<16xf32>
      %add3A_802 = arith.addf %mul3A_800, %mul3A_801 : vector<16xf32>
      %add3A_803 = arith.addf %add3A_802, %sub3A_43 : vector<16xf32>
      %exp3A_804 = math.exp %add3A_803 : vector<16xf32>
      %mul3A_805 = arith.constant 0.362683773 : f32
      %mul3A_806 = vector.broadcast %mul3A_805 : f32 to vector<16xf32>
      %mul3A_807 = arith.mulf %mul3A_806, %exp3A_804 : vector<16xf32>
      %add3A_808 = arith.addf %add3A_652, %mul3A_807 : vector<16xf32>
      %broadcast_in_dim3A_809 = arith.constant 57 : i32
      %broadcast_in_dim3A_810 = vector.broadcast %broadcast_in_dim3A_809 : i32 to vector<16xi32>
      %gather3A_811 = tpu.vector_load_idx %arg8[%add3A_35, %broadcast_in_dim3A_810] : memref<32x97xf32, #tpu.memory_space<vmem>>[vector<16xi32>, vector<16xi32>], vector<16xf32>,
      %gather3A_812 = tpu.vector_load_idx %arg8[%add3A_38, %broadcast_in_dim3A_810] : memref<32x97xf32, #tpu.memory_space<vmem>>[vector<16xi32>, vector<16xi32>], vector<16xf32>,
      %mul3A_813 = arith.mulf %convert_element_type3A_39, %gather3A_811 : vector<16xf32>
      %mul3A_814 = arith.mulf %convert_element_type3A, %gather3A_812 : vector<16xf32>
      %add3A_815 = arith.addf %mul3A_813, %mul3A_814 : vector<16xf32>
      %add3A_816 = arith.addf %add3A_815, %sub3A_43 : vector<16xf32>
      %exp3A_817 = math.exp %add3A_816 : vector<16xf32>
      %mul3A_818 = arith.constant 0.362683773 : f32
      %mul3A_819 = vector.broadcast %mul3A_818 : f32 to vector<16xf32>
      %mul3A_820 = arith.mulf %mul3A_819, %exp3A_817 : vector<16xf32>
      %add3A_821 = arith.addf %add3A_665, %mul3A_820 : vector<16xf32>
      %broadcast_in_dim3A_822 = arith.constant 58 : i32
      %broadcast_in_dim3A_823 = vector.broadcast %broadcast_in_dim3A_822 : i32 to vector<16xi32>
      %gather3A_824 = tpu.vector_load_idx %arg8[%add3A_35, %broadcast_in_dim3A_823] : memref<32x97xf32, #tpu.memory_space<vmem>>[vector<16xi32>, vector<16xi32>], vector<16xf32>,
      %gather3A_825 = tpu.vector_load_idx %arg8[%add3A_38, %broadcast_in_dim3A_823] : memref<32x97xf32, #tpu.memory_space<vmem>>[vector<16xi32>, vector<16xi32>], vector<16xf32>,
      %mul3A_826 = arith.mulf %convert_element_type3A_39, %gather3A_824 : vector<16xf32>
      %mul3A_827 = arith.mulf %convert_element_type3A, %gather3A_825 : vector<16xf32>
      %add3A_828 = arith.addf %mul3A_826, %mul3A_827 : vector<16xf32>
      %add3A_829 = arith.addf %add3A_828, %sub3A_43 : vector<16xf32>
      %exp3A_830 = math.exp %add3A_829 : vector<16xf32>
      %mul3A_831 = arith.constant 0.362683773 : f32
      %mul3A_832 = vector.broadcast %mul3A_831 : f32 to vector<16xf32>
      %mul3A_833 = arith.mulf %mul3A_832, %exp3A_830 : vector<16xf32>
      %add3A_834 = arith.addf %add3A_678, %mul3A_833 : vector<16xf32>
      %broadcast_in_dim3A_835 = arith.constant 59 : i32
      %broadcast_in_dim3A_836 = vector.broadcast %broadcast_in_dim3A_835 : i32 to vector<16xi32>
      %gather3A_837 = tpu.vector_load_idx %arg8[%add3A_35, %broadcast_in_dim3A_836] : memref<32x97xf32, #tpu.memory_space<vmem>>[vector<16xi32>, vector<16xi32>], vector<16xf32>,
      %gather3A_838 = tpu.vector_load_idx %arg8[%add3A_38, %broadcast_in_dim3A_836] : memref<32x97xf32, #tpu.memory_space<vmem>>[vector<16xi32>, vector<16xi32>], vector<16xf32>,
      %mul3A_839 = arith.mulf %convert_element_type3A_39, %gather3A_837 : vector<16xf32>
      %mul3A_840 = arith.mulf %convert_element_type3A, %gather3A_838 : vector<16xf32>
      %add3A_841 = arith.addf %mul3A_839, %mul3A_840 : vector<16xf32>
      %add3A_842 = arith.addf %add3A_841, %sub3A_43 : vector<16xf32>
      %exp3A_843 = math.exp %add3A_842 : vector<16xf32>
      %mul3A_844 = arith.constant 0.362683773 : f32
      %mul3A_845 = vector.broadcast %mul3A_844 : f32 to vector<16xf32>
      %mul3A_846 = arith.mulf %mul3A_845, %exp3A_843 : vector<16xf32>
      %add3A_847 = arith.addf %add3A_691, %mul3A_846 : vector<16xf32>
      %broadcast_in_dim3A_848 = arith.constant 60 : i32
      %broadcast_in_dim3A_849 = vector.broadcast %broadcast_in_dim3A_848 : i32 to vector<16xi32>
      %gather3A_850 = tpu.vector_load_idx %arg8[%add3A_35, %broadcast_in_dim3A_849] : memref<32x97xf32, #tpu.memory_space<vmem>>[vector<16xi32>, vector<16xi32>], vector<16xf32>,
      %gather3A_851 = tpu.vector_load_idx %arg8[%add3A_38, %broadcast_in_dim3A_849] : memref<32x97xf32, #tpu.memory_space<vmem>>[vector<16xi32>, vector<16xi32>], vector<16xf32>,
      %mul3A_852 = arith.mulf %convert_element_type3A_39, %gather3A_850 : vector<16xf32>
      %mul3A_853 = arith.mulf %convert_element_type3A, %gather3A_851 : vector<16xf32>
      %add3A_854 = arith.addf %mul3A_852, %mul3A_853 : vector<16xf32>
      %add3A_855 = arith.addf %add3A_854, %sub3A_43 : vector<16xf32>
      %exp3A_856 = math.exp %add3A_855 : vector<16xf32>
      %mul3A_857 = arith.constant 0.313706636 : f32
      %mul3A_858 = vector.broadcast %mul3A_857 : f32 to vector<16xf32>
      %mul3A_859 = arith.mulf %mul3A_858, %exp3A_856 : vector<16xf32>
      %add3A_860 = arith.addf %add3A_704, %mul3A_859 : vector<16xf32>
      %broadcast_in_dim3A_861 = arith.constant 61 : i32
      %broadcast_in_dim3A_862 = vector.broadcast %broadcast_in_dim3A_861 : i32 to vector<16xi32>
      %gather3A_863 = tpu.vector_load_idx %arg8[%add3A_35, %broadcast_in_dim3A_862] : memref<32x97xf32, #tpu.memory_space<vmem>>[vector<16xi32>, vector<16xi32>], vector<16xf32>,
      %gather3A_864 = tpu.vector_load_idx %arg8[%add3A_38, %broadcast_in_dim3A_862] : memref<32x97xf32, #tpu.memory_space<vmem>>[vector<16xi32>, vector<16xi32>], vector<16xf32>,
      %mul3A_865 = arith.mulf %convert_element_type3A_39, %gather3A_863 : vector<16xf32>
      %mul3A_866 = arith.mulf %convert_element_type3A, %gather3A_864 : vector<16xf32>
      %add3A_867 = arith.addf %mul3A_865, %mul3A_866 : vector<16xf32>
      %add3A_868 = arith.addf %add3A_867, %sub3A_43 : vector<16xf32>
      %exp3A_869 = math.exp %add3A_868 : vector<16xf32>
      %mul3A_870 = arith.constant 0.313706636 : f32
      %mul3A_871 = vector.broadcast %mul3A_870 : f32 to vector<16xf32>
      %mul3A_872 = arith.mulf %mul3A_871, %exp3A_869 : vector<16xf32>
      %add3A_873 = arith.addf %add3A_717, %mul3A_872 : vector<16xf32>
      %broadcast_in_dim3A_874 = arith.constant 62 : i32
      %broadcast_in_dim3A_875 = vector.broadcast %broadcast_in_dim3A_874 : i32 to vector<16xi32>
      %gather3A_876 = tpu.vector_load_idx %arg8[%add3A_35, %broadcast_in_dim3A_875] : memref<32x97xf32, #tpu.memory_space<vmem>>[vector<16xi32>, vector<16xi32>], vector<16xf32>,
      %gather3A_877 = tpu.vector_load_idx %arg8[%add3A_38, %broadcast_in_dim3A_875] : memref<32x97xf32, #tpu.memory_space<vmem>>[vector<16xi32>, vector<16xi32>], vector<16xf32>,
      %mul3A_878 = arith.mulf %convert_element_type3A_39, %gather3A_876 : vector<16xf32>
      %mul3A_879 = arith.mulf %convert_element_type3A, %gather3A_877 : vector<16xf32>
      %add3A_880 = arith.addf %mul3A_878, %mul3A_879 : vector<16xf32>
      %add3A_881 = arith.addf %add3A_880, %sub3A_43 : vector<16xf32>
      %exp3A_882 = math.exp %add3A_881 : vector<16xf32>
      %mul3A_883 = arith.constant 0.313706636 : f32
      %mul3A_884 = vector.broadcast %mul3A_883 : f32 to vector<16xf32>
      %mul3A_885 = arith.mulf %mul3A_884, %exp3A_882 : vector<16xf32>
      %add3A_886 = arith.addf %add3A_730, %mul3A_885 : vector<16xf32>
      %broadcast_in_dim3A_887 = arith.constant 63 : i32
      %broadcast_in_dim3A_888 = vector.broadcast %broadcast_in_dim3A_887 : i32 to vector<16xi32>
      %gather3A_889 = tpu.vector_load_idx %arg8[%add3A_35, %broadcast_in_dim3A_888] : memref<32x97xf32, #tpu.memory_space<vmem>>[vector<16xi32>, vector<16xi32>], vector<16xf32>,
      %gather3A_890 = tpu.vector_load_idx %arg8[%add3A_38, %broadcast_in_dim3A_888] : memref<32x97xf32, #tpu.memory_space<vmem>>[vector<16xi32>, vector<16xi32>], vector<16xf32>,
      %mul3A_891 = arith.mulf %convert_element_type3A_39, %gather3A_889 : vector<16xf32>
      %mul3A_892 = arith.mulf %convert_element_type3A, %gather3A_890 : vector<16xf32>
      %add3A_893 = arith.addf %mul3A_891, %mul3A_892 : vector<16xf32>
      %add3A_894 = arith.addf %add3A_893, %sub3A_43 : vector<16xf32>
      %exp3A_895 = math.exp %add3A_894 : vector<16xf32>
      %mul3A_896 = arith.constant 0.313706636 : f32
      %mul3A_897 = vector.broadcast %mul3A_896 : f32 to vector<16xf32>
      %mul3A_898 = arith.mulf %mul3A_897, %exp3A_895 : vector<16xf32>
      %add3A_899 = arith.addf %add3A_743, %mul3A_898 : vector<16xf32>
      %broadcast_in_dim3A_900 = arith.constant 64 : i32
      %broadcast_in_dim3A_901 = vector.broadcast %broadcast_in_dim3A_900 : i32 to vector<16xi32>
      %gather3A_902 = tpu.vector_load_idx %arg8[%add3A_35, %broadcast_in_dim3A_901] : memref<32x97xf32, #tpu.memory_space<vmem>>[vector<16xi32>, vector<16xi32>], vector<16xf32>,
      %gather3A_903 = tpu.vector_load_idx %arg8[%add3A_38, %broadcast_in_dim3A_901] : memref<32x97xf32, #tpu.memory_space<vmem>>[vector<16xi32>, vector<16xi32>], vector<16xf32>,
      %mul3A_904 = arith.mulf %convert_element_type3A_39, %gather3A_902 : vector<16xf32>
      %mul3A_905 = arith.mulf %convert_element_type3A, %gather3A_903 : vector<16xf32>
      %add3A_906 = arith.addf %mul3A_904, %mul3A_905 : vector<16xf32>
      %add3A_907 = arith.addf %add3A_906, %sub3A_43 : vector<16xf32>
      %exp3A_908 = math.exp %add3A_907 : vector<16xf32>
      %mul3A_909 = arith.constant 0.313706636 : f32
      %mul3A_910 = vector.broadcast %mul3A_909 : f32 to vector<16xf32>
      %mul3A_911 = arith.mulf %mul3A_910, %exp3A_908 : vector<16xf32>
      %add3A_912 = arith.addf %add3A_756, %mul3A_911 : vector<16xf32>
      %broadcast_in_dim3A_913 = arith.constant 65 : i32
      %broadcast_in_dim3A_914 = vector.broadcast %broadcast_in_dim3A_913 : i32 to vector<16xi32>
      %gather3A_915 = tpu.vector_load_idx %arg8[%add3A_35, %broadcast_in_dim3A_914] : memref<32x97xf32, #tpu.memory_space<vmem>>[vector<16xi32>, vector<16xi32>], vector<16xf32>,
      %gather3A_916 = tpu.vector_load_idx %arg8[%add3A_38, %broadcast_in_dim3A_914] : memref<32x97xf32, #tpu.memory_space<vmem>>[vector<16xi32>, vector<16xi32>], vector<16xf32>,
      %mul3A_917 = arith.mulf %convert_element_type3A_39, %gather3A_915 : vector<16xf32>
      %mul3A_918 = arith.mulf %convert_element_type3A, %gather3A_916 : vector<16xf32>
      %add3A_919 = arith.addf %mul3A_917, %mul3A_918 : vector<16xf32>
      %add3A_920 = arith.addf %add3A_919, %sub3A_43 : vector<16xf32>
      %exp3A_921 = math.exp %add3A_920 : vector<16xf32>
      %mul3A_922 = arith.constant 0.313706636 : f32
      %mul3A_923 = vector.broadcast %mul3A_922 : f32 to vector<16xf32>
      %mul3A_924 = arith.mulf %mul3A_923, %exp3A_921 : vector<16xf32>
      %add3A_925 = arith.addf %add3A_769, %mul3A_924 : vector<16xf32>
      %broadcast_in_dim3A_926 = arith.constant 66 : i32
      %broadcast_in_dim3A_927 = vector.broadcast %broadcast_in_dim3A_926 : i32 to vector<16xi32>
      %gather3A_928 = tpu.vector_load_idx %arg8[%add3A_35, %broadcast_in_dim3A_927] : memref<32x97xf32, #tpu.memory_space<vmem>>[vector<16xi32>, vector<16xi32>], vector<16xf32>,
      %gather3A_929 = tpu.vector_load_idx %arg8[%add3A_38, %broadcast_in_dim3A_927] : memref<32x97xf32, #tpu.memory_space<vmem>>[vector<16xi32>, vector<16xi32>], vector<16xf32>,
      %mul3A_930 = arith.mulf %convert_element_type3A_39, %gather3A_928 : vector<16xf32>
      %mul3A_931 = arith.mulf %convert_element_type3A, %gather3A_929 : vector<16xf32>
      %add3A_932 = arith.addf %mul3A_930, %mul3A_931 : vector<16xf32>
      %add3A_933 = arith.addf %add3A_932, %sub3A_43 : vector<16xf32>
      %exp3A_934 = math.exp %add3A_933 : vector<16xf32>
      %mul3A_935 = arith.constant 0.313706636 : f32
      %mul3A_936 = vector.broadcast %mul3A_935 : f32 to vector<16xf32>
      %mul3A_937 = arith.mulf %mul3A_936, %exp3A_934 : vector<16xf32>
      %add3A_938 = arith.addf %add3A_782, %mul3A_937 : vector<16xf32>
      %broadcast_in_dim3A_939 = arith.constant 67 : i32
      %broadcast_in_dim3A_940 = vector.broadcast %broadcast_in_dim3A_939 : i32 to vector<16xi32>
      %gather3A_941 = tpu.vector_load_idx %arg8[%add3A_35, %broadcast_in_dim3A_940] : memref<32x97xf32, #tpu.memory_space<vmem>>[vector<16xi32>, vector<16xi32>], vector<16xf32>,
      %gather3A_942 = tpu.vector_load_idx %arg8[%add3A_38, %broadcast_in_dim3A_940] : memref<32x97xf32, #tpu.memory_space<vmem>>[vector<16xi32>, vector<16xi32>], vector<16xf32>,
      %mul3A_943 = arith.mulf %convert_element_type3A_39, %gather3A_941 : vector<16xf32>
      %mul3A_944 = arith.mulf %convert_element_type3A, %gather3A_942 : vector<16xf32>
      %add3A_945 = arith.addf %mul3A_943, %mul3A_944 : vector<16xf32>
      %add3A_946 = arith.addf %add3A_945, %sub3A_43 : vector<16xf32>
      %exp3A_947 = math.exp %add3A_946 : vector<16xf32>
      %mul3A_948 = arith.constant 0.313706636 : f32
      %mul3A_949 = vector.broadcast %mul3A_948 : f32 to vector<16xf32>
      %mul3A_950 = arith.mulf %mul3A_949, %exp3A_947 : vector<16xf32>
      %add3A_951 = arith.addf %add3A_795, %mul3A_950 : vector<16xf32>
      %broadcast_in_dim3A_952 = arith.constant 68 : i32
      %broadcast_in_dim3A_953 = vector.broadcast %broadcast_in_dim3A_952 : i32 to vector<16xi32>
      %gather3A_954 = tpu.vector_load_idx %arg8[%add3A_35, %broadcast_in_dim3A_953] : memref<32x97xf32, #tpu.memory_space<vmem>>[vector<16xi32>, vector<16xi32>], vector<16xf32>,
      %gather3A_955 = tpu.vector_load_idx %arg8[%add3A_38, %broadcast_in_dim3A_953] : memref<32x97xf32, #tpu.memory_space<vmem>>[vector<16xi32>, vector<16xi32>], vector<16xf32>,
      %mul3A_956 = arith.mulf %convert_element_type3A_39, %gather3A_954 : vector<16xf32>
      %mul3A_957 = arith.mulf %convert_element_type3A, %gather3A_955 : vector<16xf32>
      %add3A_958 = arith.addf %mul3A_956, %mul3A_957 : vector<16xf32>
      %add3A_959 = arith.addf %add3A_958, %sub3A_43 : vector<16xf32>
      %exp3A_960 = math.exp %add3A_959 : vector<16xf32>
      %mul3A_961 = arith.constant 0.313706636 : f32
      %mul3A_962 = vector.broadcast %mul3A_961 : f32 to vector<16xf32>
      %mul3A_963 = arith.mulf %mul3A_962, %exp3A_960 : vector<16xf32>
      %add3A_964 = arith.addf %add3A_808, %mul3A_963 : vector<16xf32>
      %broadcast_in_dim3A_965 = arith.constant 69 : i32
      %broadcast_in_dim3A_966 = vector.broadcast %broadcast_in_dim3A_965 : i32 to vector<16xi32>
      %gather3A_967 = tpu.vector_load_idx %arg8[%add3A_35, %broadcast_in_dim3A_966] : memref<32x97xf32, #tpu.memory_space<vmem>>[vector<16xi32>, vector<16xi32>], vector<16xf32>,
      %gather3A_968 = tpu.vector_load_idx %arg8[%add3A_38, %broadcast_in_dim3A_966] : memref<32x97xf32, #tpu.memory_space<vmem>>[vector<16xi32>, vector<16xi32>], vector<16xf32>,
      %mul3A_969 = arith.mulf %convert_element_type3A_39, %gather3A_967 : vector<16xf32>
      %mul3A_970 = arith.mulf %convert_element_type3A, %gather3A_968 : vector<16xf32>
      %add3A_971 = arith.addf %mul3A_969, %mul3A_970 : vector<16xf32>
      %add3A_972 = arith.addf %add3A_971, %sub3A_43 : vector<16xf32>
      %exp3A_973 = math.exp %add3A_972 : vector<16xf32>
      %mul3A_974 = arith.constant 0.313706636 : f32
      %mul3A_975 = vector.broadcast %mul3A_974 : f32 to vector<16xf32>
      %mul3A_976 = arith.mulf %mul3A_975, %exp3A_973 : vector<16xf32>
      %add3A_977 = arith.addf %add3A_821, %mul3A_976 : vector<16xf32>
      %broadcast_in_dim3A_978 = arith.constant 70 : i32
      %broadcast_in_dim3A_979 = vector.broadcast %broadcast_in_dim3A_978 : i32 to vector<16xi32>
      %gather3A_980 = tpu.vector_load_idx %arg8[%add3A_35, %broadcast_in_dim3A_979] : memref<32x97xf32, #tpu.memory_space<vmem>>[vector<16xi32>, vector<16xi32>], vector<16xf32>,
      %gather3A_981 = tpu.vector_load_idx %arg8[%add3A_38, %broadcast_in_dim3A_979] : memref<32x97xf32, #tpu.memory_space<vmem>>[vector<16xi32>, vector<16xi32>], vector<16xf32>,
      %mul3A_982 = arith.mulf %convert_element_type3A_39, %gather3A_980 : vector<16xf32>
      %mul3A_983 = arith.mulf %convert_element_type3A, %gather3A_981 : vector<16xf32>
      %add3A_984 = arith.addf %mul3A_982, %mul3A_983 : vector<16xf32>
      %add3A_985 = arith.addf %add3A_984, %sub3A_43 : vector<16xf32>
      %exp3A_986 = math.exp %add3A_985 : vector<16xf32>
      %mul3A_987 = arith.constant 0.313706636 : f32
      %mul3A_988 = vector.broadcast %mul3A_987 : f32 to vector<16xf32>
      %mul3A_989 = arith.mulf %mul3A_988, %exp3A_986 : vector<16xf32>
      %add3A_990 = arith.addf %add3A_834, %mul3A_989 : vector<16xf32>
      %broadcast_in_dim3A_991 = arith.constant 71 : i32
      %broadcast_in_dim3A_992 = vector.broadcast %broadcast_in_dim3A_991 : i32 to vector<16xi32>
      %gather3A_993 = tpu.vector_load_idx %arg8[%add3A_35, %broadcast_in_dim3A_992] : memref<32x97xf32, #tpu.memory_space<vmem>>[vector<16xi32>, vector<16xi32>], vector<16xf32>,
      %gather3A_994 = tpu.vector_load_idx %arg8[%add3A_38, %broadcast_in_dim3A_992] : memref<32x97xf32, #tpu.memory_space<vmem>>[vector<16xi32>, vector<16xi32>], vector<16xf32>,
      %mul3A_995 = arith.mulf %convert_element_type3A_39, %gather3A_993 : vector<16xf32>
      %mul3A_996 = arith.mulf %convert_element_type3A, %gather3A_994 : vector<16xf32>
      %add3A_997 = arith.addf %mul3A_995, %mul3A_996 : vector<16xf32>
      %add3A_998 = arith.addf %add3A_997, %sub3A_43 : vector<16xf32>
      %exp3A_999 = math.exp %add3A_998 : vector<16xf32>
      %mul3A_1000 = arith.constant 0.313706636 : f32
      %mul3A_1001 = vector.broadcast %mul3A_1000 : f32 to vector<16xf32>
      %mul3A_1002 = arith.mulf %mul3A_1001, %exp3A_999 : vector<16xf32>
      %add3A_1003 = arith.addf %add3A_847, %mul3A_1002 : vector<16xf32>
      %broadcast_in_dim3A_1004 = arith.constant 72 : i32
      %broadcast_in_dim3A_1005 = vector.broadcast %broadcast_in_dim3A_1004 : i32 to vector<16xi32>
      %gather3A_1006 = tpu.vector_load_idx %arg8[%add3A_35, %broadcast_in_dim3A_1005] : memref<32x97xf32, #tpu.memory_space<vmem>>[vector<16xi32>, vector<16xi32>], vector<16xf32>,
      %gather3A_1007 = tpu.vector_load_idx %arg8[%add3A_38, %broadcast_in_dim3A_1005] : memref<32x97xf32, #tpu.memory_space<vmem>>[vector<16xi32>, vector<16xi32>], vector<16xf32>,
      %mul3A_1008 = arith.mulf %convert_element_type3A_39, %gather3A_1006 : vector<16xf32>
      %mul3A_1009 = arith.mulf %convert_element_type3A, %gather3A_1007 : vector<16xf32>
      %add3A_1010 = arith.addf %mul3A_1008, %mul3A_1009 : vector<16xf32>
      %add3A_1011 = arith.addf %add3A_1010, %sub3A_43 : vector<16xf32>
      %exp3A_1012 = math.exp %add3A_1011 : vector<16xf32>
      %mul3A_1013 = arith.constant 0.22238104 : f32
      %mul3A_1014 = vector.broadcast %mul3A_1013 : f32 to vector<16xf32>
      %mul3A_1015 = arith.mulf %mul3A_1014, %exp3A_1012 : vector<16xf32>
      %add3A_1016 = arith.addf %add3A_860, %mul3A_1015 : vector<16xf32>
      %broadcast_in_dim3A_1017 = arith.constant 73 : i32
      %broadcast_in_dim3A_1018 = vector.broadcast %broadcast_in_dim3A_1017 : i32 to vector<16xi32>
      %gather3A_1019 = tpu.vector_load_idx %arg8[%add3A_35, %broadcast_in_dim3A_1018] : memref<32x97xf32, #tpu.memory_space<vmem>>[vector<16xi32>, vector<16xi32>], vector<16xf32>,
      %gather3A_1020 = tpu.vector_load_idx %arg8[%add3A_38, %broadcast_in_dim3A_1018] : memref<32x97xf32, #tpu.memory_space<vmem>>[vector<16xi32>, vector<16xi32>], vector<16xf32>,
      %mul3A_1021 = arith.mulf %convert_element_type3A_39, %gather3A_1019 : vector<16xf32>
      %mul3A_1022 = arith.mulf %convert_element_type3A, %gather3A_1020 : vector<16xf32>
      %add3A_1023 = arith.addf %mul3A_1021, %mul3A_1022 : vector<16xf32>
      %add3A_1024 = arith.addf %add3A_1023, %sub3A_43 : vector<16xf32>
      %exp3A_1025 = math.exp %add3A_1024 : vector<16xf32>
      %mul3A_1026 = arith.constant 0.22238104 : f32
      %mul3A_1027 = vector.broadcast %mul3A_1026 : f32 to vector<16xf32>
      %mul3A_1028 = arith.mulf %mul3A_1027, %exp3A_1025 : vector<16xf32>
      %add3A_1029 = arith.addf %add3A_873, %mul3A_1028 : vector<16xf32>
      %broadcast_in_dim3A_1030 = arith.constant 74 : i32
      %broadcast_in_dim3A_1031 = vector.broadcast %broadcast_in_dim3A_1030 : i32 to vector<16xi32>
      %gather3A_1032 = tpu.vector_load_idx %arg8[%add3A_35, %broadcast_in_dim3A_1031] : memref<32x97xf32, #tpu.memory_space<vmem>>[vector<16xi32>, vector<16xi32>], vector<16xf32>,
      %gather3A_1033 = tpu.vector_load_idx %arg8[%add3A_38, %broadcast_in_dim3A_1031] : memref<32x97xf32, #tpu.memory_space<vmem>>[vector<16xi32>, vector<16xi32>], vector<16xf32>,
      %mul3A_1034 = arith.mulf %convert_element_type3A_39, %gather3A_1032 : vector<16xf32>
      %mul3A_1035 = arith.mulf %convert_element_type3A, %gather3A_1033 : vector<16xf32>
      %add3A_1036 = arith.addf %mul3A_1034, %mul3A_1035 : vector<16xf32>
      %add3A_1037 = arith.addf %add3A_1036, %sub3A_43 : vector<16xf32>
      %exp3A_1038 = math.exp %add3A_1037 : vector<16xf32>
      %mul3A_1039 = arith.constant 0.22238104 : f32
      %mul3A_1040 = vector.broadcast %mul3A_1039 : f32 to vector<16xf32>
      %mul3A_1041 = arith.mulf %mul3A_1040, %exp3A_1038 : vector<16xf32>
      %add3A_1042 = arith.addf %add3A_886, %mul3A_1041 : vector<16xf32>
      %broadcast_in_dim3A_1043 = arith.constant 75 : i32
      %broadcast_in_dim3A_1044 = vector.broadcast %broadcast_in_dim3A_1043 : i32 to vector<16xi32>
      %gather3A_1045 = tpu.vector_load_idx %arg8[%add3A_35, %broadcast_in_dim3A_1044] : memref<32x97xf32, #tpu.memory_space<vmem>>[vector<16xi32>, vector<16xi32>], vector<16xf32>,
      %gather3A_1046 = tpu.vector_load_idx %arg8[%add3A_38, %broadcast_in_dim3A_1044] : memref<32x97xf32, #tpu.memory_space<vmem>>[vector<16xi32>, vector<16xi32>], vector<16xf32>,
      %mul3A_1047 = arith.mulf %convert_element_type3A_39, %gather3A_1045 : vector<16xf32>
      %mul3A_1048 = arith.mulf %convert_element_type3A, %gather3A_1046 : vector<16xf32>
      %add3A_1049 = arith.addf %mul3A_1047, %mul3A_1048 : vector<16xf32>
      %add3A_1050 = arith.addf %add3A_1049, %sub3A_43 : vector<16xf32>
      %exp3A_1051 = math.exp %add3A_1050 : vector<16xf32>
      %mul3A_1052 = arith.constant 0.22238104 : f32
      %mul3A_1053 = vector.broadcast %mul3A_1052 : f32 to vector<16xf32>
      %mul3A_1054 = arith.mulf %mul3A_1053, %exp3A_1051 : vector<16xf32>
      %add3A_1055 = arith.addf %add3A_899, %mul3A_1054 : vector<16xf32>
      %broadcast_in_dim3A_1056 = arith.constant 76 : i32
      %broadcast_in_dim3A_1057 = vector.broadcast %broadcast_in_dim3A_1056 : i32 to vector<16xi32>
      %gather3A_1058 = tpu.vector_load_idx %arg8[%add3A_35, %broadcast_in_dim3A_1057] : memref<32x97xf32, #tpu.memory_space<vmem>>[vector<16xi32>, vector<16xi32>], vector<16xf32>,
      %gather3A_1059 = tpu.vector_load_idx %arg8[%add3A_38, %broadcast_in_dim3A_1057] : memref<32x97xf32, #tpu.memory_space<vmem>>[vector<16xi32>, vector<16xi32>], vector<16xf32>,
      %mul3A_1060 = arith.mulf %convert_element_type3A_39, %gather3A_1058 : vector<16xf32>
      %mul3A_1061 = arith.mulf %convert_element_type3A, %gather3A_1059 : vector<16xf32>
      %add3A_1062 = arith.addf %mul3A_1060, %mul3A_1061 : vector<16xf32>
      %add3A_1063 = arith.addf %add3A_1062, %sub3A_43 : vector<16xf32>
      %exp3A_1064 = math.exp %add3A_1063 : vector<16xf32>
      %mul3A_1065 = arith.constant 0.22238104 : f32
      %mul3A_1066 = vector.broadcast %mul3A_1065 : f32 to vector<16xf32>
      %mul3A_1067 = arith.mulf %mul3A_1066, %exp3A_1064 : vector<16xf32>
      %add3A_1068 = arith.addf %add3A_912, %mul3A_1067 : vector<16xf32>
      %broadcast_in_dim3A_1069 = arith.constant 77 : i32
      %broadcast_in_dim3A_1070 = vector.broadcast %broadcast_in_dim3A_1069 : i32 to vector<16xi32>
      %gather3A_1071 = tpu.vector_load_idx %arg8[%add3A_35, %broadcast_in_dim3A_1070] : memref<32x97xf32, #tpu.memory_space<vmem>>[vector<16xi32>, vector<16xi32>], vector<16xf32>,
      %gather3A_1072 = tpu.vector_load_idx %arg8[%add3A_38, %broadcast_in_dim3A_1070] : memref<32x97xf32, #tpu.memory_space<vmem>>[vector<16xi32>, vector<16xi32>], vector<16xf32>,
      %mul3A_1073 = arith.mulf %convert_element_type3A_39, %gather3A_1071 : vector<16xf32>
      %mul3A_1074 = arith.mulf %convert_element_type3A, %gather3A_1072 : vector<16xf32>
      %add3A_1075 = arith.addf %mul3A_1073, %mul3A_1074 : vector<16xf32>
      %add3A_1076 = arith.addf %add3A_1075, %sub3A_43 : vector<16xf32>
      %exp3A_1077 = math.exp %add3A_1076 : vector<16xf32>
      %mul3A_1078 = arith.constant 0.22238104 : f32
      %mul3A_1079 = vector.broadcast %mul3A_1078 : f32 to vector<16xf32>
      %mul3A_1080 = arith.mulf %mul3A_1079, %exp3A_1077 : vector<16xf32>
      %add3A_1081 = arith.addf %add3A_925, %mul3A_1080 : vector<16xf32>
      %broadcast_in_dim3A_1082 = arith.constant 78 : i32
      %broadcast_in_dim3A_1083 = vector.broadcast %broadcast_in_dim3A_1082 : i32 to vector<16xi32>
      %gather3A_1084 = tpu.vector_load_idx %arg8[%add3A_35, %broadcast_in_dim3A_1083] : memref<32x97xf32, #tpu.memory_space<vmem>>[vector<16xi32>, vector<16xi32>], vector<16xf32>,
      %gather3A_1085 = tpu.vector_load_idx %arg8[%add3A_38, %broadcast_in_dim3A_1083] : memref<32x97xf32, #tpu.memory_space<vmem>>[vector<16xi32>, vector<16xi32>], vector<16xf32>,
      %mul3A_1086 = arith.mulf %convert_element_type3A_39, %gather3A_1084 : vector<16xf32>
      %mul3A_1087 = arith.mulf %convert_element_type3A, %gather3A_1085 : vector<16xf32>
      %add3A_1088 = arith.addf %mul3A_1086, %mul3A_1087 : vector<16xf32>
      %add3A_1089 = arith.addf %add3A_1088, %sub3A_43 : vector<16xf32>
      %exp3A_1090 = math.exp %add3A_1089 : vector<16xf32>
      %mul3A_1091 = arith.constant 0.22238104 : f32
      %mul3A_1092 = vector.broadcast %mul3A_1091 : f32 to vector<16xf32>
      %mul3A_1093 = arith.mulf %mul3A_1092, %exp3A_1090 : vector<16xf32>
      %add3A_1094 = arith.addf %add3A_938, %mul3A_1093 : vector<16xf32>
      %broadcast_in_dim3A_1095 = arith.constant 79 : i32
      %broadcast_in_dim3A_1096 = vector.broadcast %broadcast_in_dim3A_1095 : i32 to vector<16xi32>
      %gather3A_1097 = tpu.vector_load_idx %arg8[%add3A_35, %broadcast_in_dim3A_1096] : memref<32x97xf32, #tpu.memory_space<vmem>>[vector<16xi32>, vector<16xi32>], vector<16xf32>,
      %gather3A_1098 = tpu.vector_load_idx %arg8[%add3A_38, %broadcast_in_dim3A_1096] : memref<32x97xf32, #tpu.memory_space<vmem>>[vector<16xi32>, vector<16xi32>], vector<16xf32>,
      %mul3A_1099 = arith.mulf %convert_element_type3A_39, %gather3A_1097 : vector<16xf32>
      %mul3A_1100 = arith.mulf %convert_element_type3A, %gather3A_1098 : vector<16xf32>
      %add3A_1101 = arith.addf %mul3A_1099, %mul3A_1100 : vector<16xf32>
      %add3A_1102 = arith.addf %add3A_1101, %sub3A_43 : vector<16xf32>
      %exp3A_1103 = math.exp %add3A_1102 : vector<16xf32>
      %mul3A_1104 = arith.constant 0.22238104 : f32
      %mul3A_1105 = vector.broadcast %mul3A_1104 : f32 to vector<16xf32>
      %mul3A_1106 = arith.mulf %mul3A_1105, %exp3A_1103 : vector<16xf32>
      %add3A_1107 = arith.addf %add3A_951, %mul3A_1106 : vector<16xf32>
      %broadcast_in_dim3A_1108 = arith.constant 80 : i32
      %broadcast_in_dim3A_1109 = vector.broadcast %broadcast_in_dim3A_1108 : i32 to vector<16xi32>
      %gather3A_1110 = tpu.vector_load_idx %arg8[%add3A_35, %broadcast_in_dim3A_1109] : memref<32x97xf32, #tpu.memory_space<vmem>>[vector<16xi32>, vector<16xi32>], vector<16xf32>,
      %gather3A_1111 = tpu.vector_load_idx %arg8[%add3A_38, %broadcast_in_dim3A_1109] : memref<32x97xf32, #tpu.memory_space<vmem>>[vector<16xi32>, vector<16xi32>], vector<16xf32>,
      %mul3A_1112 = arith.mulf %convert_element_type3A_39, %gather3A_1110 : vector<16xf32>
      %mul3A_1113 = arith.mulf %convert_element_type3A, %gather3A_1111 : vector<16xf32>
      %add3A_1114 = arith.addf %mul3A_1112, %mul3A_1113 : vector<16xf32>
      %add3A_1115 = arith.addf %add3A_1114, %sub3A_43 : vector<16xf32>
      %exp3A_1116 = math.exp %add3A_1115 : vector<16xf32>
      %mul3A_1117 = arith.constant 0.22238104 : f32
      %mul3A_1118 = vector.broadcast %mul3A_1117 : f32 to vector<16xf32>
      %mul3A_1119 = arith.mulf %mul3A_1118, %exp3A_1116 : vector<16xf32>
      %add3A_1120 = arith.addf %add3A_964, %mul3A_1119 : vector<16xf32>
      %broadcast_in_dim3A_1121 = arith.constant 81 : i32
      %broadcast_in_dim3A_1122 = vector.broadcast %broadcast_in_dim3A_1121 : i32 to vector<16xi32>
      %gather3A_1123 = tpu.vector_load_idx %arg8[%add3A_35, %broadcast_in_dim3A_1122] : memref<32x97xf32, #tpu.memory_space<vmem>>[vector<16xi32>, vector<16xi32>], vector<16xf32>,
      %gather3A_1124 = tpu.vector_load_idx %arg8[%add3A_38, %broadcast_in_dim3A_1122] : memref<32x97xf32, #tpu.memory_space<vmem>>[vector<16xi32>, vector<16xi32>], vector<16xf32>,
      %mul3A_1125 = arith.mulf %convert_element_type3A_39, %gather3A_1123 : vector<16xf32>
      %mul3A_1126 = arith.mulf %convert_element_type3A, %gather3A_1124 : vector<16xf32>
      %add3A_1127 = arith.addf %mul3A_1125, %mul3A_1126 : vector<16xf32>
      %add3A_1128 = arith.addf %add3A_1127, %sub3A_43 : vector<16xf32>
      %exp3A_1129 = math.exp %add3A_1128 : vector<16xf32>
      %mul3A_1130 = arith.constant 0.22238104 : f32
      %mul3A_1131 = vector.broadcast %mul3A_1130 : f32 to vector<16xf32>
      %mul3A_1132 = arith.mulf %mul3A_1131, %exp3A_1129 : vector<16xf32>
      %add3A_1133 = arith.addf %add3A_977, %mul3A_1132 : vector<16xf32>
      %broadcast_in_dim3A_1134 = arith.constant 82 : i32
      %broadcast_in_dim3A_1135 = vector.broadcast %broadcast_in_dim3A_1134 : i32 to vector<16xi32>
      %gather3A_1136 = tpu.vector_load_idx %arg8[%add3A_35, %broadcast_in_dim3A_1135] : memref<32x97xf32, #tpu.memory_space<vmem>>[vector<16xi32>, vector<16xi32>], vector<16xf32>,
      %gather3A_1137 = tpu.vector_load_idx %arg8[%add3A_38, %broadcast_in_dim3A_1135] : memref<32x97xf32, #tpu.memory_space<vmem>>[vector<16xi32>, vector<16xi32>], vector<16xf32>,
      %mul3A_1138 = arith.mulf %convert_element_type3A_39, %gather3A_1136 : vector<16xf32>
      %mul3A_1139 = arith.mulf %convert_element_type3A, %gather3A_1137 : vector<16xf32>
      %add3A_1140 = arith.addf %mul3A_1138, %mul3A_1139 : vector<16xf32>
      %add3A_1141 = arith.addf %add3A_1140, %sub3A_43 : vector<16xf32>
      %exp3A_1142 = math.exp %add3A_1141 : vector<16xf32>
      %mul3A_1143 = arith.constant 0.22238104 : f32
      %mul3A_1144 = vector.broadcast %mul3A_1143 : f32 to vector<16xf32>
      %mul3A_1145 = arith.mulf %mul3A_1144, %exp3A_1142 : vector<16xf32>
      %add3A_1146 = arith.addf %add3A_990, %mul3A_1145 : vector<16xf32>
      %broadcast_in_dim3A_1147 = arith.constant 83 : i32
      %broadcast_in_dim3A_1148 = vector.broadcast %broadcast_in_dim3A_1147 : i32 to vector<16xi32>
      %gather3A_1149 = tpu.vector_load_idx %arg8[%add3A_35, %broadcast_in_dim3A_1148] : memref<32x97xf32, #tpu.memory_space<vmem>>[vector<16xi32>, vector<16xi32>], vector<16xf32>,
      %gather3A_1150 = tpu.vector_load_idx %arg8[%add3A_38, %broadcast_in_dim3A_1148] : memref<32x97xf32, #tpu.memory_space<vmem>>[vector<16xi32>, vector<16xi32>], vector<16xf32>,
      %mul3A_1151 = arith.mulf %convert_element_type3A_39, %gather3A_1149 : vector<16xf32>
      %mul3A_1152 = arith.mulf %convert_element_type3A, %gather3A_1150 : vector<16xf32>
      %add3A_1153 = arith.addf %mul3A_1151, %mul3A_1152 : vector<16xf32>
      %add3A_1154 = arith.addf %add3A_1153, %sub3A_43 : vector<16xf32>
      %exp3A_1155 = math.exp %add3A_1154 : vector<16xf32>
      %mul3A_1156 = arith.constant 0.22238104 : f32
      %mul3A_1157 = vector.broadcast %mul3A_1156 : f32 to vector<16xf32>
      %mul3A_1158 = arith.mulf %mul3A_1157, %exp3A_1155 : vector<16xf32>
      %add3A_1159 = arith.addf %add3A_1003, %mul3A_1158 : vector<16xf32>
      %broadcast_in_dim3A_1160 = arith.constant 84 : i32
      %broadcast_in_dim3A_1161 = vector.broadcast %broadcast_in_dim3A_1160 : i32 to vector<16xi32>
      %gather3A_1162 = tpu.vector_load_idx %arg8[%add3A_35, %broadcast_in_dim3A_1161] : memref<32x97xf32, #tpu.memory_space<vmem>>[vector<16xi32>, vector<16xi32>], vector<16xf32>,
      %gather3A_1163 = tpu.vector_load_idx %arg8[%add3A_38, %broadcast_in_dim3A_1161] : memref<32x97xf32, #tpu.memory_space<vmem>>[vector<16xi32>, vector<16xi32>], vector<16xf32>,
      %mul3A_1164 = arith.mulf %convert_element_type3A_39, %gather3A_1162 : vector<16xf32>
      %mul3A_1165 = arith.mulf %convert_element_type3A, %gather3A_1163 : vector<16xf32>
      %add3A_1166 = arith.addf %mul3A_1164, %mul3A_1165 : vector<16xf32>
      %add3A_1167 = arith.addf %add3A_1166, %sub3A_43 : vector<16xf32>
      %exp3A_1168 = math.exp %add3A_1167 : vector<16xf32>
      %mul3A_1169 = arith.constant 0.101228535 : f32
      %mul3A_1170 = vector.broadcast %mul3A_1169 : f32 to vector<16xf32>
      %mul3A_1171 = arith.mulf %mul3A_1170, %exp3A_1168 : vector<16xf32>
      %add3A_1172 = arith.addf %add3A_1016, %mul3A_1171 : vector<16xf32>
      %broadcast_in_dim3A_1173 = arith.constant 85 : i32
      %broadcast_in_dim3A_1174 = vector.broadcast %broadcast_in_dim3A_1173 : i32 to vector<16xi32>
      %gather3A_1175 = tpu.vector_load_idx %arg8[%add3A_35, %broadcast_in_dim3A_1174] : memref<32x97xf32, #tpu.memory_space<vmem>>[vector<16xi32>, vector<16xi32>], vector<16xf32>,
      %gather3A_1176 = tpu.vector_load_idx %arg8[%add3A_38, %broadcast_in_dim3A_1174] : memref<32x97xf32, #tpu.memory_space<vmem>>[vector<16xi32>, vector<16xi32>], vector<16xf32>,
      %mul3A_1177 = arith.mulf %convert_element_type3A_39, %gather3A_1175 : vector<16xf32>
      %mul3A_1178 = arith.mulf %convert_element_type3A, %gather3A_1176 : vector<16xf32>
      %add3A_1179 = arith.addf %mul3A_1177, %mul3A_1178 : vector<16xf32>
      %add3A_1180 = arith.addf %add3A_1179, %sub3A_43 : vector<16xf32>
      %exp3A_1181 = math.exp %add3A_1180 : vector<16xf32>
      %mul3A_1182 = arith.constant 0.101228535 : f32
      %mul3A_1183 = vector.broadcast %mul3A_1182 : f32 to vector<16xf32>
      %mul3A_1184 = arith.mulf %mul3A_1183, %exp3A_1181 : vector<16xf32>
      %add3A_1185 = arith.addf %add3A_1029, %mul3A_1184 : vector<16xf32>
      %broadcast_in_dim3A_1186 = arith.constant 86 : i32
      %broadcast_in_dim3A_1187 = vector.broadcast %broadcast_in_dim3A_1186 : i32 to vector<16xi32>
      %gather3A_1188 = tpu.vector_load_idx %arg8[%add3A_35, %broadcast_in_dim3A_1187] : memref<32x97xf32, #tpu.memory_space<vmem>>[vector<16xi32>, vector<16xi32>], vector<16xf32>,
      %gather3A_1189 = tpu.vector_load_idx %arg8[%add3A_38, %broadcast_in_dim3A_1187] : memref<32x97xf32, #tpu.memory_space<vmem>>[vector<16xi32>, vector<16xi32>], vector<16xf32>,
      %mul3A_1190 = arith.mulf %convert_element_type3A_39, %gather3A_1188 : vector<16xf32>
      %mul3A_1191 = arith.mulf %convert_element_type3A, %gather3A_1189 : vector<16xf32>
      %add3A_1192 = arith.addf %mul3A_1190, %mul3A_1191 : vector<16xf32>
      %add3A_1193 = arith.addf %add3A_1192, %sub3A_43 : vector<16xf32>
      %exp3A_1194 = math.exp %add3A_1193 : vector<16xf32>
      %mul3A_1195 = arith.constant 0.101228535 : f32
      %mul3A_1196 = vector.broadcast %mul3A_1195 : f32 to vector<16xf32>
      %mul3A_1197 = arith.mulf %mul3A_1196, %exp3A_1194 : vector<16xf32>
      %add3A_1198 = arith.addf %add3A_1042, %mul3A_1197 : vector<16xf32>
      %broadcast_in_dim3A_1199 = arith.constant 87 : i32
      %broadcast_in_dim3A_1200 = vector.broadcast %broadcast_in_dim3A_1199 : i32 to vector<16xi32>
      %gather3A_1201 = tpu.vector_load_idx %arg8[%add3A_35, %broadcast_in_dim3A_1200] : memref<32x97xf32, #tpu.memory_space<vmem>>[vector<16xi32>, vector<16xi32>], vector<16xf32>,
      %gather3A_1202 = tpu.vector_load_idx %arg8[%add3A_38, %broadcast_in_dim3A_1200] : memref<32x97xf32, #tpu.memory_space<vmem>>[vector<16xi32>, vector<16xi32>], vector<16xf32>,
      %mul3A_1203 = arith.mulf %convert_element_type3A_39, %gather3A_1201 : vector<16xf32>
      %mul3A_1204 = arith.mulf %convert_element_type3A, %gather3A_1202 : vector<16xf32>
      %add3A_1205 = arith.addf %mul3A_1203, %mul3A_1204 : vector<16xf32>
      %add3A_1206 = arith.addf %add3A_1205, %sub3A_43 : vector<16xf32>
      %exp3A_1207 = math.exp %add3A_1206 : vector<16xf32>
      %mul3A_1208 = arith.constant 0.101228535 : f32
      %mul3A_1209 = vector.broadcast %mul3A_1208 : f32 to vector<16xf32>
      %mul3A_1210 = arith.mulf %mul3A_1209, %exp3A_1207 : vector<16xf32>
      %add3A_1211 = arith.addf %add3A_1055, %mul3A_1210 : vector<16xf32>
      %broadcast_in_dim3A_1212 = arith.constant 88 : i32
      %broadcast_in_dim3A_1213 = vector.broadcast %broadcast_in_dim3A_1212 : i32 to vector<16xi32>
      %gather3A_1214 = tpu.vector_load_idx %arg8[%add3A_35, %broadcast_in_dim3A_1213] : memref<32x97xf32, #tpu.memory_space<vmem>>[vector<16xi32>, vector<16xi32>], vector<16xf32>,
      %gather3A_1215 = tpu.vector_load_idx %arg8[%add3A_38, %broadcast_in_dim3A_1213] : memref<32x97xf32, #tpu.memory_space<vmem>>[vector<16xi32>, vector<16xi32>], vector<16xf32>,
      %mul3A_1216 = arith.mulf %convert_element_type3A_39, %gather3A_1214 : vector<16xf32>
      %mul3A_1217 = arith.mulf %convert_element_type3A, %gather3A_1215 : vector<16xf32>
      %add3A_1218 = arith.addf %mul3A_1216, %mul3A_1217 : vector<16xf32>
      %add3A_1219 = arith.addf %add3A_1218, %sub3A_43 : vector<16xf32>
      %exp3A_1220 = math.exp %add3A_1219 : vector<16xf32>
      %mul3A_1221 = arith.constant 0.101228535 : f32
      %mul3A_1222 = vector.broadcast %mul3A_1221 : f32 to vector<16xf32>
      %mul3A_1223 = arith.mulf %mul3A_1222, %exp3A_1220 : vector<16xf32>
      %add3A_1224 = arith.addf %add3A_1068, %mul3A_1223 : vector<16xf32>
      %broadcast_in_dim3A_1225 = arith.constant 89 : i32
      %broadcast_in_dim3A_1226 = vector.broadcast %broadcast_in_dim3A_1225 : i32 to vector<16xi32>
      %gather3A_1227 = tpu.vector_load_idx %arg8[%add3A_35, %broadcast_in_dim3A_1226] : memref<32x97xf32, #tpu.memory_space<vmem>>[vector<16xi32>, vector<16xi32>], vector<16xf32>,
      %gather3A_1228 = tpu.vector_load_idx %arg8[%add3A_38, %broadcast_in_dim3A_1226] : memref<32x97xf32, #tpu.memory_space<vmem>>[vector<16xi32>, vector<16xi32>], vector<16xf32>,
      %mul3A_1229 = arith.mulf %convert_element_type3A_39, %gather3A_1227 : vector<16xf32>
      %mul3A_1230 = arith.mulf %convert_element_type3A, %gather3A_1228 : vector<16xf32>
      %add3A_1231 = arith.addf %mul3A_1229, %mul3A_1230 : vector<16xf32>
      %add3A_1232 = arith.addf %add3A_1231, %sub3A_43 : vector<16xf32>
      %exp3A_1233 = math.exp %add3A_1232 : vector<16xf32>
      %mul3A_1234 = arith.constant 0.101228535 : f32
      %mul3A_1235 = vector.broadcast %mul3A_1234 : f32 to vector<16xf32>
      %mul3A_1236 = arith.mulf %mul3A_1235, %exp3A_1233 : vector<16xf32>
      %add3A_1237 = arith.addf %add3A_1081, %mul3A_1236 : vector<16xf32>
      %broadcast_in_dim3A_1238 = arith.constant 90 : i32
      %broadcast_in_dim3A_1239 = vector.broadcast %broadcast_in_dim3A_1238 : i32 to vector<16xi32>
      %gather3A_1240 = tpu.vector_load_idx %arg8[%add3A_35, %broadcast_in_dim3A_1239] : memref<32x97xf32, #tpu.memory_space<vmem>>[vector<16xi32>, vector<16xi32>], vector<16xf32>,
      %gather3A_1241 = tpu.vector_load_idx %arg8[%add3A_38, %broadcast_in_dim3A_1239] : memref<32x97xf32, #tpu.memory_space<vmem>>[vector<16xi32>, vector<16xi32>], vector<16xf32>,
      %mul3A_1242 = arith.mulf %convert_element_type3A_39, %gather3A_1240 : vector<16xf32>
      %mul3A_1243 = arith.mulf %convert_element_type3A, %gather3A_1241 : vector<16xf32>
      %add3A_1244 = arith.addf %mul3A_1242, %mul3A_1243 : vector<16xf32>
      %add3A_1245 = arith.addf %add3A_1244, %sub3A_43 : vector<16xf32>
      %exp3A_1246 = math.exp %add3A_1245 : vector<16xf32>
      %mul3A_1247 = arith.constant 0.101228535 : f32
      %mul3A_1248 = vector.broadcast %mul3A_1247 : f32 to vector<16xf32>
      %mul3A_1249 = arith.mulf %mul3A_1248, %exp3A_1246 : vector<16xf32>
      %add3A_1250 = arith.addf %add3A_1094, %mul3A_1249 : vector<16xf32>
      %broadcast_in_dim3A_1251 = arith.constant 91 : i32
      %broadcast_in_dim3A_1252 = vector.broadcast %broadcast_in_dim3A_1251 : i32 to vector<16xi32>
      %gather3A_1253 = tpu.vector_load_idx %arg8[%add3A_35, %broadcast_in_dim3A_1252] : memref<32x97xf32, #tpu.memory_space<vmem>>[vector<16xi32>, vector<16xi32>], vector<16xf32>,
      %gather3A_1254 = tpu.vector_load_idx %arg8[%add3A_38, %broadcast_in_dim3A_1252] : memref<32x97xf32, #tpu.memory_space<vmem>>[vector<16xi32>, vector<16xi32>], vector<16xf32>,
      %mul3A_1255 = arith.mulf %convert_element_type3A_39, %gather3A_1253 : vector<16xf32>
      %mul3A_1256 = arith.mulf %convert_element_type3A, %gather3A_1254 : vector<16xf32>
      %add3A_1257 = arith.addf %mul3A_1255, %mul3A_1256 : vector<16xf32>
      %add3A_1258 = arith.addf %add3A_1257, %sub3A_43 : vector<16xf32>
      %exp3A_1259 = math.exp %add3A_1258 : vector<16xf32>
      %mul3A_1260 = arith.constant 0.101228535 : f32
      %mul3A_1261 = vector.broadcast %mul3A_1260 : f32 to vector<16xf32>
      %mul3A_1262 = arith.mulf %mul3A_1261, %exp3A_1259 : vector<16xf32>
      %add3A_1263 = arith.addf %add3A_1107, %mul3A_1262 : vector<16xf32>
      %broadcast_in_dim3A_1264 = arith.constant 92 : i32
      %broadcast_in_dim3A_1265 = vector.broadcast %broadcast_in_dim3A_1264 : i32 to vector<16xi32>
      %gather3A_1266 = tpu.vector_load_idx %arg8[%add3A_35, %broadcast_in_dim3A_1265] : memref<32x97xf32, #tpu.memory_space<vmem>>[vector<16xi32>, vector<16xi32>], vector<16xf32>,
      %gather3A_1267 = tpu.vector_load_idx %arg8[%add3A_38, %broadcast_in_dim3A_1265] : memref<32x97xf32, #tpu.memory_space<vmem>>[vector<16xi32>, vector<16xi32>], vector<16xf32>,
      %mul3A_1268 = arith.mulf %convert_element_type3A_39, %gather3A_1266 : vector<16xf32>
      %mul3A_1269 = arith.mulf %convert_element_type3A, %gather3A_1267 : vector<16xf32>
      %add3A_1270 = arith.addf %mul3A_1268, %mul3A_1269 : vector<16xf32>
      %add3A_1271 = arith.addf %add3A_1270, %sub3A_43 : vector<16xf32>
      %exp3A_1272 = math.exp %add3A_1271 : vector<16xf32>
      %mul3A_1273 = arith.constant 0.101228535 : f32
      %mul3A_1274 = vector.broadcast %mul3A_1273 : f32 to vector<16xf32>
      %mul3A_1275 = arith.mulf %mul3A_1274, %exp3A_1272 : vector<16xf32>
      %add3A_1276 = arith.addf %add3A_1120, %mul3A_1275 : vector<16xf32>
      %broadcast_in_dim3A_1277 = arith.constant 93 : i32
      %broadcast_in_dim3A_1278 = vector.broadcast %broadcast_in_dim3A_1277 : i32 to vector<16xi32>
      %gather3A_1279 = tpu.vector_load_idx %arg8[%add3A_35, %broadcast_in_dim3A_1278] : memref<32x97xf32, #tpu.memory_space<vmem>>[vector<16xi32>, vector<16xi32>], vector<16xf32>,
      %gather3A_1280 = tpu.vector_load_idx %arg8[%add3A_38, %broadcast_in_dim3A_1278] : memref<32x97xf32, #tpu.memory_space<vmem>>[vector<16xi32>, vector<16xi32>], vector<16xf32>,
      %mul3A_1281 = arith.mulf %convert_element_type3A_39, %gather3A_1279 : vector<16xf32>
      %mul3A_1282 = arith.mulf %convert_element_type3A, %gather3A_1280 : vector<16xf32>
      %add3A_1283 = arith.addf %mul3A_1281, %mul3A_1282 : vector<16xf32>
      %add3A_1284 = arith.addf %add3A_1283, %sub3A_43 : vector<16xf32>
      %exp3A_1285 = math.exp %add3A_1284 : vector<16xf32>
      %mul3A_1286 = arith.constant 0.101228535 : f32
      %mul3A_1287 = vector.broadcast %mul3A_1286 : f32 to vector<16xf32>
      %mul3A_1288 = arith.mulf %mul3A_1287, %exp3A_1285 : vector<16xf32>
      %add3A_1289 = arith.addf %add3A_1133, %mul3A_1288 : vector<16xf32>
      %broadcast_in_dim3A_1290 = arith.constant 94 : i32
      %broadcast_in_dim3A_1291 = vector.broadcast %broadcast_in_dim3A_1290 : i32 to vector<16xi32>
      %gather3A_1292 = tpu.vector_load_idx %arg8[%add3A_35, %broadcast_in_dim3A_1291] : memref<32x97xf32, #tpu.memory_space<vmem>>[vector<16xi32>, vector<16xi32>], vector<16xf32>,
      %gather3A_1293 = tpu.vector_load_idx %arg8[%add3A_38, %broadcast_in_dim3A_1291] : memref<32x97xf32, #tpu.memory_space<vmem>>[vector<16xi32>, vector<16xi32>], vector<16xf32>,
      %mul3A_1294 = arith.mulf %convert_element_type3A_39, %gather3A_1292 : vector<16xf32>
      %mul3A_1295 = arith.mulf %convert_element_type3A, %gather3A_1293 : vector<16xf32>
      %add3A_1296 = arith.addf %mul3A_1294, %mul3A_1295 : vector<16xf32>
      %add3A_1297 = arith.addf %add3A_1296, %sub3A_43 : vector<16xf32>
      %exp3A_1298 = math.exp %add3A_1297 : vector<16xf32>
      %mul3A_1299 = arith.constant 0.101228535 : f32
      %mul3A_1300 = vector.broadcast %mul3A_1299 : f32 to vector<16xf32>
      %mul3A_1301 = arith.mulf %mul3A_1300, %exp3A_1298 : vector<16xf32>
      %add3A_1302 = arith.addf %add3A_1146, %mul3A_1301 : vector<16xf32>
      %broadcast_in_dim3A_1303 = arith.constant 95 : i32
      %broadcast_in_dim3A_1304 = vector.broadcast %broadcast_in_dim3A_1303 : i32 to vector<16xi32>
      %gather3A_1305 = tpu.vector_load_idx %arg8[%add3A_35, %broadcast_in_dim3A_1304] : memref<32x97xf32, #tpu.memory_space<vmem>>[vector<16xi32>, vector<16xi32>], vector<16xf32>,
      %gather3A_1306 = tpu.vector_load_idx %arg8[%add3A_38, %broadcast_in_dim3A_1304] : memref<32x97xf32, #tpu.memory_space<vmem>>[vector<16xi32>, vector<16xi32>], vector<16xf32>,
      %mul3A_1307 = arith.mulf %convert_element_type3A_39, %gather3A_1305 : vector<16xf32>
      %mul3A_1308 = arith.mulf %convert_element_type3A, %gather3A_1306 : vector<16xf32>
      %add3A_1309 = arith.addf %mul3A_1307, %mul3A_1308 : vector<16xf32>
      %add3A_1310 = arith.addf %add3A_1309, %sub3A_43 : vector<16xf32>
      %exp3A_1311 = math.exp %add3A_1310 : vector<16xf32>
      %mul3A_1312 = arith.constant 0.101228535 : f32
      %mul3A_1313 = vector.broadcast %mul3A_1312 : f32 to vector<16xf32>
      %mul3A_1314 = arith.mulf %mul3A_1313, %exp3A_1311 : vector<16xf32>
      %add3A_1315 = arith.addf %add3A_1159, %mul3A_1314 : vector<16xf32>
      %add3A_1316 = arith.constant 1.000000e+00 : f32
      %add3A_1317 = vector.broadcast %add3A_1316 : f32 to vector<16xf32>
      %add3A_1318 = arith.addf %convert_element_type3A, %add3A_1317 : vector<16xf32>
      %broadcast_in_dim3A_1319 = arith.constant 0.000000e+00 : f32
      %broadcast_in_dim3A_1320 = vector.broadcast %broadcast_in_dim3A_1319 : f32 to vector<16xf32>
      %broadcast_in_dim3A_1321 = arith.constant 0 : i32
      %broadcast_in_dim3A_1322 = vector.broadcast %broadcast_in_dim3A_1321 : i32 to vector<16xi32>
      %gather3A_1323 = tpu.vector_load_idx %arg9[%add3A_35, %broadcast_in_dim3A_1322] : memref<32x13xf32, #tpu.memory_space<vmem>>[vector<16xi32>, vector<16xi32>], vector<16xf32>,
      %gather3A_1324 = tpu.vector_load_idx %arg9[%add3A_38, %broadcast_in_dim3A_1322] : memref<32x13xf32, #tpu.memory_space<vmem>>[vector<16xi32>, vector<16xi32>], vector<16xf32>,
      %mul3A_1325 = arith.mulf %add3A_1318, %gather3A_1323 : vector<16xf32>
      %mul3A_1326 = arith.mulf %mul3A_1325, %add3A_1172 : vector<16xf32>
      %max3A = arith.constant 1.000000e-30 : f32
      %max3A_1327 = vector.broadcast %max3A : f32 to vector<16xf32>
      %max3A_1328 = arith.maximumf %mul3A_1326, %max3A_1327 : vector<16xf32>
      %mul3A_1329 = arith.mulf %gather3A_1324, %max3A_1328 : vector<16xf32>
      %add3A_1330 = arith.addf %broadcast_in_dim3A_1320, %mul3A_1329 : vector<16xf32>
      %broadcast_in_dim3A_1331 = arith.constant 1 : i32
      %broadcast_in_dim3A_1332 = vector.broadcast %broadcast_in_dim3A_1331 : i32 to vector<16xi32>
      %gather3A_1333 = tpu.vector_load_idx %arg9[%add3A_35, %broadcast_in_dim3A_1332] : memref<32x13xf32, #tpu.memory_space<vmem>>[vector<16xi32>, vector<16xi32>], vector<16xf32>,
      %gather3A_1334 = tpu.vector_load_idx %arg9[%add3A_38, %broadcast_in_dim3A_1332] : memref<32x13xf32, #tpu.memory_space<vmem>>[vector<16xi32>, vector<16xi32>], vector<16xf32>,
      %mul3A_1335 = arith.mulf %add3A_1318, %gather3A_1333 : vector<16xf32>
      %mul3A_1336 = arith.mulf %mul3A_1335, %add3A_1185 : vector<16xf32>
      %max3A_1337 = arith.constant 1.000000e-30 : f32
      %max3A_1338 = vector.broadcast %max3A_1337 : f32 to vector<16xf32>
      %max3A_1339 = arith.maximumf %mul3A_1336, %max3A_1338 : vector<16xf32>
      %mul3A_1340 = arith.mulf %gather3A_1334, %max3A_1339 : vector<16xf32>
      %add3A_1341 = arith.addf %add3A_1330, %mul3A_1340 : vector<16xf32>
      %broadcast_in_dim3A_1342 = arith.constant 2 : i32
      %broadcast_in_dim3A_1343 = vector.broadcast %broadcast_in_dim3A_1342 : i32 to vector<16xi32>
      %gather3A_1344 = tpu.vector_load_idx %arg9[%add3A_35, %broadcast_in_dim3A_1343] : memref<32x13xf32, #tpu.memory_space<vmem>>[vector<16xi32>, vector<16xi32>], vector<16xf32>,
      %gather3A_1345 = tpu.vector_load_idx %arg9[%add3A_38, %broadcast_in_dim3A_1343] : memref<32x13xf32, #tpu.memory_space<vmem>>[vector<16xi32>, vector<16xi32>], vector<16xf32>,
      %mul3A_1346 = arith.mulf %add3A_1318, %gather3A_1344 : vector<16xf32>
      %mul3A_1347 = arith.mulf %mul3A_1346, %add3A_1198 : vector<16xf32>
      %max3A_1348 = arith.constant 1.000000e-30 : f32
      %max3A_1349 = vector.broadcast %max3A_1348 : f32 to vector<16xf32>
      %max3A_1350 = arith.maximumf %mul3A_1347, %max3A_1349 : vector<16xf32>
      %mul3A_1351 = arith.mulf %gather3A_1345, %max3A_1350 : vector<16xf32>
      %add3A_1352 = arith.addf %add3A_1341, %mul3A_1351 : vector<16xf32>
      %broadcast_in_dim3A_1353 = arith.constant 3 : i32
      %broadcast_in_dim3A_1354 = vector.broadcast %broadcast_in_dim3A_1353 : i32 to vector<16xi32>
      %gather3A_1355 = tpu.vector_load_idx %arg9[%add3A_35, %broadcast_in_dim3A_1354] : memref<32x13xf32, #tpu.memory_space<vmem>>[vector<16xi32>, vector<16xi32>], vector<16xf32>,
      %gather3A_1356 = tpu.vector_load_idx %arg9[%add3A_38, %broadcast_in_dim3A_1354] : memref<32x13xf32, #tpu.memory_space<vmem>>[vector<16xi32>, vector<16xi32>], vector<16xf32>,
      %mul3A_1357 = arith.mulf %add3A_1318, %gather3A_1355 : vector<16xf32>
      %mul3A_1358 = arith.mulf %mul3A_1357, %add3A_1211 : vector<16xf32>
      %max3A_1359 = arith.constant 1.000000e-30 : f32
      %max3A_1360 = vector.broadcast %max3A_1359 : f32 to vector<16xf32>
      %max3A_1361 = arith.maximumf %mul3A_1358, %max3A_1360 : vector<16xf32>
      %mul3A_1362 = arith.mulf %gather3A_1356, %max3A_1361 : vector<16xf32>
      %add3A_1363 = arith.addf %add3A_1352, %mul3A_1362 : vector<16xf32>
      %broadcast_in_dim3A_1364 = arith.constant 4 : i32
      %broadcast_in_dim3A_1365 = vector.broadcast %broadcast_in_dim3A_1364 : i32 to vector<16xi32>
      %gather3A_1366 = tpu.vector_load_idx %arg9[%add3A_35, %broadcast_in_dim3A_1365] : memref<32x13xf32, #tpu.memory_space<vmem>>[vector<16xi32>, vector<16xi32>], vector<16xf32>,
      %gather3A_1367 = tpu.vector_load_idx %arg9[%add3A_38, %broadcast_in_dim3A_1365] : memref<32x13xf32, #tpu.memory_space<vmem>>[vector<16xi32>, vector<16xi32>], vector<16xf32>,
      %mul3A_1368 = arith.mulf %add3A_1318, %gather3A_1366 : vector<16xf32>
      %mul3A_1369 = arith.mulf %mul3A_1368, %add3A_1224 : vector<16xf32>
      %max3A_1370 = arith.constant 1.000000e-30 : f32
      %max3A_1371 = vector.broadcast %max3A_1370 : f32 to vector<16xf32>
      %max3A_1372 = arith.maximumf %mul3A_1369, %max3A_1371 : vector<16xf32>
      %mul3A_1373 = arith.mulf %gather3A_1367, %max3A_1372 : vector<16xf32>
      %add3A_1374 = arith.addf %add3A_1363, %mul3A_1373 : vector<16xf32>
      %broadcast_in_dim3A_1375 = arith.constant 5 : i32
      %broadcast_in_dim3A_1376 = vector.broadcast %broadcast_in_dim3A_1375 : i32 to vector<16xi32>
      %gather3A_1377 = tpu.vector_load_idx %arg9[%add3A_35, %broadcast_in_dim3A_1376] : memref<32x13xf32, #tpu.memory_space<vmem>>[vector<16xi32>, vector<16xi32>], vector<16xf32>,
      %gather3A_1378 = tpu.vector_load_idx %arg9[%add3A_38, %broadcast_in_dim3A_1376] : memref<32x13xf32, #tpu.memory_space<vmem>>[vector<16xi32>, vector<16xi32>], vector<16xf32>,
      %mul3A_1379 = arith.mulf %add3A_1318, %gather3A_1377 : vector<16xf32>
      %mul3A_1380 = arith.mulf %mul3A_1379, %add3A_1237 : vector<16xf32>
      %max3A_1381 = arith.constant 1.000000e-30 : f32
      %max3A_1382 = vector.broadcast %max3A_1381 : f32 to vector<16xf32>
      %max3A_1383 = arith.maximumf %mul3A_1380, %max3A_1382 : vector<16xf32>
      %mul3A_1384 = arith.mulf %gather3A_1378, %max3A_1383 : vector<16xf32>
      %add3A_1385 = arith.addf %add3A_1374, %mul3A_1384 : vector<16xf32>
      %broadcast_in_dim3A_1386 = arith.constant 6 : i32
      %broadcast_in_dim3A_1387 = vector.broadcast %broadcast_in_dim3A_1386 : i32 to vector<16xi32>
      %gather3A_1388 = tpu.vector_load_idx %arg9[%add3A_35, %broadcast_in_dim3A_1387] : memref<32x13xf32, #tpu.memory_space<vmem>>[vector<16xi32>, vector<16xi32>], vector<16xf32>,
      %gather3A_1389 = tpu.vector_load_idx %arg9[%add3A_38, %broadcast_in_dim3A_1387] : memref<32x13xf32, #tpu.memory_space<vmem>>[vector<16xi32>, vector<16xi32>], vector<16xf32>,
      %mul3A_1390 = arith.mulf %add3A_1318, %gather3A_1388 : vector<16xf32>
      %mul3A_1391 = arith.mulf %mul3A_1390, %add3A_1250 : vector<16xf32>
      %max3A_1392 = arith.constant 1.000000e-30 : f32
      %max3A_1393 = vector.broadcast %max3A_1392 : f32 to vector<16xf32>
      %max3A_1394 = arith.maximumf %mul3A_1391, %max3A_1393 : vector<16xf32>
      %mul3A_1395 = arith.mulf %gather3A_1389, %max3A_1394 : vector<16xf32>
      %add3A_1396 = arith.addf %add3A_1385, %mul3A_1395 : vector<16xf32>
      %broadcast_in_dim3A_1397 = arith.constant 7 : i32
      %broadcast_in_dim3A_1398 = vector.broadcast %broadcast_in_dim3A_1397 : i32 to vector<16xi32>
      %gather3A_1399 = tpu.vector_load_idx %arg9[%add3A_35, %broadcast_in_dim3A_1398] : memref<32x13xf32, #tpu.memory_space<vmem>>[vector<16xi32>, vector<16xi32>], vector<16xf32>,
      %gather3A_1400 = tpu.vector_load_idx %arg9[%add3A_38, %broadcast_in_dim3A_1398] : memref<32x13xf32, #tpu.memory_space<vmem>>[vector<16xi32>, vector<16xi32>], vector<16xf32>,
      %mul3A_1401 = arith.mulf %add3A_1318, %gather3A_1399 : vector<16xf32>
      %mul3A_1402 = arith.mulf %mul3A_1401, %add3A_1263 : vector<16xf32>
      %max3A_1403 = arith.constant 1.000000e-30 : f32
      %max3A_1404 = vector.broadcast %max3A_1403 : f32 to vector<16xf32>
      %max3A_1405 = arith.maximumf %mul3A_1402, %max3A_1404 : vector<16xf32>
      %mul3A_1406 = arith.mulf %gather3A_1400, %max3A_1405 : vector<16xf32>
      %add3A_1407 = arith.addf %add3A_1396, %mul3A_1406 : vector<16xf32>
      %broadcast_in_dim3A_1408 = arith.constant 8 : i32
      %broadcast_in_dim3A_1409 = vector.broadcast %broadcast_in_dim3A_1408 : i32 to vector<16xi32>
      %gather3A_1410 = tpu.vector_load_idx %arg9[%add3A_35, %broadcast_in_dim3A_1409] : memref<32x13xf32, #tpu.memory_space<vmem>>[vector<16xi32>, vector<16xi32>], vector<16xf32>,
      %gather3A_1411 = tpu.vector_load_idx %arg9[%add3A_38, %broadcast_in_dim3A_1409] : memref<32x13xf32, #tpu.memory_space<vmem>>[vector<16xi32>, vector<16xi32>], vector<16xf32>,
      %mul3A_1412 = arith.mulf %add3A_1318, %gather3A_1410 : vector<16xf32>
      %mul3A_1413 = arith.mulf %mul3A_1412, %add3A_1276 : vector<16xf32>
      %max3A_1414 = arith.constant 1.000000e-30 : f32
      %max3A_1415 = vector.broadcast %max3A_1414 : f32 to vector<16xf32>
      %max3A_1416 = arith.maximumf %mul3A_1413, %max3A_1415 : vector<16xf32>
      %mul3A_1417 = arith.mulf %gather3A_1411, %max3A_1416 : vector<16xf32>
      %add3A_1418 = arith.addf %add3A_1407, %mul3A_1417 : vector<16xf32>
      %broadcast_in_dim3A_1419 = arith.constant 9 : i32
      %broadcast_in_dim3A_1420 = vector.broadcast %broadcast_in_dim3A_1419 : i32 to vector<16xi32>
      %gather3A_1421 = tpu.vector_load_idx %arg9[%add3A_35, %broadcast_in_dim3A_1420] : memref<32x13xf32, #tpu.memory_space<vmem>>[vector<16xi32>, vector<16xi32>], vector<16xf32>,
      %gather3A_1422 = tpu.vector_load_idx %arg9[%add3A_38, %broadcast_in_dim3A_1420] : memref<32x13xf32, #tpu.memory_space<vmem>>[vector<16xi32>, vector<16xi32>], vector<16xf32>,
      %mul3A_1423 = arith.mulf %add3A_1318, %gather3A_1421 : vector<16xf32>
      %mul3A_1424 = arith.mulf %mul3A_1423, %add3A_1289 : vector<16xf32>
      %max3A_1425 = arith.constant 1.000000e-30 : f32
      %max3A_1426 = vector.broadcast %max3A_1425 : f32 to vector<16xf32>
      %max3A_1427 = arith.maximumf %mul3A_1424, %max3A_1426 : vector<16xf32>
      %mul3A_1428 = arith.mulf %gather3A_1422, %max3A_1427 : vector<16xf32>
      %add3A_1429 = arith.addf %add3A_1418, %mul3A_1428 : vector<16xf32>
      %broadcast_in_dim3A_1430 = arith.constant 10 : i32
      %broadcast_in_dim3A_1431 = vector.broadcast %broadcast_in_dim3A_1430 : i32 to vector<16xi32>
      %gather3A_1432 = tpu.vector_load_idx %arg9[%add3A_35, %broadcast_in_dim3A_1431] : memref<32x13xf32, #tpu.memory_space<vmem>>[vector<16xi32>, vector<16xi32>], vector<16xf32>,
      %gather3A_1433 = tpu.vector_load_idx %arg9[%add3A_38, %broadcast_in_dim3A_1431] : memref<32x13xf32, #tpu.memory_space<vmem>>[vector<16xi32>, vector<16xi32>], vector<16xf32>,
      %mul3A_1434 = arith.mulf %add3A_1318, %gather3A_1432 : vector<16xf32>
      %mul3A_1435 = arith.mulf %mul3A_1434, %add3A_1302 : vector<16xf32>
      %max3A_1436 = arith.constant 1.000000e-30 : f32
      %max3A_1437 = vector.broadcast %max3A_1436 : f32 to vector<16xf32>
      %max3A_1438 = arith.maximumf %mul3A_1435, %max3A_1437 : vector<16xf32>
      %mul3A_1439 = arith.mulf %gather3A_1433, %max3A_1438 : vector<16xf32>
      %add3A_1440 = arith.addf %add3A_1429, %mul3A_1439 : vector<16xf32>
      %broadcast_in_dim3A_1441 = arith.constant 11 : i32
      %broadcast_in_dim3A_1442 = vector.broadcast %broadcast_in_dim3A_1441 : i32 to vector<16xi32>
      %gather3A_1443 = tpu.vector_load_idx %arg9[%add3A_35, %broadcast_in_dim3A_1442] : memref<32x13xf32, #tpu.memory_space<vmem>>[vector<16xi32>, vector<16xi32>], vector<16xf32>,
      %gather3A_1444 = tpu.vector_load_idx %arg9[%add3A_38, %broadcast_in_dim3A_1442] : memref<32x13xf32, #tpu.memory_space<vmem>>[vector<16xi32>, vector<16xi32>], vector<16xf32>,
      %mul3A_1445 = arith.mulf %add3A_1318, %gather3A_1443 : vector<16xf32>
      %mul3A_1446 = arith.mulf %mul3A_1445, %add3A_1315 : vector<16xf32>
      %max3A_1447 = arith.constant 1.000000e-30 : f32
      %max3A_1448 = vector.broadcast %max3A_1447 : f32 to vector<16xf32>
      %max3A_1449 = arith.maximumf %mul3A_1446, %max3A_1448 : vector<16xf32>
      %mul3A_1450 = arith.mulf %gather3A_1444, %max3A_1449 : vector<16xf32>
      %add3A_1451 = arith.addf %add3A_1440, %mul3A_1450 : vector<16xf32>
      %bitcast_convert_type3A = tpu.bitcast %add3A_1451 : vector<16xf32> -> vector<16xi32>
      %shift_right_logical3A = arith.constant 23 : i32
      %shift_right_logical3A_1452 = vector.broadcast %shift_right_logical3A : i32 to vector<16xi32>
      %shift_right_logical3A_1453 = arith.shrui %bitcast_convert_type3A, %shift_right_logical3A_1452 : vector<16xi32>
      %sub3A_1454 = arith.constant 127 : i32
      %sub3A_1455 = vector.broadcast %sub3A_1454 : i32 to vector<16xi32>
      %sub3A_1456 = arith.subi %shift_right_logical3A_1453, %sub3A_1455 : vector<16xi32>
      %and3A = arith.constant 8388607 : i32
      %and3A_1457 = vector.broadcast %and3A : i32 to vector<16xi32>
      %and3A_1458 = arith.andi %bitcast_convert_type3A, %and3A_1457 : vector<16xi32>
      %or3A = arith.constant 1065353216 : i32
      %or3A_1459 = vector.broadcast %or3A : i32 to vector<16xi32>
      %or3A_1460 = arith.ori %and3A_1458, %or3A_1459 : vector<16xi32>
      %bitcast_convert_type3A_1461 = tpu.bitcast %or3A_1460 : vector<16xi32> -> vector<16xf32>
      %gt3A = arith.constant 1.41421354 : f32
      %gt3A_1462 = vector.broadcast %gt3A : f32 to vector<16xf32>
      %gt3A_1463 = arith.cmpf ogt, %bitcast_convert_type3A_1461, %gt3A_1462 : vector<16xf32>
      %mul3A_1464 = arith.constant 5.000000e-01 : f32
      %mul3A_1465 = vector.broadcast %mul3A_1464 : f32 to vector<16xf32>
      %mul3A_1466 = arith.mulf %bitcast_convert_type3A_1461, %mul3A_1465 : vector<16xf32>
      %select_n3A_1467 = arith.select %gt3A_1463, %mul3A_1466, %bitcast_convert_type3A_1461 : vector<16xi1>, vector<16xf32>
      %broadcast_in_dim3A_1468 = arith.constant 1 : i32
      %broadcast_in_dim3A_1469 = vector.broadcast %broadcast_in_dim3A_1468 : i32 to vector<16xi32>
      %broadcast_in_dim3A_1470 = arith.constant 0 : i32
      %broadcast_in_dim3A_1471 = vector.broadcast %broadcast_in_dim3A_1470 : i32 to vector<16xi32>
      %select_n3A_1472 = arith.select %gt3A_1463, %broadcast_in_dim3A_1469, %broadcast_in_dim3A_1471 : vector<16xi1>, vector<16xi32>
      %add3A_1473 = arith.addi %sub3A_1456, %select_n3A_1472 : vector<16xi32>
      %convert_element_type3A_1474 = arith.sitofp %add3A_1473 : vector<16xi32> to vector<16xf32>
      %sub3A_1475 = arith.constant 1.000000e+00 : f32
      %sub3A_1476 = vector.broadcast %sub3A_1475 : f32 to vector<16xf32>
      %sub3A_1477 = arith.subf %select_n3A_1467, %sub3A_1476 : vector<16xf32>
      %add3A_1478 = arith.constant 1.000000e+00 : f32
      %add3A_1479 = vector.broadcast %add3A_1478 : f32 to vector<16xf32>
      %add3A_1480 = arith.addf %select_n3A_1467, %add3A_1479 : vector<16xf32>
      %div3A = arith.divf %sub3A_1477, %add3A_1480 : vector<16xf32>
      %mul3A_1481 = arith.mulf %div3A, %div3A : vector<16xf32>
      %mul3A_1482 = arith.constant 0.111111112 : f32
      %mul3A_1483 = vector.broadcast %mul3A_1482 : f32 to vector<16xf32>
      %mul3A_1484 = arith.mulf %mul3A_1481, %mul3A_1483 : vector<16xf32>
      %add3A_1485 = arith.constant 0.142857149 : f32
      %add3A_1486 = vector.broadcast %add3A_1485 : f32 to vector<16xf32>
      %add3A_1487 = arith.addf %add3A_1486, %mul3A_1484 : vector<16xf32>
      %mul3A_1488 = arith.mulf %mul3A_1481, %add3A_1487 : vector<16xf32>
      %add3A_1489 = arith.constant 2.000000e-01 : f32
      %add3A_1490 = vector.broadcast %add3A_1489 : f32 to vector<16xf32>
      %add3A_1491 = arith.addf %add3A_1490, %mul3A_1488 : vector<16xf32>
      %mul3A_1492 = arith.mulf %mul3A_1481, %add3A_1491 : vector<16xf32>
      %add3A_1493 = arith.constant 0.333333343 : f32
      %add3A_1494 = vector.broadcast %add3A_1493 : f32 to vector<16xf32>
      %add3A_1495 = arith.addf %add3A_1494, %mul3A_1492 : vector<16xf32>
      %mul3A_1496 = arith.mulf %mul3A_1481, %add3A_1495 : vector<16xf32>
      %add3A_1497 = arith.constant 1.000000e+00 : f32
      %add3A_1498 = vector.broadcast %add3A_1497 : f32 to vector<16xf32>
      %add3A_1499 = arith.addf %add3A_1498, %mul3A_1496 : vector<16xf32>
      %mul3A_1500 = arith.constant 2.000000e+00 : f32
      %mul3A_1501 = vector.broadcast %mul3A_1500 : f32 to vector<16xf32>
      %mul3A_1502 = arith.mulf %mul3A_1501, %div3A : vector<16xf32>
      %mul3A_1503 = arith.mulf %mul3A_1502, %add3A_1499 : vector<16xf32>
      %mul3A_1504 = arith.constant 0.693147182 : f32
      %mul3A_1505 = vector.broadcast %mul3A_1504 : f32 to vector<16xf32>
      %mul3A_1506 = arith.mulf %convert_element_type3A_1474, %mul3A_1505 : vector<16xf32>
      %add3A_1507 = arith.addf %mul3A_1503, %mul3A_1506 : vector<16xf32>
      %sub3A_1508 = arith.subf %add3A_1507, %gather3A_44 : vector<16xf32>
      %swap3A = arith.index_cast %mul3A_10 : i32 to index
      %swap3A_1509 = tpu.vector_load %arg11[%swap3A] {strides = array<i32>} : memref<512xf32, #tpu.memory_space<vmem>>, vector<16xf32>,
      tpu.vector_store %arg11[%swap3A], %sub3A_1508 {strides = array<i32>} : memref<512xf32, #tpu.memory_space<vmem>>, vector<16xf32>,
    }
    %scan3A_7 = arith.constant 32 : i32
    "tpu.region"() ({
      %run_scoped3A = tpu.sem_alloc : memref<!tpu.dma_semaphore, #tpu.memory_space<semaphore_mem>>
      %dma_start3A = tpu.memref_slice %arg6[%mul3A_2] : memref<16384xf32, #tpu.memory_space<hbm>> -> memref<512xf32, #tpu.memory_space<hbm>>
      %dma_start3A_8 = tpu.memref_slice %arg6[%mul3A_2] : memref<16384xf32, #tpu.memory_space<hbm>> -> memref<512xf32, #tpu.memory_space<hbm>>
      tpu.enqueue_dma source(%arg11 : memref<512xf32, #tpu.memory_space<vmem>>) target(%dma_start3A_8 : memref<512xf32, #tpu.memory_space<hbm>>) target_semaphore(%run_scoped3A : memref<!tpu.dma_semaphore, #tpu.memory_space<semaphore_mem>>)
      %dma_wait3A = tpu.memref_slice %arg6[%mul3A_2] : memref<16384xf32, #tpu.memory_space<hbm>> -> memref<512xf32, #tpu.memory_space<hbm>>
      %dma_wait3A_9 = tpu.memref_slice %arg6[%mul3A_2] : memref<16384xf32, #tpu.memory_space<hbm>> -> memref<512xf32, #tpu.memory_space<hbm>>
      tpu.wait_dma2 semaphore(%run_scoped3A : memref<!tpu.dma_semaphore, #tpu.memory_space<semaphore_mem>>) src(%arg11 : memref<512xf32, #tpu.memory_space<vmem>>) dst(%dma_wait3A_9 : memref<512xf32, #tpu.memory_space<hbm>>)
      tpu.yield
    }) : () -> ()
    return
  }
}

module attributes {stable_mosaic.version = 14 : i64} {
  func.func @_prep_kernel(%arg0: memref<16x12xf32, #tpu.memory_space<vmem>>, %arg1: memref<16x12xf32, #tpu.memory_space<vmem>>, %arg2: memref<16x12xf32, #tpu.memory_space<vmem>>, %arg3: memref<1x96xf32, #tpu.memory_space<vmem>>, %arg4: memref<12x96xf32, #tpu.memory_space<vmem>>, %arg5: memref<32x96xf32, #tpu.memory_space<vmem>>, %arg6: memref<32x12xf32, #tpu.memory_space<vmem>>) attributes {dimension_semantics = [], scalar_prefetch = 0 : i64, scratch_operands = 0 : i64, tpu.core_type = #tpu.core_type<tc>} {
    %get3A = arith.constant 0 : index
    %get3A_0 = arith.constant 0 : index
    %get3A_1 = vector.load %arg0[%get3A, %get3A_0] : memref<16x12xf32, #tpu.memory_space<vmem>>, vector<16x12xf32>
    %get3A_2 = arith.constant 0 : index
    %get3A_3 = arith.constant 0 : index
    %get3A_4 = vector.load %arg1[%get3A_2, %get3A_3] : memref<16x12xf32, #tpu.memory_space<vmem>>, vector<16x12xf32>
    %logistic3A = arith.negf %get3A_1 : vector<16x12xf32>
    %logistic3A_5 = math.exp %logistic3A : vector<16x12xf32>
    %logistic3A_6 = arith.constant 1.000000e+00 : f32
    %logistic3A_7 = vector.broadcast %logistic3A_6 : f32 to vector<16x12xf32>
    %logistic3A_8 = arith.addf %logistic3A_7, %logistic3A_5 : vector<16x12xf32>
    %logistic3A_9 = arith.divf %logistic3A_7, %logistic3A_8 : vector<16x12xf32>
    %exp3A = math.exp %get3A_4 : vector<16x12xf32>
    %add3A = arith.addf %get3A_1, %exp3A : vector<16x12xf32>
    %logistic3A_10 = arith.negf %add3A : vector<16x12xf32>
    %logistic3A_11 = math.exp %logistic3A_10 : vector<16x12xf32>
    %logistic3A_12 = arith.constant 1.000000e+00 : f32
    %logistic3A_13 = vector.broadcast %logistic3A_12 : f32 to vector<16x12xf32>
    %logistic3A_14 = arith.addf %logistic3A_13, %logistic3A_11 : vector<16x12xf32>
    %logistic3A_15 = arith.divf %logistic3A_13, %logistic3A_14 : vector<16x12xf32>
    %add3A_16 = arith.addf %logistic3A_9, %logistic3A_15 : vector<16x12xf32>
    %mul3A = arith.constant 5.000000e-01 : f32
    %mul3A_17 = vector.broadcast %mul3A : f32 to vector<16x12xf32>
    %mul3A_18 = arith.mulf %add3A_16, %mul3A_17 : vector<16x12xf32>
    %sub3A = arith.subf %logistic3A_15, %logistic3A_9 : vector<16x12xf32>
    %mul3A_19 = arith.constant 5.000000e-01 : f32
    %mul3A_20 = vector.broadcast %mul3A_19 : f32 to vector<16x12xf32>
    %mul3A_21 = arith.mulf %sub3A, %mul3A_20 : vector<16x12xf32>
    %get3A_22 = arith.constant 0 : index
    %get3A_23 = arith.constant 0 : index
    %get3A_24 = vector.load %arg4[%get3A_22, %get3A_23] : memref<12x96xf32, #tpu.memory_space<vmem>>, vector<12x96xf32>
    %dot_general3A = arith.constant dense<0.000000e+00> : vector<16x96xf32>
    %dot_general3A_25 = tpu.matmul %mul3A_18, %get3A_24, %dot_general3A {dimension_numbers = #tpu.dot_dimension_numbers<[1], [0], [0], [1], [0, 0, 1, 1], [], []>, transpose_lhs_hint = false} : vector<16x12xf32>, vector<12x96xf32>, vector<16x96xf32> -> vector<16x96xf32>
    %dot_general3A_26 = arith.constant dense<0.000000e+00> : vector<16x96xf32>
    %dot_general3A_27 = tpu.matmul %mul3A_21, %get3A_24, %dot_general3A_26 {dimension_numbers = #tpu.dot_dimension_numbers<[1], [0], [0], [1], [0, 0, 1, 1], [], []>, transpose_lhs_hint = false} : vector<16x12xf32>, vector<12x96xf32>, vector<16x96xf32> -> vector<16x96xf32>
    %get3A_28 = arith.constant 0 : index
    %get3A_29 = arith.constant 0 : index
    %get3A_30 = vector.load %arg3[%get3A_28, %get3A_29] : memref<1x96xf32, #tpu.memory_space<vmem>>, vector<1x96xf32>
    %mul3A_31 = vector.broadcast %get3A_30 : vector<1x96xf32> to vector<16x96xf32>
    %mul3A_32 = arith.mulf %dot_general3A_27, %mul3A_31 : vector<16x96xf32>
    %add3A_33 = arith.addf %dot_general3A_25, %mul3A_32 : vector<16x96xf32>
    %neg3A = arith.constant 0.000000e+00 : f32
    %neg3A_34 = vector.broadcast %neg3A : f32 to vector<16x96xf32>
    %neg3A_35 = arith.subf %neg3A_34, %add3A_33 : vector<16x96xf32>
    %log1p3A = math.log1p %neg3A_35 : vector<16x96xf32>
    %log3A = math.log %add3A_33 : vector<16x96xf32>
    %sub3A_36 = arith.subf %log3A, %log1p3A : vector<16x96xf32>
    %concatenate3A = tpu.concatenate %sub3A_36, %log1p3A in 0 : vector<16x96xf32>, vector<16x96xf32> -> vector<32x96xf32>
    %swap3A = arith.constant 0 : index
    %swap3A_37 = arith.constant 0 : index
    %swap3A_38 = vector.load %arg5[%swap3A, %swap3A_37] : memref<32x96xf32, #tpu.memory_space<vmem>>, vector<32x96xf32>
    tpu.vector_store %arg5[%swap3A, %swap3A_37], %concatenate3A {strides = array<i32>} : memref<32x96xf32, #tpu.memory_space<vmem>>, vector<32x96xf32>,
    %get3A_39 = arith.constant 0 : index
    %get3A_40 = arith.constant 0 : index
    %get3A_41 = vector.load %arg2[%get3A_39, %get3A_40] : memref<16x12xf32, #tpu.memory_space<vmem>>, vector<16x12xf32>
    %reduce_max3A = arith.constant dense<0xFF800000> : vector<16xf32>
    %reduce_max3A_42 = vector.multi_reduction <maximumf>, %get3A_41, %reduce_max3A [1] : vector<16x12xf32> to vector<16xf32>
    %max3A = arith.constant 0xFF800000 : f32
    %max3A_43 = vector.broadcast %max3A : f32 to vector<16xf32>
    %max3A_44 = arith.maximumf %max3A_43, %reduce_max3A_42 : vector<16xf32>
    %broadcast_in_dim3A = vector.shape_cast %max3A_44 : vector<16xf32> to vector<16x1xf32>
    %sub3A_45 = vector.broadcast %broadcast_in_dim3A : vector<16x1xf32> to vector<16x12xf32>
    %sub3A_46 = arith.subf %get3A_41, %sub3A_45 : vector<16x12xf32>
    %exp3A_47 = math.exp %sub3A_46 : vector<16x12xf32>
    %reduce_sum3A = arith.constant dense<0.000000e+00> : vector<16xf32>
    %reduce_sum3A_48 = vector.multi_reduction <add>, %exp3A_47, %reduce_sum3A [1] : vector<16x12xf32> to vector<16xf32>
    %broadcast_in_dim3A_49 = vector.shape_cast %reduce_sum3A_48 : vector<16xf32> to vector<16x1xf32>
    %div3A = vector.broadcast %broadcast_in_dim3A_49 : vector<16x1xf32> to vector<16x12xf32>
    %div3A_50 = arith.divf %exp3A_47, %div3A : vector<16x12xf32>
    %sub3A_51 = arith.subf %logistic3A_15, %logistic3A_9 : vector<16x12xf32>
    %div3A_52 = arith.divf %div3A_50, %sub3A_51 : vector<16x12xf32>
    %concatenate3A_53 = tpu.concatenate %mul3A_21, %div3A_52 in 0 : vector<16x12xf32>, vector<16x12xf32> -> vector<32x12xf32>
    %swap3A_54 = arith.constant 0 : index
    %swap3A_55 = arith.constant 0 : index
    %swap3A_56 = vector.load %arg6[%swap3A_54, %swap3A_55] : memref<32x12xf32, #tpu.memory_space<vmem>>, vector<32x12xf32>
    tpu.vector_store %arg6[%swap3A_54, %swap3A_55], %concatenate3A_53 {strides = array<i32>} : memref<32x12xf32, #tpu.memory_space<vmem>>, vector<32x12xf32>,
    return
  }
}

</mosaic_0001>

<sc_bundles>
// kernel: kernel.4.cloned.1.call-start
scs
__scs_entry_jumppad:
0x0: {  	(pc) =	sbr.rel $0x88, $3  }
0x1: {  	(tag) =	ssettag $0x0;
	lr =	simm.s32 $0x1  }
0x2: {  	[smem:$0x3F9B] =	sst lr;
	_ =	strace $0xD0000000  }
0x3: {  	_ = 	snop  }
0x4: {  	_ = 	snop  }
0x5: {  	_ = 	snop  }
0x6: {  	_ = 	snop  }
0x7: {  	_ = 	snop  }
__scs_overlays_trampoline_lowered:
0x8: {  	[smem:$0x3FAA] =	sst s0  }
0x9: {  	[smem:$0x3FAB] =	sst s1  }
0xa: {  	[smem:$0x3FAC] =	sst s2  }
0xb: {  	[smem:$0x3FAD] =	sst s3  }
0xc: {  	[smem:$0x3FAE] =	sst s4  }
0xd: {  	[smem:$0x3FAF] =	sst s5  }
0xe: {  	[smem:$0x3FB0] =	sst s6  }
0xf: {  	[smem:$0x3FB1] =	sst s7  }
0x10: {  	[smem:$0x3FB2] =	sst s8  }
0x11: {  	[smem:$0x3FB3] =	sst s9;
	s0 =	simm.s32 @!p0 $0x0  }
0x12: {  	s1 =	sld [smem:$0x3F99];
	s0 =	simm.s32 @p0 $0x1  }
0x13: {  	[smem:$0x3FB4] =	sst s0;
	s0 =	simm.s32 @!p1 $0x0  }
0x14: {  	s2 =	sld [smem:$0x3F98];
	s0 =	simm.s32 @p1 $0x1  }
0x15: {  	[smem:$0x3FB5] =	sst s0;
	s0 =	simm.s32 @!p2 $0x0  }
0x16: {  	s3 =	sld [smem:$0x3FDB];
	s0 =	simm.s32 @p2 $0x1  }
0x17: {  	s4 =	simm.s32 $0x1BF5;
	[smem:$0x3FB7] =	sst s0  }
0x18: {  	s0 =	sld [smem:$0x3F9A];
	_ =	swait.ge [sflag:s4], $0x0  }
0x19: {  	s7 =	sld [smem:$0x3F9B]  }
0x1a: {  	s8 =	sadd.s32 $0xFFFFE003, lr  }
0x1b: {  	s9 =	sadd.s32 $0xFFFFFEF7, lr;
	s5 =	simm.s32 $0xFFFFFFFF;
	p2 =	slt.u32 s8, $0xFFFFF086  }
0x1c: {  	p1 =	slt.u32 s9, $0xF7A;
	s5 =	simm.s32 @!p2 $0x0  }
0x1d: {  	s5 =	simm.s32 @p1 $0x1;
	p0 =	seq.s32 s7, s2  }
0x1e: {  	s7 =	smul.u32 @!p0 $0xF7A, s2;
	p2 =	seq.s32 @!p0 s5, $0x0  }
0x1f: {  	s9 =	smul.u32 $0xF7A, s1;
	s8 =	simm.s32 @!p0 $0x1BF5;
	p2 =	por !p2, p0  }
0x20: {  	[sflag:s8] =	ssyncset.s32 @!p0 $0xFFFFF086;
	s6 =	sadd.s32 @!p0 s3, s7;
	s7 =	simm.s32 @!p0 $0x108  }
0x21: {  	s3 =	sadd.s32 s3, s9;
	s6 =	sadd.s32 @!p0 $0x88, s6;
	s7 =	simm.s32 @p2 $0x1082  }
0x22: {  	[simem:s7], [sflag:s8] =	dma.local @!p0 [hbm:s6], $0xF7A  }
0x23: {  	s9 =	sor.u32 $0xD0000000, s2;
	s6 =	simm.s32 $0x108;
	_ =	swait.ge @!p0 [sflag:s8], $0x0  }
0x24: {  	s3 =	sadd.s32 $0x88, s3;
	s6 =	simm.s32 @!p1 $0x1082;
	[sflag:s4] =	ssyncset.s32 $0xFFFFF086  }
0x25: {  	[simem:s6], [sflag:s4] =	dma.local [hbm:s3], $0xF7A  }
0x26: {  	[smem:$0x3F9B] =	sst s1;
	(tag) =	ssettag s2;
	_ =	strace s9  }
0x27: {  	s1 =	sld [smem:$0x3FAB]  }
0x28: {  	s2 =	sld [smem:$0x3FAC]  }
0x29: {  	s4 =	sld [smem:$0x3FAE]  }
0x2a: {  	p0 =	seq.s32 s5, $0x0;
	s5 =	sld [smem:$0x3FAF]  }
0x2b: {  	s6 =	sld [smem:$0x3FB0]  }
0x2c: {  	s7 =	sld [smem:$0x3FB1]  }
0x2d: {  	s3 =	simm.s32 $0x108;
	s8 =	sld [smem:$0x3FB2]  }
0x2e: {  	s3 =	simm.s32 @!p0 $0x1082;
	s9 =	sld [smem:$0x3FB3]  }
0x2f: {  	lr =	sadd.s32 s0, s3;
	s0 =	sld [smem:$0x3FAA]  }
0x30: {  	s3 =	sld [smem:$0x3FAD]  }
0x31: {  	[smem:$0x3FB6] =	sst s10  }
0x32: {  	s10 =	sld [smem:$0x3FB4];
	_ =	sdelay $0x3  }
0x33: {  	p0 =	seq.s32 s10, $0x1;
	s10 =	sld [smem:$0x3FB6];
	_ =	sdelay $0x3  }
0x34: {  	[smem:$0x3FB6] =	sst s10  }
0x35: {  	s10 =	sld [smem:$0x3FB5];
	_ =	sdelay $0x3  }
0x36: {  	p1 =	seq.s32 s10, $0x1;
	s10 =	sld [smem:$0x3FB6];
	_ =	sdelay $0x3  }
0x37: {  	[smem:$0x3FB6] =	sst s10  }
0x38: {  	s10 =	sld [smem:$0x3FB7]  }
0x39: {  	_ = 	snop;
	(pc) =	sbr.ind lr, $3  }
0x3a: {  	_ = 	snop  }
0x3b: {  	_ = 	snop  }
0x3c: {  	p2 =	seq.s32 s10, $0x1;
	s10 =	sld [smem:$0x3FB6]  }
0x3d: {  	_ =	shalt  }
0x3e: {  	_ =	shalt  }
0x3f: {  	_ =	shalt  }
0x40: {  	_ =	shalt  }
0x41: {  	_ =	shalt  }
0x42: {  	_ =	shalt  }
0x43: {  	_ =	shalt  }
0x44: {  	_ =	shalt  }
0x45: {  	_ =	shalt  }
0x46: {  	_ =	shalt  }
0x47: {  	_ =	shalt  }
0x48: {  	_ =	shalt  }
0x49: {  	_ =	shalt  }
0x4a: {  	_ =	shalt  }
0x4b: {  	_ =	shalt  }
0x4c: {  	_ =	shalt  }
0x4d: {  	_ =	shalt  }
0x4e: {  	_ =	shalt  }
0x4f: {  	_ =	shalt  }
0x50: {  	_ =	shalt  }
0x51: {  	_ =	shalt  }
0x52: {  	_ =	shalt  }
0x53: {  	_ =	shalt  }
0x54: {  	_ =	shalt  }
0x55: {  	_ =	shalt  }
0x56: {  	_ =	shalt  }
0x57: {  	_ =	shalt  }
0x58: {  	_ =	shalt  }
0x59: {  	_ =	shalt  }
0x5a: {  	_ =	shalt  }
0x5b: {  	_ =	shalt  }
0x5c: {  	_ =	shalt  }
0x5d: {  	_ =	shalt  }
0x5e: {  	_ =	shalt  }
0x5f: {  	_ =	shalt  }
0x60: {  	_ =	shalt  }
0x61: {  	_ =	shalt  }
0x62: {  	_ =	shalt  }
0x63: {  	_ =	shalt  }
0x64: {  	_ =	shalt  }
0x65: {  	_ =	shalt  }
0x66: {  	_ =	shalt  }
0x67: {  	_ =	shalt  }
0x68: {  	_ =	shalt  }
0x69: {  	_ =	shalt  }
0x6a: {  	_ =	shalt  }
0x6b: {  	_ =	shalt  }
0x6c: {  	_ =	shalt  }
0x6d: {  	_ =	shalt  }
0x6e: {  	_ =	shalt  }
0x6f: {  	_ =	shalt  }
0x70: {  	_ =	shalt  }
0x71: {  	_ =	shalt  }
0x72: {  	_ =	shalt  }
0x73: {  	_ =	shalt  }
0x74: {  	_ =	shalt  }
0x75: {  	_ =	shalt  }
0x76: {  	_ =	shalt  }
0x77: {  	_ =	shalt  }
0x78: {  	_ =	shalt  }
0x79: {  	_ =	shalt  }
0x7a: {  	_ =	shalt  }
0x7b: {  	_ =	shalt  }
0x7c: {  	_ =	shalt  }
0x7d: {  	_ =	shalt  }
0x7e: {  	_ =	shalt  }
0x7f: {  	_ =	shalt  }
0x80: {  	_ =	shalt  }
0x81: {  	_ =	shalt  }
0x82: {  	_ =	shalt  }
0x83: {  	_ =	shalt  }
0x84: {  	_ =	shalt  }
0x85: {  	_ =	shalt  }
0x86: {  	_ =	shalt  }
0x87: {  	_ =	shalt  }
.Lfunc_end0:
.L_simem_size_0:
called_computation_lowered:
.L_overlay_start_0:
0x88: {  	s2 =	sld [smem:$0x3FD9]  }
0x89: {  	s3 =	sld [smem:$0x3FFE];
	_ =	sdelay $0x1  }
0x8a: {  	s1 =	srdreg.scid  }
0x8b: {  	s0 =	sand.u32 $0x1, s1  }
0x8c: {  	s17 =	sshll.u32 s0, $0xA;
	s2 =	sadd.s32 s3, s2  }
0x8d: {  	s2 =	sadd.s32 s2, s17  }
0x8e: {  	[smem:$0x3FC2] =	sst s2  }
0x8f: {  	_ = 	snop  }
0x90: {  	s2 =	sld [smem:$0x3FD0];
	(tm) =	ssettm $0x1  }
0x91: {  	s18 =	sld [smem:$0x3FFB];
	_ =	sdelay $0x3  }
0x92: {  	_ =	strace s18  }
0x93: {  	s3 =	sld [smem:$0x3FFC];
	_ =	sdelay $0x3  }
0x94: {  	_ =	strace s3  }
0x95: {  	s3 =	sld [smem:$0x3FFD];
	_ =	sdelay $0x3  }
0x96: {  	_ =	strace s3  }
0x97: {  	_ =	strace $0x8FFFFFFF  }
0x98: {  	s19 =	sld [smem:$0x3FDB];
	_ =	sdelay $0x1  }
0x99: {  	s4 =	simm.s32 $_scs_section_size  }
0x9a: {  	s5 =	simm.s32 $_size__tile_overlayer_lowered;
	s6 =	simm.s32 $_tile_overlayer_lowered  }
0x9b: {  	s22 =	simm.s32 $0x1BFF;
	s21 =	sshll.u32 s6, $0x1;
	s3 =	sadd.s32 s4, s19  }
0x9c: {  	s7 =	simm.s32 $0x0;
	s20 =	sshll.u32 s5, $0x1;
	s5 =	sadd.s32 s21, s3  }
0x9d: {  	[timem:s7], [sflag:s22] =	dma.local [hbm:s5], s20  }
0x9e: {  	_ =	swait.ge [sflag:s22], s20  }
0x9f: {  	s4 =	ssub.s32 $0x0, s20;
	[sflag:s22] =	ssyncset.done $0x0  }
0xa0: {  	[sflag:s22] =	ssyncadd.s32 s4;
	_ =	sdelay $0x1  }
0xa1: {  	s23 =	simm.s32 $0x1B8B  }
0xa2: {  	_ =	swait.ge [sflag:s23], $0x1  }
0xa3: {  	[sflag:s23] =	ssyncset.done $0x0  }
0xa4: {  	s25 =	simm.s32 $0x1B8E;
	s24 =	sld [smem:$0x3FFE];
	[sflag:s23] =	ssyncadd.s32 $0xFFFFFFFF  }
0xa5: {  	s26 =	simm.s32 $execute0_lowered;
	[smem:$0x3FD2] =	sst s25  }
0xa6: {  	s5 =	sshll.u32 s26, $0x1;
	_ =	strace $0x80000046;
	[dreg:$0x1] =	wrdreg $0xFFFFFFFF  }
0xa7: {  	s28 =	simm.s32 $_size_execute0_lowered;
	s3 =	sadd.s32 s3, s5;
	[dreg:$0x0] =	wrdreg $0x0  }
0xa8: {  	s5 =	sshll.u32 s28, $0x1;
	[dreg:$0x2] =	wrdreg s3  }
0xa9: {  	[dreg:$0x3] =	wrdreg s5  }
0xaa: {  	[dreg:$0x4] =	wrdreg $0xC0  }
0xab: {  	_ =	task [dreg:s7], $0x5FFFF  }
0xac: {  	[dreg:$0x1] =	wrdreg $0xFFFFFFFF  }
0xad: {  	[dreg:$0x0] =	wrdreg $0x60  }
0xae: {  	[dreg:$0x2] =	wrdreg s24  }
0xaf: {  	[dreg:$0x3] =	wrdreg s2  }
0xb0: {  	[dreg:$0x4] =	wrdreg $0x9  }
0xb1: {  	_ =	task.clear_ibuf [dreg:s7], $0x5FFFF;
	_ =	strace $0x90000046  }
0xb2: {  	s29 =	simm.s32 $0x9;
	_ =	strace $0x80000048  }
0xb3: {  	_ =	swait.ge [sflag:s29], $0x1  }
0xb4: {  	[sflag:s29] =	ssyncadd.s32 $0xFFFFFFFF  }
0xb5: {  	_ =	strace $0x90000048  }
0xb6: {  	_ =	sfence  }
0xb7: {  	s30 =	sld [smem:$0x0];
	_ =	sdelay $0x2  }
0xb8: {  	s31 =	sshll.u32 s1, $0xD;
	s1 =	sshrl.u32 s1, $0x2  }
0xb9: {  	s3 =	sand.u32 $0x4000, s31;
	s1 =	sadd.s32 s1, s30  }
0xba: {  	s0 =	sor.u32 s3, s0;
	s1 =	sshll.u32 s1, $0x11  }
0xbb: {  	s0 =	sor.u32 s1, s0  }
0xbc: {  	s0 =	sadd.s32 $0x8F2B, s0  }
0xbd: {  	[sflag:s0] =	ssyncadd.remote.s32 $0x1  }
0xbe: {  	_ =	sfence.sel $0xFFFF  }
0xbf: {  	[dreg:$0x0] =	wrdreg $0xFFFFFFFF;
	(pc) =	sbr.abs _section_cstart, $3  }
0xc0: {  	[dreg:$0x1] =	wrdreg $0xFFFFFFFF  }
0xc1: {  	_ =	task.clear_ibuf [dreg:s7], $0x2FFFF;
	_ =	strace $0x9FFFFFFF  }
0xc2: {  	(tm) =	ssettm $0x7FFFFFFF  }
0xc3: {  	_ =	shalt  }
tec
execute0_lowered:
.L_overlay_start_1:
0x0: {  	(tag) =	ssettag $0x1  }
0x1: {  	s5 =	rddreg [dreg:$0x0]  }
0x2: {  	s7 =	rddreg [dreg:$0x1]  }
0x3: {  	s0 =	rddreg [dreg:$0x2]  }
0x4: {  	s3 =	srdreg.scid;
	s2 =	simm.s32 $0x0;
	s1 =	stileid.u32  }
0x5: {  	s11 =	simm.s32 $0x1;
	s12 =	simm.s32 $0x600;
	s13 =	simm.s32 $0x1300  }
0x6: {  	s14 =	simm.s32 $0x1500;
	s15 =	simm.s32 $0x1600;
	s16 =	simm.s32 $0x0  }
0x7: {  	s4 =	sand.u32 $0x1, s3;
	[smem:$0x7FF] =	sst s2;
	s31 =	sshll.u32 s1, $0x7  }
0x8: {  	s3 =	sadd.s32 $0x2A00, s5;
	s6 =	sshll.u32 s4, $0x6;
	_ =	strace $0x80000047  }
0x9: {  	s9 =	ssub.s32 $0x2, s4;
	s4 =	sadd.s32 $0x2C00, s5;
	s8 =	sor.u32 s6, s31  }
0xa: {  	s10 =	sshrl.u32 s9, $0x1;
	s6 =	sadd.s32 s8, s5;
	s5 =	sadd.s32 $0x2E00, s5  }
0xb: {  	s9 =	ssub.s32 s9, s10;
	s7 =	sadd.s32 s7, s8;
	s10 =	simm.s32 $0x4000  }
0xc: {  	v0 =	vimm.s32 $0x0;
	s6 =	sadd.s32 $0x1200, s6;
	s8 =	smax.u32 s9, $0x1;
	s9 =	simm.s32 $0x200  }
.LBB2_1:
0xd: {  	[tilespmem:s2], [sflag:$0x1] =	stream.strided.gather [hbm4b:s6+s9], $0x600, s10, s9, $0x38;
	[tilespmem:$0x1800] =	vst v63  }
0xe: {  	_ =	swait.ge [sflag:s11], $0x600  }
0xf: {  	[sflag:s11] =	ssyncset.done $0x0  }
0x10: {  	[sflag:s11] =	ssyncadd.s32 $0xFFFFFA00  }
0x11: {  	[tilespmem:s12], [sflag:$0x1] =	stream.linear.gather [hbm4b:s3+s2], $0xD00, $0x38;
	[tilespmem:$0x1800] =	vst v63  }
0x12: {  	_ =	swait.ge [sflag:s11], $0xD00  }
0x13: {  	[sflag:s11] =	ssyncset.done $0x0  }
0x14: {  	[sflag:s11] =	ssyncadd.s32 $0xFFFFF300  }
0x15: {  	[tilespmem:s13], [sflag:$0x1] =	stream.linear.gather [hbm4b:s4+s2], $0x200, $0x38;
	[tilespmem:$0x1800] =	vst v63  }
0x16: {  	_ =	swait.ge [sflag:s11], $0x200  }
0x17: {  	[sflag:s11] =	ssyncset.done $0x0  }
0x18: {  	[sflag:s11] =	ssyncadd.s32 $0xFFFFFE00  }
0x19: {  	[tilespmem:s14], [sflag:$0x1] =	stream.linear.gather [hbm4b:s5+s2], $0x100, $0x38;
	[tilespmem:$0x1800] =	vst v63  }
0x1a: {  	_ =	swait.ge [sflag:s11], $0x100  }
0x1b: {  	[sflag:s11] =	ssyncset.done $0x0  }
0x1c: {  	s17 =	simm.s32 $0x0;
	[sflag:s11] =	ssyncadd.s32 $0xFFFFFF00  }
.LBB2_2:
0x1d: {  	s18 =	sshra.s32 s17, $0x2  }
0x1e: {  	v1 =	vld [tilespmem:s18+$0x200];
	_ =	sdelay $0x4  }
0x1f: {  	v2 =	vld [tilespmem:s18+$0x0];
	vm0 =	vgt.s32 v1, $0x9;
	vm1 =	vgt.s32 v1, $0x13  }
0x20: {  	v4 =	vld [tilespmem:s18+$0x400];
	v3 =	vsel vm0, $0x1, v0;
	v5 =	vsel vm1, $0x1, v0  }
0x21: {  	v3 =	vadd.s32 v5, v3  }
0x22: {  	v3 =	vmul.u32 $0x5, v3;
	_ =	sdelay $0x1  }
0x23: {  	v5 =	vadd.s32 v2, v3  }
0x24: {  	v2 =	vsub.s32 v1, v4;
	v7 =	vmul.u32 $0x68, v5;
	_ =	sdelay $0x1  }
0x25: {  	v6 =	vadd.s32 $0x680, v7  }
0x26: {  	v8 =	vld.idx.msk [tilespmem:v1+s14+$0x0], $0xffff;
	v3 =	vor.u32 $0x1, v7  }
0x27: {  	v9 =	vld.idx.msk [tilespmem:v4+s14+$0x0], $0xffff;
	v14 =	vor.u32 $0x2, v7  }
0x28: {  	v38 =	vor.u32 $0x4, v7;
	v2 =	vld.idx.msk [tilespmem:v2+s14+$0x0], $0xffff  }
0x29: {  	v15 =	vor.u32 $0x5, v7;
	v11 =	vld.idx.msk [tilespmem:v7+s12+$0x0], $0xffff  }
0x2a: {  	v45 =	vor.u32 $0x6, v7;
	v12 =	vld.idx.msk [tilespmem:v6+s12+$0x0], $0xffff  }
0x2b: {  	v17 =	vor.u32 $0x7, v7;
	v13 =	vld.idx.msk [tilespmem:v3+s12+$0x0], $0xffff  }
0x2c: {  	v19 =	vadd.s32 $0x8, v7;
	v35 =	vld.idx.msk [tilespmem:v14+s12+$0x0], $0xffff  }
0x2d: {  	v50 =	vadd.s32 $0x9, v7;
	v44 =	vld.idx.msk [tilespmem:v38+s12+$0x0], $0xffff  }
0x2e: {  	v24 =	vadd.s32 $0xB, v7;
	v15 =	vld.idx.msk [tilespmem:v15+s12+$0x0], $0xffff  }
0x2f: {  	v10 =	vor.u32 $0x1, v6;
	v14 =	vld.idx.msk [tilespmem:v45+s12+$0x0], $0xffff  }
0x30: {  	v32 =	vor.u32 $0x2, v6;
	v49 =	vld.idx.msk [tilespmem:v17+s12+$0x0], $0xffff  }
0x31: {  	v16 =	vor.u32 $0x6, v6;
	v19 =	vld.idx.msk [tilespmem:v19+s12+$0x0], $0xffff  }
0x32: {  	v4 =	vcvt.s32.f32 v4;
	v8 =	vsub.f32 v8, v9;
	v20 =	vadd.s32 $0x8, v6;
	v17 =	vld.idx.msk [tilespmem:v50+s12+$0x0], $0xffff  }
0x33: {  	v36 =	vor.u32 $0x3, v7;
	v22 =	vadd.s32 $0xA, v7;
	v23 =	vadd.s32 $0xA, v6;
	v63 =	vld.idx.msk [tilespmem:v24+s12+$0x0], $0xffff  }
0x34: {  	v29 =	vadd.s32 $0xD, v7;
	v37 =	vor.u32 $0x3, v6;
	v52 =	vadd.s32 $0x9, v6;
	v10 =	vld.idx.msk [tilespmem:v10+s12+$0x0], $0xffff  }
0x35: {  	v40 =	vor.u32 $0x4, v6;
	v25 =	vadd.s32 $0xB, v6;
	v3 =	vcvt.s32.f32 v1;
	v9 =	vld.idx.msk [tilespmem:v32+s12+$0x0], $0xffff  }
0x36: {  	v43 =	vor.u32 $0x5, v6;
	v18 =	vor.u32 $0x7, v6;
	v27 =	vadd.s32 $0xC, v6;
	v48 =	vld.idx.msk [tilespmem:v16+s12+$0x0], $0xffff  }
0x37: {  	v30 =	vadd.s32 $0xD, v6;
	v20 =	vld.idx.msk [tilespmem:v20+s12+$0x0], $0xffff;
	v11 =	vmul.f32 v4, v11;
	v12 =	vmul.f32 v3, v12  }
0x38: {  	v45 =	vadd.s32 $0xF, v6;
	v61 =	vld.idx.msk [tilespmem:v23+s12+$0x0], $0xffff;
	v34 =	vmul.f32 v4, v13;
	v47 =	vmul.f32 v4, v44  }
0x39: {  	v55 =	vld.idx.msk [tilespmem:v52+s12+$0x0], $0xffff;
	v52 =	vadd.s32 $0x11, v7;
	v15 =	vmul.f32 v4, v15;
	v14 =	vmul.f32 v4, v14  }
0x3a: {  	v24 =	vld.idx.msk [tilespmem:v25+s12+$0x0], $0xffff;
	v25 =	vadd.s32 $0xC, v7;
	v56 =	vmul.f32 v4, v49;
	v59 =	vmul.f32 v4, v19  }
0x3b: {  	v2 =	vsub.f32 v8, v2;
	v17 =	vmul.f32 v4, v17;
	v10 =	vmul.f32 v3, v10  }
0x3c: {  	v42 =	vld.idx.msk [tilespmem:v37+s12+$0x0], $0xffff;
	v44 =	vadd.s32 $0xF, v7;
	v9 =	vmul.f32 v3, v9;
	v13 =	vmul.f32 v3, v48  }
0x3d: {  	v51 =	vld.idx.msk [tilespmem:v18+s12+$0x0], $0xffff;
	v49 =	vadd.s32 $0x10, v6;
	v60 =	vmul.f32 v3, v20;
	v28 =	vmul.f32 v3, v61  }
0x3e: {  	v20 =	vld.idx.msk [tilespmem:v52+s12+$0x0], $0xffff;
	v33 =	vadd.f32 v12, v11;
	v12 =	vmul.f32 v4, v35;
	v10 =	vadd.f32 v10, v34  }
0x3f: {  	v18 =	vmul.f32 v3, v24;
	v11 =	vld.idx.msk [tilespmem:v36+s12+$0x0], $0xffff;
	v13 =	vadd.f32 v13, v14;
	v23 =	vadd.f32 v60, v59  }
0x40: {  	v60 =	vadd.s32 $0x14, v6;
	v8 =	vadd.f32 v33, v2;
	v41 =	vadd.f32 v9, v12  }
0x41: {  	v9 =	vmul.f32 v3, v42;
	v12 =	vld.idx.msk [tilespmem:v43+s12+$0x0], $0xffff;
	v10 =	vadd.f32 v10, v2;
	v62 =	vadd.f32 v13, v2  }
0x42: {  	v14 =	vadd.f32 v23, v2;
	v13 =	vmul.f32 v4, v63;
	v8 =	vmul.f32 $1.442695020e+00, v8  }
0x43: {  	v57 =	vld.idx.msk [tilespmem:v22+s12+$0x0], $0xffff;
	v43 =	vadd.s32 $0xE, v6;
	v20 =	vmul.f32 v4, v20;
	v39 =	vmul.f32 $1.442695020e+00, v10  }
0x44: {  	v10 =	vld.idx.msk [tilespmem:v40+s12+$0x0], $0xffff;
	v11 =	vmul.f32 v4, v11;
	v14 =	vmul.f32 $1.442695020e+00, v14;
	v13 =	vadd.f32 v18, v13  }
0x45: {  	v40 =	vld.idx.msk [tilespmem:v30+s12+$0x0], $0xffff;
	v30 =	vadd.s32 $0x13, v6;
	(erf) = vpow2.f32 v8;
	v8 =	vadd.f32 v41, v2  }
0x46: {  	v41 =	vadd.s32 $0xE, v7;
	v9 =	vadd.f32 v9, v11;
	v12 =	vmul.f32 v3, v12  }
0x47: {  	v34 =	vld.idx.msk [tilespmem:v27+s12+$0x0], $0xffff;
	(erf) = vpow2.f32 v39;
	v11 =	vmul.f32 v3, v51;
	v13 =	vadd.f32 v13, v2  }
0x48: {  	v8 =	vmul.f32 $1.442695020e+00, v8;
	v9 =	vadd.f32 v9, v2;
	v54 =	vadd.f32 v12, v15  }
0x49: {  	v11 =	vadd.f32 v11, v56;
	v12 =	vmul.f32 v3, v55;
	v15 =	vmul.f32 v4, v57  }
0x4a: {  	v38 =	vld.idx.msk [tilespmem:v29+s12+$0x0], $0xffff;
	v13 =	vmul.f32 $1.442695020e+00, v13;
	v57 =	vadd.s32 $0x12, v6;
	(erf) = vpow2.f32 v8  }
0x4b: {  	v33 =	vld.idx.msk [tilespmem:v25+s12+$0x0], $0xffff;
	v10 =	vmul.f32 v3, v10;
	v9 =	vmul.f32 $1.442695020e+00, v9;
	v26 =	vadd.f32 v11, v2  }
0x4c: {  	v12 =	vadd.f32 v12, v17;
	v15 =	vadd.f32 v28, v15;
	v17 =	vmul.f32 v3, v34  }
0x4d: {  	v28 =	vadd.s32 $0x12, v7;
	v34 =	vadd.s32 $0x1E, v6;
	v10 =	vadd.f32 v10, v47  }
0x4e: {  	v47 =	vadd.s32 $0x10, v7;
	(erf) = vpow2.f32 v9;
	v9 =	vmul.f32 $1.442695020e+00, v62  }
0x4f: {  	v18 =	vld.idx.msk [tilespmem:v41+s12+$0x0], $0xffff;
	v31 =	vmul.f32 $1.442695020e+00, v26;
	v32 =	vadd.f32 v12, v2;
	v37 =	vadd.f32 v15, v2  }
0x50: {  	v12 =	vmul.f32 v4, v33;
	v15 =	vmul.f32 v4, v38;
	v10 =	vadd.f32 v10, v2  }
0x51: {  	v26 =	vadd.s32 $0x11, v6;
	v62 =	vadd.s32 $0x15, v7;
	v38 =	vld.idx.msk [tilespmem:v60+s12+$0x0], $0xffff;
	v60 =	vadd.s32 $0x19, v6  }
0x52: {  	v61 =	vld.idx.msk [tilespmem:v57+s12+$0x0], $0xffff;
	v57 =	vadd.s32 $0x19, v7;
	v46 =	vpop (erf);
	v53 =	vmul.f32 $1.442695020e+00, v10;
	v10 =	vadd.f32 v54, v2  }
0x53: {  	v35 =	vmul.f32 $1.442695020e+00, v32;
	v17 =	vadd.f32 v17, v12;
	v8 =	vmul.f32 $1.012285350e-01, v46  }
0x54: {  	v21 =	vpop (erf);
	v54 =	vld.idx.msk [tilespmem:v49+s12+$0x0], $0xffff;
	v18 =	vmul.f32 v4, v18;
	v49 =	vadd.s32 $0x17, v7;
	v10 =	vmul.f32 $1.442695020e+00, v10  }
0x55: {  	v51 =	vld.idx.msk [tilespmem:v43+s12+$0x0], $0xffff;
	v21 =	vmul.f32 $1.012285350e-01, v21;
	v17 =	vadd.f32 v17, v2;
	(erf) = vpow2.f32 v53  }
0x56: {  	v23 =	vld.idx.msk [tilespmem:v47+s12+$0x0], $0xffff;
	v47 =	vadd.s32 $0x16, v6;
	v8 =	vadd.f32 $0.0e+00, v8;
	v58 =	vpop (erf);
	(erf) = vpow2.f32 v10  }
0x57: {  	v16 =	vmul.f32 $1.012285350e-01, v58;
	v58 =	vadd.s32 $0x13, v7;
	(erf) = vpow2.f32 v9  }
0x58: {  	v11 =	vadd.f32 $0.0e+00, v21;
	v9 =	vmul.f32 v3, v40;
	(erf) = vpow2.f32 v31  }
0x59: {  	v21 =	vld.idx.msk [tilespmem:v45+s12+$0x0], $0xffff;
	v31 =	vadd.s32 $0x14, v7;
	(erf) = vpow2.f32 v14;
	v14 =	vmul.f32 $1.442695020e+00, v37  }
0x5a: {  	v36 =	vpop (erf);
	v9 =	vadd.f32 v9, v15;
	v15 =	vmul.f32 v3, v51;
	(erf) = vpow2.f32 v35  }
0x5b: {  	v17 =	vmul.f32 $1.442695020e+00, v17;
	v45 =	vadd.s32 $0x16, v7;
	(erf) = vpow2.f32 v14;
	v14 =	vld.idx.msk [tilespmem:v44+s12+$0x0], $0xffff  }
0x5c: {  	v39 =	vmul.f32 $1.012285350e-01, v36;
	v36 =	vadd.s32 $0x15, v6;
	v15 =	vadd.f32 v15, v18;
	v18 =	vld.idx.msk [tilespmem:v58+s12+$0x0], $0xffff  }
0x5d: {  	v10 =	vadd.f32 $0.0e+00, v16;
	v23 =	vmul.f32 v4, v23;
	v9 =	vadd.f32 v9, v2  }
0x5e: {  	v59 =	vld.idx.msk [tilespmem:v28+s12+$0x0], $0xffff;
	v21 =	vmul.f32 v3, v21;
	v42 =	vpop (erf);
	(erf) = vpow2.f32 v13;
	v15 =	vadd.f32 v15, v2  }
0x5f: {  	v51 =	vadd.s32 $0x18, v7;
	v9 =	vmul.f32 $1.442695020e+00, v9;
	v31 =	vld.idx.msk [tilespmem:v31+s12+$0x0], $0xffff;
	v19 =	vmul.f32 $1.012285350e-01, v42;
	v46 =	vpop (erf)  }
0x60: {  	v12 =	vadd.f32 $0.0e+00, v39;
	v15 =	vmul.f32 $1.442695020e+00, v15;
	v48 =	vpop (erf);
	v22 =	vmul.f32 $1.012285350e-01, v46  }
0x61: {  	v42 =	vld.idx.msk [tilespmem:v36+s12+$0x0], $0xffff;
	v36 =	vadd.s32 $0x1A, v7;
	v14 =	vmul.f32 v4, v14;
	v18 =	vmul.f32 v4, v18;
	v50 =	vpop (erf)  }
0x62: {  	v56 =	vld.idx.msk [tilespmem:v26+s12+$0x0], $0xffff;
	v13 =	vadd.f32 $0.0e+00, v19;
	v16 =	vmul.f32 $1.012285350e-01, v48;
	v24 =	vmul.f32 $1.012285350e-01, v50  }
0x63: {  	v53 =	vpop (erf);
	v22 =	vadd.f32 $0.0e+00, v22;
	(erf) = vpow2.f32 v17;
	v17 =	vmul.f32 v3, v54  }
0x64: {  	v41 =	vld.idx.msk [tilespmem:v62+s12+$0x0], $0xffff;
	v14 =	vadd.f32 v21, v14;
	v21 =	vmul.f32 v4, v59;
	v43 =	vmul.f32 v4, v31  }
0x65: {  	v26 =	vld.idx.msk [tilespmem:v49+s12+$0x0], $0xffff;
	v50 =	vadd.s32 $0x17, v6;
	v27 =	vpop (erf);
	v25 =	vmul.f32 $1.012285350e-01, v53;
	v16 =	vadd.f32 $0.0e+00, v16  }
0x66: {  	v48 =	vmul.f32 v3, v42;
	v53 =	vadd.s32 $0x18, v6;
	v27 =	vmul.f32 $1.012285350e-01, v27  }
0x67: {  	v63 =	vld.idx.msk [tilespmem:v30+s12+$0x0], $0xffff;
	v55 =	vpop (erf);
	(erf) = vpow2.f32 v9;
	v17 =	vadd.f32 v17, v23;
	v9 =	vmul.f32 v3, v56  }
0x68: {  	v14 =	vadd.f32 v14, v2;
	v24 =	vadd.f32 $0.0e+00, v24;
	v23 =	vmul.f32 v3, v61  }
0x69: {  	v19 =	vmul.f32 $1.012285350e-01, v55;
	(erf) = vpow2.f32 v15;
	v25 =	vadd.f32 $0.0e+00, v25  }
0x6a: {  	v15 =	vmul.f32 v4, v41;
	v41 =	vmul.f32 v4, v26;
	v17 =	vadd.f32 v17, v2  }
0x6b: {  	v42 =	vld.idx.msk [tilespmem:v60+s12+$0x0], $0xffff;
	v29 =	vpop (erf);
	v9 =	vadd.f32 v9, v20;
	v14 =	vmul.f32 $1.442695020e+00, v14;
	v27 =	vadd.f32 $0.0e+00, v27  }
0x6c: {  	v20 =	vmul.f32 v3, v63;
	v21 =	vadd.f32 v23, v21;
	v29 =	vmul.f32 $1.012285350e-01, v29  }
0x6d: {  	v19 =	vadd.f32 $0.0e+00, v19;
	v15 =	vadd.f32 v48, v15;
	v37 =	vmul.f32 $1.442695020e+00, v17  }
0x6e: {  	v23 =	vld.idx.msk [tilespmem:v50+s12+$0x0], $0xffff;
	v9 =	vadd.f32 v9, v2;
	(erf) = vpow2.f32 v14;
	v17 =	vmul.f32 v3, v38  }
0x6f: {  	v44 =	vadd.f32 v20, v18;
	v46 =	vadd.f32 v21, v2;
	v18 =	vld.idx.msk [tilespmem:v45+s12+$0x0], $0xffff;
	v45 =	vadd.s32 $0x1B, v6  }
0x70: {  	v21 =	vld.idx.msk [tilespmem:v47+s12+$0x0], $0xffff;
	v26 =	vmul.f32 v3, v42;
	v15 =	vadd.f32 v15, v2;
	(erf) = vpow2.f32 v37  }
0x71: {  	v31 =	vld.idx.msk [tilespmem:v53+s12+$0x0], $0xffff;
	v40 =	vmul.f32 $1.442695020e+00, v9;
	v14 =	vadd.f32 v44, v2;
	v20 =	vmul.f32 $1.442695020e+00, v46;
	v32 =	vpop (erf)  }
0x72: {  	v42 =	vadd.s32 $0x20, v7;
	v15 =	vmul.f32 $1.442695020e+00, v15;
	v32 =	vmul.f32 $2.223810400e-01, v32  }
0x73: {  	v17 =	vadd.f32 v17, v43;
	(erf) = vpow2.f32 v40;
	v14 =	vmul.f32 $1.442695020e+00, v14  }
0x74: {  	v43 =	vadd.s32 $0x1B, v7;
	v23 =	vmul.f32 v3, v23;
	(erf) = vpow2.f32 v20  }
0x75: {  	v62 =	vld.idx.msk [tilespmem:v51+s12+$0x0], $0xffff;
	v17 =	vadd.f32 v17, v2;
	v33 =	vpop (erf);
	v63 =	vmul.f32 v4, v18;
	v21 =	vmul.f32 v3, v21  }
0x76: {  	v9 =	vadd.f32 $0.0e+00, v29;
	v47 =	vmul.f32 v3, v31;
	v39 =	vmul.f32 $2.223810400e-01, v33  }
0x77: {  	v48 =	vld.idx.msk [tilespmem:v36+s12+$0x0], $0xffff;
	v37 =	vadd.s32 $0x1A, v6;
	v17 =	vmul.f32 $1.442695020e+00, v17;
	v52 =	vpop (erf);
	(erf) = vpow2.f32 v14  }
0x78: {  	v20 =	vadd.f32 v32, v8;
	v55 =	vmul.f32 $2.223810400e-01, v52;
	v38 =	vadd.f32 v21, v63  }
0x79: {  	v28 =	vld.idx.msk [tilespmem:v43+s12+$0x0], $0xffff;
	v52 =	vadd.s32 $0x1C, v7;
	v43 =	vadd.s32 $0x20, v6;
	v14 =	vadd.f32 v39, v11  }
0x7a: {  	(erf) = vpow2.f32 v17;
	v39 =	vld.idx.msk [tilespmem:v57+s12+$0x0], $0xffff;
	v11 =	vmul.f32 v4, v62;
	v57 =	vadd.s32 $0x1D, v6  }
0x7b: {  	v53 =	vld.idx.msk [tilespmem:v45+s12+$0x0], $0xffff;
	v54 =	vpop (erf);
	v17 =	vadd.f32 v55, v10;
	(erf) = vpow2.f32 v15;
	v10 =	vadd.f32 v38, v2  }
0x7c: {  	v55 =	vmul.f32 v4, v48;
	v8 =	vmul.f32 $2.223810400e-01, v54;
	v11 =	vadd.f32 v47, v11;
	v56 =	vpop (erf)  }
0x7d: {  	v54 =	vadd.s32 $0x1C, v6;
	v10 =	vmul.f32 $1.442695020e+00, v10;
	v58 =	vmul.f32 $2.223810400e-01, v56  }
0x7e: {  	v18 =	vadd.f32 v8, v12;
	v12 =	vld.idx.msk [tilespmem:v37+s12+$0x0], $0xffff;
	v11 =	vadd.f32 v11, v2;
	v56 =	vadd.s32 $0x1D, v7  }
0x7f: {  	v28 =	vmul.f32 v4, v28;
	v37 =	vadd.s32 $0x1F, v7;
	(erf) = vpow2.f32 v10;
	v63 =	vld.idx.msk [tilespmem:v57+s12+$0x0], $0xffff  }
0x80: {  	v59 =	vpop (erf);
	v10 =	vmul.f32 v3, v53;
	v53 =	vld.idx.msk [tilespmem:v43+s12+$0x0], $0xffff;
	v57 =	vadd.s32 $0x22, v7;
	v43 =	vadd.s32 $0x25, v7  }
0x81: {  	v61 =	vmul.f32 $2.223810400e-01, v59;
	v15 =	vadd.f32 v58, v13;
	v40 =	vpop (erf);
	v13 =	vmul.f32 v4, v39  }
0x82: {  	v11 =	vmul.f32 $1.442695020e+00, v11;
	v58 =	vld.idx.msk [tilespmem:v52+s12+$0x0], $0xffff;
	v59 =	vadd.s32 $0x1E, v7;
	v21 =	vmul.f32 $2.223810400e-01, v40  }
0x83: {  	v44 =	vpop (erf);
	v30 =	vld.idx.msk [tilespmem:v54+s12+$0x0], $0xffff;
	v54 =	vadd.s32 $0x21, v6;
	v8 =	vadd.f32 v61, v22;
	v22 =	vadd.f32 v23, v41  }
0x84: {  	v49 =	vmul.f32 $2.223810400e-01, v44;
	v13 =	vadd.f32 v26, v13;
	v61 =	vadd.f32 v10, v28  }
0x85: {  	v40 =	vld.idx.msk [tilespmem:v34+s12+$0x0], $0xffff;
	v41 =	vadd.s32 $0x1F, v6;
	v46 =	vpop (erf);
	v16 =	vadd.f32 v21, v16;
	v12 =	vmul.f32 v3, v12  }
0x86: {  	v50 =	vmul.f32 $2.223810400e-01, v46;
	v22 =	vadd.f32 v22, v2;
	v51 =	vpop (erf);
	v13 =	vadd.f32 v13, v2  }
0x87: {  	v62 =	vld.idx.msk [tilespmem:v56+s12+$0x0], $0xffff;
	v35 =	vadd.f32 v61, v2;
	v23 =	vmul.f32 $2.223810400e-01, v51;
	v12 =	vadd.f32 v12, v55  }
0x88: {  	v26 =	vmul.f32 v4, v58;
	v51 =	vadd.s32 $0x21, v7;
	v58 =	vadd.s32 $0x22, v6  }
0x89: {  	v22 =	vmul.f32 $1.442695020e+00, v22;
	v60 =	vmul.f32 $1.442695020e+00, v13;
	v13 =	vadd.f32 v50, v25  }
0x8a: {  	v36 =	vld.idx.msk [tilespmem:v59+s12+$0x0], $0xffff;
	v39 =	vmul.f32 v3, v30;
	v47 =	vmul.f32 v3, v40;
	v40 =	vadd.s32 $0x24, v6  }
0x8b: {  	v25 =	vld.idx.msk [tilespmem:v37+s12+$0x0], $0xffff;
	v12 =	vadd.f32 v12, v2;
	v10 =	vadd.f32 v23, v27;
	v23 =	vmul.f32 v3, v63  }
0x8c: {  	v50 =	vld.idx.msk [tilespmem:v42+s12+$0x0], $0xffff;
	(erf) = vpow2.f32 v22;
	v22 =	vadd.f32 v49, v24;
	v24 =	vmul.f32 v4, v62  }
0x8d: {  	v28 =	vld.idx.msk [tilespmem:v54+s12+$0x0], $0xffff;
	v38 =	vpop (erf);
	v26 =	vadd.f32 v39, v26;
	(erf) = vpow2.f32 v11;
	v33 =	vmul.f32 $1.442695020e+00, v12  }
0x8e: {  	v27 =	vmul.f32 $2.223810400e-01, v38;
	v12 =	vmul.f32 $1.442695020e+00, v35;
	v35 =	vadd.s32 $0x23, v6  }
0x8f: {  	v48 =	vld.idx.msk [tilespmem:v41+s12+$0x0], $0xffff;
	v38 =	vadd.s32 $0x24, v7;
	(erf) = vpow2.f32 v60;
	v45 =	vadd.f32 v26, v2  }
0x90: {  	v23 =	vadd.f32 v23, v24;
	v21 =	vmul.f32 v4, v36;
	v24 =	vmul.f32 v3, v53  }
0x91: {  	(erf) = vpow2.f32 v33;
	v11 =	vadd.f32 v27, v19;
	v25 =	vmul.f32 v4, v25  }
0x92: {  	v62 =	vmul.f32 v4, v50;
	v33 =	vadd.s32 $0x23, v7;
	v28 =	vmul.f32 v3, v28  }
0x93: {  	v50 =	vadd.s32 $0x26, v7;
	(erf) = vpow2.f32 v12;
	v23 =	vadd.f32 v23, v2  }
0x94: {  	v60 =	vld.idx.msk [tilespmem:v51+s12+$0x0], $0xffff;
	v49 =	vmul.f32 $1.442695020e+00, v45;
	v21 =	vadd.f32 v47, v21;
	v27 =	vmul.f32 v3, v48  }
0x95: {  	v24 =	vadd.f32 v24, v62;
	v62 =	vadd.s32 $0x28, v7;
	v56 =	vmul.f32 $1.442695020e+00, v23;
	v23 =	vld.idx.msk [tilespmem:v57+s12+$0x0], $0xffff  }
0x96: {  	(erf) = vpow2.f32 v49;
	v21 =	vadd.f32 v21, v2;
	v25 =	vadd.f32 v27, v25;
	v27 =	vld.idx.msk [tilespmem:v35+s12+$0x0], $0xffff  }
0x97: {  	v47 =	vld.idx.msk [tilespmem:v38+s12+$0x0], $0xffff;
	v57 =	vadd.s32 $0x27, v7;
	v38 =	vadd.s32 $0x29, v7;
	v24 =	vadd.f32 v24, v2  }
0x98: {  	v37 =	vld.idx.msk [tilespmem:v58+s12+$0x0], $0xffff;
	(erf) = vpow2.f32 v56;
	v59 =	vmul.f32 $1.442695020e+00, v21;
	v25 =	vadd.f32 v25, v2;
	v44 =	vpop (erf)  }
0x99: {  	v49 =	vld.idx.msk [tilespmem:v40+s12+$0x0], $0xffff;
	v40 =	vadd.s32 $0x29, v6;
	v24 =	vmul.f32 $1.442695020e+00, v24;
	v19 =	vmul.f32 $2.223810400e-01, v44;
	v46 =	vpop (erf)  }
0x9a: {  	v42 =	vld.idx.msk [tilespmem:v33+s12+$0x0], $0xffff;
	v25 =	vmul.f32 $1.442695020e+00, v25;
	v44 =	vadd.s32 $0x25, v6;
	v26 =	vmul.f32 $3.137066360e-01, v46  }
0x9b: {  	v30 =	vld.idx.msk [tilespmem:v62+s12+$0x0], $0xffff;
	v62 =	vadd.s32 $0x2D, v6;
	v52 =	vpop (erf);
	(erf) = vpow2.f32 v59;
	v23 =	vmul.f32 v4, v23  }
0x9c: {  	v27 =	vmul.f32 v3, v27;
	v12 =	vadd.f32 v19, v9;
	v55 =	vmul.f32 $3.137066360e-01, v52;
	v61 =	vpop (erf)  }
0x9d: {  	(erf) = vpow2.f32 v25;
	v52 =	vadd.s32 $0x26, v6;
	v63 =	vmul.f32 $3.137066360e-01, v61  }
0x9e: {  	v20 =	vadd.f32 v26, v20;
	v34 =	vpop (erf);
	v26 =	vmul.f32 v4, v60;
	(erf) = vpow2.f32 v24  }
0x9f: {  	v59 =	vld.idx.msk [tilespmem:v50+s12+$0x0], $0xffff;
	v25 =	vmul.f32 v4, v42;
	v24 =	vmul.f32 v4, v47;
	v60 =	vadd.s32 $0x27, v6  }
0xa0: {  	v21 =	vadd.f32 v55, v14;
	v36 =	vmul.f32 $3.137066360e-01, v34;
	v14 =	vmul.f32 v3, v37  }
0xa1: {  	v34 =	vadd.s32 $0x32, v7;
	v17 =	vadd.f32 v63, v17;
	v26 =	vadd.f32 v28, v26;
	v28 =	vld.idx.msk [tilespmem:v43+s12+$0x0], $0xffff  }
0xa2: {  	v39 =	vpop (erf);
	v54 =	vld.idx.msk [tilespmem:v44+s12+$0x0], $0xffff;
	v56 =	vadd.f32 v27, v25;
	v63 =	vadd.s32 $0x28, v6;
	v43 =	vadd.s32 $0x2A, v6  }
0xa3: {  	v25 =	vld.idx.msk [tilespmem:v57+s12+$0x0], $0xffff;
	v57 =	vadd.s32 $0x2C, v6;
	v41 =	vmul.f32 $3.137066360e-01, v39;
	v14 =	vadd.f32 v14, v23  }
0xa4: {  	v18 =	vadd.f32 v36, v18;
	v23 =	vmul.f32 v3, v49;
	v27 =	vmul.f32 v4, v59  }
0xa5: {  	v45 =	vpop (erf);
	v46 =	vadd.f32 v26, v2;
	v61 =	vld.idx.msk [tilespmem:v52+s12+$0x0], $0xffff;
	v52 =	vadd.s32 $0x2B, v7;
	v53 =	vadd.f32 v14, v2  }
0xa6: {  	v19 =	vadd.f32 v41, v15;
	v9 =	vmul.f32 $3.137066360e-01, v45;
	v23 =	vadd.f32 v23, v24  }
0xa7: {  	v41 =	vadd.s32 $0x2A, v7;
	v51 =	vmul.f32 $1.442695020e+00, v46;
	v55 =	vmul.f32 $1.442695020e+00, v53  }
0xa8: {  	v14 =	vadd.f32 v9, v8;
	v28 =	vmul.f32 v4, v28;
	v37 =	vmul.f32 v3, v54  }
0xa9: {  	v29 =	vld.idx.msk [tilespmem:v60+s12+$0x0], $0xffff;
	v48 =	vpop (erf);
	v23 =	vadd.f32 v23, v2;
	v25 =	vmul.f32 v4, v25;
	v53 =	vmul.f32 v4, v30  }
0xaa: {  	v45 =	vld.idx.msk [tilespmem:v38+s12+$0x0], $0xffff;
	v54 =	vadd.s32 $0x2B, v6;
	v26 =	vmul.f32 $3.137066360e-01, v48;
	(erf) = vpow2.f32 v51  }
0xab: {  	v24 =	vld.idx.msk [tilespmem:v63+s12+$0x0], $0xffff;
	(erf) = vpow2.f32 v55;
	v28 =	vadd.f32 v37, v28;
	v9 =	vmul.f32 v3, v61  }
0xac: {  	v47 =	vld.idx.msk [tilespmem:v40+s12+$0x0], $0xffff;
	v58 =	vpop (erf);
	v23 =	vmul.f32 $1.442695020e+00, v23;
	v55 =	vadd.s32 $0x2C, v7;
	v61 =	vadd.s32 $0x2D, v7  }
0xad: {  	v36 =	vpop (erf);
	v15 =	vadd.f32 v26, v16;
	v26 =	vmul.f32 $3.137066360e-01, v58;
	v16 =	vadd.f32 v56, v2  }
0xae: {  	v51 =	vld.idx.msk [tilespmem:v43+s12+$0x0], $0xffff;
	v39 =	vmul.f32 $3.137066360e-01, v36;
	v49 =	vmul.f32 v3, v29;
	v28 =	vadd.f32 v28, v2  }
0xaf: {  	v60 =	vld.idx.msk [tilespmem:v52+s12+$0x0], $0xffff;
	v44 =	vadd.f32 v9, v27;
	v27 =	vmul.f32 v4, v45;
	v8 =	vadd.f32 v26, v22  }
0xb0: {  	v50 =	vld.idx.msk [tilespmem:v41+s12+$0x0], $0xffff;
	v16 =	vmul.f32 $1.442695020e+00, v16;
	v25 =	vadd.f32 v49, v25;
	v24 =	vmul.f32 v3, v24  }
0xb1: {  	v9 =	vadd.f32 v39, v13;
	v22 =	vmul.f32 v3, v47;
	v46 =	vmul.f32 $1.442695020e+00, v28  }
0xb2: {  	v30 =	vld.idx.msk [tilespmem:v54+s12+$0x0], $0xffff;
	(erf) = vpow2.f32 v16;
	v16 =	vadd.f32 v44, v2;
	v56 =	vadd.f32 v25, v2  }
0xb3: {  	v26 =	vmul.f32 v3, v51;
	v58 =	vadd.f32 v24, v53;
	v22 =	vadd.f32 v22, v27  }
0xb4: {  	v36 =	vld.idx.msk [tilespmem:v55+s12+$0x0], $0xffff;
	v44 =	vadd.s32 $0x2E, v7;
	v27 =	vmul.f32 v4, v60;
	v53 =	vadd.s32 $0x30, v7  }
0xb5: {  	v41 =	vld.idx.msk [tilespmem:v61+s12+$0x0], $0xffff;
	v61 =	vadd.s32 $0x31, v6;
	(erf) = vpow2.f32 v23;
	v13 =	vmul.f32 v4, v50  }
0xb6: {  	v25 =	vld.idx.msk [tilespmem:v57+s12+$0x0], $0xffff;
	v50 =	vadd.s32 $0x2F, v6;
	(erf) = vpow2.f32 v46;
	v16 =	vmul.f32 $1.442695020e+00, v16  }
0xb7: {  	v29 =	vadd.f32 v58, v2;
	v22 =	vadd.f32 v22, v2;
	v42 =	vpop (erf);
	v45 =	vmul.f32 v3, v30  }
0xb8: {  	v13 =	vadd.f32 v26, v13;
	v32 =	vmul.f32 $3.137066360e-01, v42;
	(erf) = vpow2.f32 v16  }
0xb9: {  	v46 =	vadd.s32 $0x2E, v6;
	v48 =	vpop (erf);
	v38 =	vmul.f32 $1.442695020e+00, v29;
	v22 =	vmul.f32 $1.442695020e+00, v22  }
0xba: {  	v23 =	vmul.f32 $3.137066360e-01, v48;
	v13 =	vadd.f32 v13, v2;
	v26 =	vmul.f32 v4, v36  }
0xbb: {  	v25 =	vmul.f32 v3, v25;
	v48 =	vadd.s32 $0x2F, v7;
	v51 =	vadd.f32 v45, v27  }
0xbc: {  	v52 =	vld.idx.msk [tilespmem:v44+s12+$0x0], $0xffff;
	v36 =	vadd.s32 $0x32, v6;
	v44 =	vadd.s32 $0x34, v7;
	v45 =	vadd.s32 $0x34, v6  }
0xbd: {  	v10 =	vadd.f32 v32, v10;
	v11 =	vadd.f32 v23, v11;
	v23 =	vmul.f32 $1.442695020e+00, v56  }
0xbe: {  	v43 =	vld.idx.msk [tilespmem:v62+s12+$0x0], $0xffff;
	v42 =	vmul.f32 $1.442695020e+00, v13;
	v25 =	vadd.f32 v25, v26;
	v54 =	vadd.f32 v51, v2  }
0xbf: {  	v55 =	vld.idx.msk [tilespmem:v46+s12+$0x0], $0xffff;
	v56 =	vadd.s32 $0x30, v6;
	v59 =	vpop (erf);
	(erf) = vpow2.f32 v23;
	v23 =	vmul.f32 v4, v41  }
0xc0: {  	v25 =	vadd.f32 v25, v2;
	v24 =	vmul.f32 $3.137066360e-01, v59;
	v63 =	vpop (erf);
	(erf) = vpow2.f32 v38  }
0xc1: {  	v58 =	vld.idx.msk [tilespmem:v48+s12+$0x0], $0xffff;
	v59 =	vadd.s32 $0x31, v7;
	v26 =	vmul.f32 v4, v52;
	v37 =	vmul.f32 $3.626837730e-01, v63  }
0xc2: {  	v52 =	vadd.s32 $0x35, v6;
	v28 =	vld.idx.msk [tilespmem:v44+s12+$0x0], $0xffff;
	v39 =	vpop (erf);
	(erf) = vpow2.f32 v22;
	v25 =	vmul.f32 $1.442695020e+00, v25  }
0xc3: {  	v63 =	vld.idx.msk [tilespmem:v53+s12+$0x0], $0xffff;
	v53 =	vadd.s32 $0x36, v7;
	v40 =	vmul.f32 $3.626837730e-01, v39;
	(erf) = vpow2.f32 v42  }
0xc4: {  	v32 =	vld.idx.msk [tilespmem:v45+s12+$0x0], $0xffff;
	v16 =	vadd.f32 v24, v12;
	v24 =	vmul.f32 v3, v43;
	v22 =	vmul.f32 v3, v55  }
0xc5: {  	v39 =	vld.idx.msk [tilespmem:v61+s12+$0x0], $0xffff;
	v42 =	vadd.s32 $0x33, v6;
	v12 =	vadd.f32 v37, v20;
	v47 =	vpop (erf);
	v20 =	vmul.f32 $1.442695020e+00, v54  }
0xc6: {  	v43 =	vld.idx.msk [tilespmem:v36+s12+$0x0], $0xffff;
	v13 =	vadd.f32 v40, v21;
	v49 =	vmul.f32 $3.626837730e-01, v47;
	v23 =	vadd.f32 v24, v23  }
0xc7: {  	v35 =	vld.idx.msk [tilespmem:v56+s12+$0x0], $0xffff;
	v40 =	vadd.s32 $0x33, v7;
	v22 =	vadd.f32 v22, v26;
	(erf) = vpow2.f32 v20  }
0xc8: {  	v37 =	vld.idx.msk [tilespmem:v59+s12+$0x0], $0xffff;
	v24 =	vmul.f32 v4, v58;
	v59 =	vadd.s32 $0x37, v7;
	v28 =	vmul.f32 v4, v28  }
0xc9: {  	v21 =	vld.idx.msk [tilespmem:v50+s12+$0x0], $0xffff;
	v17 =	vadd.f32 v49, v17;
	v23 =	vadd.f32 v23, v2;
	v20 =	vmul.f32 v4, v63  }
0xca: {  	v22 =	vadd.f32 v22, v2;
	v63 =	vmul.f32 v3, v32;
	v47 =	vmul.f32 v3, v39  }
0xcb: {  	v41 =	vld.idx.msk [tilespmem:v34+s12+$0x0], $0xffff;
	v49 =	vadd.s32 $0x35, v7;
	v27 =	vmul.f32 v3, v43;
	v57 =	vpop (erf);
	(erf) = vpow2.f32 v25  }
0xcc: {  	v61 =	vld.idx.msk [tilespmem:v53+s12+$0x0], $0xffff;
	v53 =	vadd.s32 $0x3A, v6;
	v23 =	vmul.f32 $1.442695020e+00, v23;
	v25 =	vmul.f32 v3, v35  }
0xcd: {  	v39 =	vadd.s32 $0x38, v6;
	v22 =	vmul.f32 $1.442695020e+00, v22;
	v29 =	vmul.f32 $3.626837730e-01, v57;
	v60 =	vpop (erf)  }
0xce: {  	v35 =	vadd.s32 $0x36, v6;
	v21 =	vmul.f32 v3, v21;
	v31 =	vmul.f32 $3.626837730e-01, v60  }
0xcf: {  	v51 =	vld.idx.msk [tilespmem:v42+s12+$0x0], $0xffff;
	v62 =	vpop (erf);
	(erf) = vpow2.f32 v23;
	v20 =	vadd.f32 v25, v20;
	v46 =	vmul.f32 v4, v37  }
0xd0: {  	v37 =	vadd.s32 $0x38, v7;
	v33 =	vmul.f32 $3.626837730e-01, v62;
	v18 =	vadd.f32 v29, v18  }
0xd1: {  	v21 =	vadd.f32 v21, v24;
	v24 =	vmul.f32 v4, v41;
	(erf) = vpow2.f32 v22  }
0xd2: {  	v48 =	vld.idx.msk [tilespmem:v40+s12+$0x0], $0xffff;
	v38 =	vpop (erf);
	v62 =	vadd.s32 $0x37, v6;
	v41 =	vadd.f32 v63, v28;
	v19 =	vadd.f32 v31, v19  }
0xd3: {  	v30 =	vmul.f32 $3.626837730e-01, v38;
	v20 =	vadd.f32 v20, v2;
	v50 =	vadd.f32 v47, v46  }
0xd4: {  	v25 =	vmul.f32 v3, v51;
	v47 =	vadd.s32 $0x39, v7;
	v21 =	vadd.f32 v21, v2  }
0xd5: {  	v55 =	vld.idx.msk [tilespmem:v49+s12+$0x0], $0xffff;
	v51 =	vadd.s32 $0x3A, v7;
	v24 =	vadd.f32 v27, v24;
	v23 =	vadd.f32 v33, v14  }
0xd6: {  	v58 =	vld.idx.msk [tilespmem:v52+s12+$0x0], $0xffff;
	v27 =	vmul.f32 v4, v61;
	v20 =	vmul.f32 $1.442695020e+00, v20;
	v54 =	vadd.f32 v50, v2  }
0xd7: {  	v26 =	vld.idx.msk [tilespmem:v39+s12+$0x0], $0xffff;
	v22 =	vadd.f32 v30, v15;
	v60 =	vmul.f32 v4, v48;
	v15 =	vadd.f32 v41, v2  }
0xd8: {  	v38 =	vpop (erf);
	v48 =	vadd.s32 $0x39, v6;
	v21 =	vmul.f32 $1.442695020e+00, v21;
	v57 =	vadd.f32 v24, v2  }
0xd9: {  	v36 =	vld.idx.msk [tilespmem:v35+s12+$0x0], $0xffff;
	v33 =	vmul.f32 $3.626837730e-01, v38;
	v56 =	vmul.f32 $1.442695020e+00, v54;
	v25 =	vadd.f32 v25, v60  }
0xda: {  	v14 =	vmul.f32 v4, v55;
	v15 =	vmul.f32 $1.442695020e+00, v15;
	v60 =	vadd.s32 $0x3B, v6  }
0xdb: {  	v24 =	vld.idx.msk [tilespmem:v59+s12+$0x0], $0xffff;
	(erf) = vpow2.f32 v21;
	v21 =	vmul.f32 v3, v58;
	v58 =	vadd.s32 $0x3B, v7  }
0xdc: {  	v46 =	vld.idx.msk [tilespmem:v37+s12+$0x0], $0xffff;
	v40 =	vpop (erf);
	v26 =	vmul.f32 v3, v26;
	v33 =	vadd.f32 v33, v8;
	(erf) = vpow2.f32 v20  }
0xdd: {  	v44 =	vld.idx.msk [tilespmem:v62+s12+$0x0], $0xffff;
	v20 =	vmul.f32 $1.442695020e+00, v57;
	v42 =	vmul.f32 $3.626837730e-01, v40;
	v43 =	vadd.f32 v25, v2  }
0xde: {  	v45 =	vmul.f32 v3, v36;
	(erf) = vpow2.f32 v56;
	v14 =	vadd.f32 v21, v14  }
0xdf: {  	v49 =	vpop (erf);
	v32 =	vld.idx.msk [tilespmem:v48+s12+$0x0], $0xffff;
	v48 =	vadd.s32 $0x3C, v7;
	(erf) = vpow2.f32 v20;
	v20 =	vmul.f32 $1.442695020e+00, v43  }
0xe0: {  	v57 =	vld.idx.msk [tilespmem:v47+s12+$0x0], $0xffff;
	v50 =	vadd.f32 v45, v27;
	v52 =	vmul.f32 $3.626837730e-01, v49;
	v55 =	vmul.f32 v4, v24  }
0xe1: {  	v59 =	vpop (erf);
	v30 =	vmul.f32 v4, v46;
	v9 =	vadd.f32 v42, v9;
	v14 =	vadd.f32 v14, v2  }
0xe2: {  	v27 =	vld.idx.msk [tilespmem:v51+s12+$0x0], $0xffff;
	v56 =	vmul.f32 v3, v44;
	v61 =	vmul.f32 $3.626837730e-01, v59;
	v54 =	vadd.f32 v50, v2  }
0xe3: {  	v39 =	vld.idx.msk [tilespmem:v60+s12+$0x0], $0xffff;
	(erf) = vpow2.f32 v20;
	v26 =	vadd.f32 v26, v30;
	v28 =	vadd.f32 v52, v10  }
0xe4: {  	v20 =	vld.idx.msk [tilespmem:v53+s12+$0x0], $0xffff;
	v50 =	vadd.s32 $0x3C, v6;
	v53 =	vadd.s32 $0x3D, v7;
	(erf) = vpow2.f32 v15  }
0xe5: {  	v14 =	vmul.f32 $1.442695020e+00, v14;
	v21 =	vadd.f32 v56, v55;
	v37 =	vmul.f32 v4, v57  }
0xe6: {  	v36 =	vld.idx.msk [tilespmem:v58+s12+$0x0], $0xffff;
	v15 =	vmul.f32 $1.442695020e+00, v54;
	v34 =	vadd.f32 v26, v2;
	v38 =	vmul.f32 v3, v32  }
0xe7: {  	v29 =	vadd.f32 v61, v11;
	(erf) = vpow2.f32 v14;
	v43 =	vmul.f32 v4, v27  }
0xe8: {  	v63 =	vadd.f32 v21, v2;
	v62 =	vpop (erf);
	(erf) = vpow2.f32 v15;
	v41 =	vmul.f32 $1.442695020e+00, v34  }
0xe9: {  	v56 =	vadd.s32 $0x3D, v6;
	v47 =	vmul.f32 v3, v39;
	v24 =	vmul.f32 $3.626837730e-01, v62  }
0xea: {  	v10 =	vadd.f32 v38, v37;
	v40 =	vmul.f32 $1.442695020e+00, v63;
	v20 =	vmul.f32 v3, v20  }
0xeb: {  	v59 =	vld.idx.msk [tilespmem:v48+s12+$0x0], $0xffff;
	v42 =	vpop (erf);
	v46 =	vmul.f32 v4, v36;
	v63 =	vadd.s32 $0x3E, v7;
	v36 =	vadd.s32 $0x3E, v6  }
0xec: {  	v25 =	vld.idx.msk [tilespmem:v53+s12+$0x0], $0xffff;
	v53 =	vadd.s32 $0x41, v6;
	v14 =	vmul.f32 $3.626837730e-01, v42;
	v44 =	vadd.f32 v10, v2  }
0xed: {  	v21 =	vadd.f32 v24, v16;
	(erf) = vpow2.f32 v40;
	v45 =	vadd.f32 v20, v43  }
0xee: {  	v49 =	vpop (erf);
	v11 =	vadd.f32 v47, v46;
	v40 =	vadd.s32 $0x3F, v7;
	v43 =	vadd.s32 $0x3F, v6  }
0xef: {  	v51 =	vpop (erf);
	(erf) = vpow2.f32 v41;
	v20 =	vadd.f32 v14, v12;
	v12 =	vmul.f32 $3.626837730e-01, v49  }
0xf0: {  	v47 =	vadd.s32 $0x40, v6;
	v8 =	vmul.f32 $1.442695020e+00, v44;
	v52 =	vmul.f32 $3.626837730e-01, v51  }
0xf1: {  	v24 =	vld.idx.msk [tilespmem:v50+s12+$0x0], $0xffff;
	v44 =	vmul.f32 v4, v59;
	v10 =	vadd.f32 v45, v2;
	v55 =	vadd.f32 v11, v2  }
0xf2: {  	v39 =	vld.idx.msk [tilespmem:v56+s12+$0x0], $0xffff;
	v54 =	vpop (erf);
	v45 =	vadd.s32 $0x40, v7;
	(erf) = vpow2.f32 v8;
	v14 =	vadd.f32 v12, v13  }
0xf3: {  	v57 =	vmul.f32 $3.626837730e-01, v54;
	v15 =	vadd.f32 v52, v17;
	v25 =	vmul.f32 v4, v25  }
0xf4: {  	v58 =	vpop (erf);
	v46 =	vld.idx.msk [tilespmem:v63+s12+$0x0], $0xffff;
	v52 =	vadd.s32 $0x41, v7;
	v63 =	vadd.s32 $0x43, v7;
	v10 =	vmul.f32 $1.442695020e+00, v10  }
0xf5: {  	v50 =	vld.idx.msk [tilespmem:v36+s12+$0x0], $0xffff;
	v36 =	vadd.s32 $0x43, v6;
	v13 =	vmul.f32 $3.626837730e-01, v58;
	v61 =	vmul.f32 $1.442695020e+00, v55  }
0xf6: {  	v58 =	vadd.s32 $0x42, v7;
	v8 =	vadd.f32 v57, v18;
	v24 =	vmul.f32 v3, v24  }
0xf7: {  	v60 =	vpop (erf);
	v18 =	vmul.f32 v3, v39;
	v26 =	vld.idx.msk [tilespmem:v47+s12+$0x0], $0xffff;
	v39 =	vadd.s32 $0x44, v7;
	v47 =	vadd.s32 $0x46, v6  }
0xf8: {  	v30 =	vld.idx.msk [tilespmem:v43+s12+$0x0], $0xffff;
	(erf) = vpow2.f32 v10;
	v16 =	vmul.f32 $3.626837730e-01, v60;
	v62 =	vpop (erf);
	v12 =	vadd.f32 v13, v19  }
0xf9: {  	v60 =	vadd.s32 $0x42, v6;
	(erf) = vpow2.f32 v61;
	v37 =	vmul.f32 $3.626837730e-01, v62  }
0xfa: {  	v49 =	vadd.f32 v24, v44;
	v18 =	vadd.f32 v18, v25;
	v55 =	vld.idx.msk [tilespmem:v45+s12+$0x0], $0xffff;
	v44 =	vadd.s32 $0x45, v6  }
0xfb: {  	v13 =	vadd.f32 v16, v23;
	v19 =	vmul.f32 v3, v50;
	v43 =	vld.idx.msk [tilespmem:v63+s12+$0x0], $0xffff;
	v63 =	vadd.s32 $0x49, v7  }
0xfc: {  	v35 =	vpop (erf);
	v17 =	vadd.f32 v37, v22;
	v54 =	vadd.f32 v49, v2;
	v22 =	vmul.f32 v4, v46  }
0xfd: {  	v23 =	vld.idx.msk [tilespmem:v40+s12+$0x0], $0xffff;
	v18 =	vadd.f32 v18, v2;
	v38 =	vpop (erf);
	v41 =	vmul.f32 $3.626837730e-01, v35;
	v62 =	vmul.f32 v3, v30  }
0xfe: {  	v27 =	vld.idx.msk [tilespmem:v52+s12+$0x0], $0xffff;
	v46 =	vadd.s32 $0x46, v7;
	v26 =	vmul.f32 v3, v26;
	v42 =	vmul.f32 $3.626837730e-01, v38  }
0xff: {  	v57 =	vmul.f32 $1.442695020e+00, v54;
	v18 =	vmul.f32 $1.442695020e+00, v18;
	v19 =	vadd.f32 v19, v22  }
0x100: {  	v59 =	vld.idx.msk [tilespmem:v53+s12+$0x0], $0xffff;
	v54 =	vadd.s32 $0x48, v7;
	v10 =	vadd.f32 v41, v33;
	v48 =	vpop (erf);
	v25 =	vmul.f32 v4, v55  }
0x101: {  	v38 =	vld.idx.msk [tilespmem:v58+s12+$0x0], $0xffff;
	v41 =	vadd.s32 $0x44, v6;
	v11 =	vadd.f32 v42, v9;
	v9 =	vmul.f32 $3.626837730e-01, v48  }
0x102: {  	v53 =	vld.idx.msk [tilespmem:v44+s12+$0x0], $0xffff;
	v44 =	vadd.s32 $0x4A, v7;
	(erf) = vpow2.f32 v57;
	v61 =	vmul.f32 v4, v23  }
0x103: {  	v40 =	vld.idx.msk [tilespmem:v60+s12+$0x0], $0xffff;
	v35 =	vadd.f32 v19, v2;
	v27 =	vmul.f32 v4, v27;
	v42 =	vadd.s32 $0x45, v7  }
0x104: {  	v33 =	vld.idx.msk [tilespmem:v47+s12+$0x0], $0xffff;
	v48 =	vadd.s32 $0x47, v7;
	(erf) = vpow2.f32 v18;
	v37 =	vadd.f32 v26, v25  }
0x105: {  	v55 =	vld.idx.msk [tilespmem:v46+s12+$0x0], $0xffff;
	v46 =	vadd.s32 $0x4A, v6;
	v51 =	vpop (erf);
	v16 =	vadd.f32 v9, v28;
	v28 =	vmul.f32 v3, v59  }
0x106: {  	v19 =	vld.idx.msk [tilespmem:v36+s12+$0x0], $0xffff;
	v22 =	vadd.f32 v62, v61;
	v18 =	vmul.f32 $1.442695020e+00, v35;
	v24 =	vmul.f32 $3.626837730e-01, v51  }
0x107: {  	v26 =	vld.idx.msk [tilespmem:v39+s12+$0x0], $0xffff;
	v23 =	vadd.f32 v37, v2;
	v25 =	vmul.f32 v4, v38;
	v51 =	vadd.s32 $0x47, v6  }
0x108: {  	v37 =	vadd.s32 $0x49, v6;
	v22 =	vadd.f32 v22, v2;
	(erf) = vpow2.f32 v18  }
0x109: {  	v56 =	vpop (erf);
	v30 =	vld.idx.msk [tilespmem:v54+s12+$0x0], $0xffff;
	v27 =	vadd.f32 v28, v27;
	v28 =	vmul.f32 v4, v43;
	v36 =	vmul.f32 v3, v33  }
0x10a: {  	v31 =	vld.idx.msk [tilespmem:v41+s12+$0x0], $0xffff;
	v9 =	vadd.f32 v24, v29;
	v24 =	vmul.f32 $3.626837730e-01, v56;
	v23 =	vmul.f32 $1.442695020e+00, v23  }
0x10b: {  	v41 =	vld.idx.msk [tilespmem:v63+s12+$0x0], $0xffff;
	v29 =	vmul.f32 v3, v40;
	v56 =	vadd.s32 $0x48, v6;
	v19 =	vmul.f32 v3, v19  }
0x10c: {  	v54 =	vld.idx.msk [tilespmem:v44+s12+$0x0], $0xffff;
	v45 =	vmul.f32 $1.442695020e+00, v22;
	v27 =	vadd.f32 v27, v2;
	v26 =	vmul.f32 v4, v26  }
0x10d: {  	v50 =	vld.idx.msk [tilespmem:v42+s12+$0x0], $0xffff;
	v18 =	vmul.f32 v4, v55;
	v55 =	vadd.s32 $0x4B, v6;
	v25 =	vadd.f32 v29, v25  }
0x10e: {  	v34 =	vld.idx.msk [tilespmem:v48+s12+$0x0], $0xffff;
	v21 =	vadd.f32 v24, v21;
	v29 =	vmul.f32 v3, v53;
	(erf) = vpow2.f32 v45  }
0x10f: {  	v19 =	vadd.f32 v19, v28;
	v49 =	vmul.f32 $1.442695020e+00, v27;
	v39 =	vmul.f32 v4, v30  }
0x110: {  	v58 =	vld.idx.msk [tilespmem:v51+s12+$0x0], $0xffff;
	v18 =	vadd.f32 v36, v18;
	(erf) = vpow2.f32 v23;
	v31 =	vmul.f32 v3, v31  }
0x111: {  	v43 =	vld.idx.msk [tilespmem:v37+s12+$0x0], $0xffff;
	v37 =	vadd.s32 $0x4C, v6;
	v52 =	vpop (erf);
	v51 =	vmul.f32 v4, v41;
	v30 =	vmul.f32 v4, v54  }
0x112: {  	v25 =	vadd.f32 v25, v2;
	v23 =	vmul.f32 $3.137066360e-01, v52;
	(erf) = vpow2.f32 v49  }
0x113: {  	v19 =	vadd.f32 v19, v2;
	v57 =	vpop (erf);
	v27 =	vmul.f32 v4, v50;
	v38 =	vmul.f32 v4, v34  }
0x114: {  	v18 =	vadd.f32 v18, v2;
	v52 =	vadd.s32 $0x4B, v7;
	v24 =	vmul.f32 $3.137066360e-01, v57  }
0x115: {  	v22 =	vld.idx.msk [tilespmem:v56+s12+$0x0], $0xffff;
	v25 =	vmul.f32 $1.442695020e+00, v25;
	v26 =	vadd.f32 v31, v26;
	v19 =	vmul.f32 $1.442695020e+00, v19  }
0x116: {  	v62 =	vadd.f32 v29, v27;
	v20 =	vadd.f32 v23, v20;
	v18 =	vmul.f32 $1.442695020e+00, v18  }
0x117: {  	(erf) = vpow2.f32 v25;
	v61 =	vadd.f32 v26, v2;
	v28 =	vmul.f32 v3, v58  }
0x118: {  	v59 =	vpop (erf);
	v24 =	vadd.f32 v24, v14;
	v23 =	vmul.f32 v3, v43;
	v58 =	vld.idx.msk [tilespmem:v46+s12+$0x0], $0xffff;
	v46 =	vadd.s32 $0x4E, v7  }
0x119: {  	v60 =	vmul.f32 $3.137066360e-01, v59;
	v26 =	vadd.f32 v62, v2;
	(erf) = vpow2.f32 v19  }
0x11a: {  	v62 =	vadd.s32 $0x4C, v7;
	v25 =	vmul.f32 $1.442695020e+00, v61;
	v22 =	vmul.f32 v3, v22  }
0x11b: {  	v42 =	vadd.f32 v28, v38;
	v23 =	vadd.f32 v23, v51;
	v51 =	vadd.s32 $0x4F, v7  }
0x11c: {  	v40 =	vmul.f32 $1.442695020e+00, v26;
	v27 =	vadd.f32 v60, v15;
	v22 =	vadd.f32 v22, v39  }
0x11d: {  	(erf) = vpow2.f32 v25;
	v45 =	vpop (erf);
	v25 =	vadd.f32 v42, v2;
	v61 =	vadd.f32 v23, v2  }
0x11e: {  	v42 =	vadd.s32 $0x4D, v6;
	(erf) = vpow2.f32 v40;
	v47 =	vmul.f32 $3.137066360e-01, v45  }
0x11f: {  	v39 =	vld.idx.msk [tilespmem:v55+s12+$0x0], $0xffff;
	v50 =	vpop (erf);
	v40 =	vadd.s32 $0x4D, v7;
	(erf) = vpow2.f32 v18;
	v48 =	vmul.f32 $1.442695020e+00, v25  }
0x120: {  	v22 =	vadd.f32 v22, v2;
	v53 =	vpop (erf);
	v38 =	vmul.f32 $1.442695020e+00, v61;
	v25 =	vmul.f32 v3, v58  }
0x121: {  	v23 =	vld.idx.msk [tilespmem:v37+s12+$0x0], $0xffff;
	v58 =	vadd.s32 $0x50, v7;
	v56 =	vmul.f32 $3.137066360e-01, v53;
	v19 =	vadd.f32 v47, v8  }
0x122: {  	v36 =	vld.idx.msk [tilespmem:v52+s12+$0x0], $0xffff;
	v53 =	vadd.s32 $0x4F, v6;
	v49 =	vmul.f32 $1.442695020e+00, v22;
	v22 =	vmul.f32 $3.137066360e-01, v50  }
0x123: {  	(erf) = vpow2.f32 v48;
	v45 =	vadd.f32 v25, v30;
	v48 =	vadd.s32 $0x4E, v6  }
0x124: {  	v57 =	vpop (erf);
	v15 =	vadd.f32 v56, v13;
	v28 =	vmul.f32 v3, v39;
	v50 =	vld.idx.msk [tilespmem:v42+s12+$0x0], $0xffff;
	v39 =	vadd.s32 $0x52, v7  }
0x125: {  	(erf) = vpow2.f32 v49;
	v18 =	vadd.f32 v22, v12;
	v59 =	vmul.f32 $3.137066360e-01, v57;
	v60 =	vpop (erf);
	v22 =	vld.idx.msk [tilespmem:v62+s12+$0x0], $0xffff  }
0x126: {  	v42 =	vadd.s32 $0x52, v6;
	v29 =	vld.idx.msk [tilespmem:v40+s12+$0x0], $0xffff;
	v57 =	vmul.f32 v3, v23;
	v63 =	vmul.f32 $3.137066360e-01, v60  }
0x127: {  	v12 =	vadd.f32 v59, v17;
	v17 =	vmul.f32 v4, v36;
	v36 =	vadd.s32 $0x51, v7;
	v35 =	vpop (erf)  }
0x128: {  	v14 =	vadd.f32 v63, v10;
	v63 =	vadd.s32 $0x50, v6;
	v13 =	vmul.f32 $3.137066360e-01, v35  }
0x129: {  	v41 =	vpop (erf);
	(erf) = vpow2.f32 v38;
	v17 =	vadd.f32 v28, v17;
	v61 =	vmul.f32 v3, v50  }
0x12a: {  	v28 =	vld.idx.msk [tilespmem:v53+s12+$0x0], $0xffff;
	v38 =	vadd.s32 $0x51, v6;
	v50 =	vadd.s32 $0x54, v6;
	v43 =	vmul.f32 $3.137066360e-01, v41  }
0x12b: {  	v23 =	vld.idx.msk [tilespmem:v42+s12+$0x0], $0xffff;
	v42 =	vadd.s32 $0x58, v7;
	v44 =	vpop (erf);
	v56 =	vmul.f32 v4, v22;
	v60 =	vmul.f32 v4, v29  }
0x12c: {  	v13 =	vadd.f32 v13, v11;
	v10 =	vmul.f32 $3.137066360e-01, v44;
	v11 =	vadd.f32 v45, v2  }
0x12d: {  	v54 =	vld.idx.msk [tilespmem:v46+s12+$0x0], $0xffff;
	v17 =	vadd.f32 v17, v2;
	v44 =	vadd.s32 $0x53, v6;
	v8 =	vadd.f32 v43, v16  }
0x12e: {  	v62 =	vld.idx.msk [tilespmem:v51+s12+$0x0], $0xffff;
	v47 =	vpop (erf);
	v37 =	vadd.f32 v61, v60;
	v43 =	vadd.s32 $0x53, v7;
	v60 =	vadd.s32 $0x56, v6  }
0x12f: {  	v55 =	vld.idx.msk [tilespmem:v48+s12+$0x0], $0xffff;
	v16 =	vmul.f32 $3.137066360e-01, v47;
	v52 =	vmul.f32 $1.442695020e+00, v11;
	v11 =	vadd.f32 v10, v9  }
0x130: {  	v41 =	vld.idx.msk [tilespmem:v58+s12+$0x0], $0xffff;
	v17 =	vmul.f32 $1.442695020e+00, v17;
	v49 =	vpop (erf);
	v22 =	vadd.f32 v37, v2;
	v28 =	vmul.f32 v3, v28  }
0x131: {  	v32 =	vld.idx.msk [tilespmem:v36+s12+$0x0], $0xffff;
	v23 =	vmul.f32 v3, v23;
	v37 =	vadd.s32 $0x57, v7;
	v30 =	vmul.f32 $2.223810400e-01, v49  }
0x132: {  	v31 =	vld.idx.msk [tilespmem:v63+s12+$0x0], $0xffff;
	v10 =	vadd.f32 v16, v21;
	(erf) = vpow2.f32 v52;
	v21 =	vadd.f32 v57, v56  }
0x133: {  	v48 =	vld.idx.msk [tilespmem:v39+s12+$0x0], $0xffff;
	v16 =	vmul.f32 v4, v54;
	v49 =	vadd.s32 $0x54, v7;
	v54 =	vadd.s32 $0x55, v7  }
0x134: {  	(erf) = vpow2.f32 v17;
	v22 =	vmul.f32 $1.442695020e+00, v22;
	v53 =	vld.idx.msk [tilespmem:v44+s12+$0x0], $0xffff;
	v44 =	vadd.s32 $0x58, v6  }
0x135: {  	v9 =	vadd.f32 v30, v20;
	v20 =	vmul.f32 v3, v55;
	v30 =	vmul.f32 v4, v62  }
0x136: {  	v40 =	vadd.f32 v21, v2;
	v21 =	vmul.f32 v4, v41;
	v32 =	vmul.f32 v4, v32;
	v59 =	vpop (erf)  }
0x137: {  	v45 =	vld.idx.msk [tilespmem:v38+s12+$0x0], $0xffff;
	v55 =	vadd.s32 $0x55, v6;
	v31 =	vmul.f32 v3, v31;
	v25 =	vmul.f32 $2.223810400e-01, v59  }
0x138: {  	v20 =	vadd.f32 v20, v16;
	v17 =	vmul.f32 $1.442695020e+00, v40;
	v47 =	vadd.f32 v28, v30  }
0x139: {  	v52 =	vld.idx.msk [tilespmem:v43+s12+$0x0], $0xffff;
	v59 =	vadd.s32 $0x56, v7;
	v28 =	vmul.f32 v4, v48;
	v40 =	vadd.s32 $0x57, v6  }
0x13a: {  	v57 =	vld.idx.msk [tilespmem:v49+s12+$0x0], $0xffff;
	v21 =	vadd.f32 v31, v21;
	v49 =	vadd.s32 $0x59, v6;
	v16 =	vadd.f32 v25, v24  }
0x13b: {  	v39 =	vld.idx.msk [tilespmem:v60+s12+$0x0], $0xffff;
	v20 =	vadd.f32 v20, v2;
	(erf) = vpow2.f32 v17;
	v51 =	vadd.f32 v47, v2  }
0x13c: {  	v63 =	vld.idx.msk [tilespmem:v54+s12+$0x0], $0xffff;
	v24 =	vmul.f32 v3, v45;
	v62 =	vmul.f32 v3, v53;
	v23 =	vadd.f32 v23, v28  }
0x13d: {  	v45 =	vld.idx.msk [tilespmem:v37+s12+$0x0], $0xffff;
	v47 =	vadd.s32 $0x59, v7;
	v37 =	vadd.s32 $0x5D, v7;
	(erf) = vpow2.f32 v22  }
0x13e: {  	v21 =	vadd.f32 v21, v2;
	v26 =	vmul.f32 v4, v52;
	v36 =	vld.idx.msk [tilespmem:v55+s12+$0x0], $0xffff;
	v55 =	vadd.s32 $0x5A, v7  }
0x13f: {  	v20 =	vmul.f32 $1.442695020e+00, v20;
	v56 =	vmul.f32 $1.442695020e+00, v51;
	v24 =	vadd.f32 v24, v32  }
0x140: {  	v38 =	vadd.f32 v23, v2;
	v23 =	vmul.f32 v3, v39;
	v51 =	vld.idx.msk [tilespmem:v42+s12+$0x0], $0xffff;
	v42 =	vadd.s32 $0x5E, v6;
	v46 =	vpop (erf)  }
0x141: {  	v58 =	vld.idx.msk [tilespmem:v50+s12+$0x0], $0xffff;
	v21 =	vmul.f32 $1.442695020e+00, v21;
	v26 =	vadd.f32 v62, v26;
	v25 =	vmul.f32 $2.223810400e-01, v46  }
0x142: {  	(erf) = vpow2.f32 v20;
	v34 =	vadd.f32 v24, v2;
	v22 =	vmul.f32 v4, v57  }
0x143: {  	v61 =	vpop (erf);
	v41 =	vmul.f32 v4, v63;
	v43 =	vmul.f32 $1.442695020e+00, v38;
	v63 =	vadd.s32 $0x5C, v6  }
0x144: {  	v46 =	vld.idx.msk [tilespmem:v40+s12+$0x0], $0xffff;
	v38 =	vadd.s32 $0x5D, v6;
	v40 =	vadd.s32 $0x5E, v7;
	v30 =	vmul.f32 $2.223810400e-01, v61  }
0x145: {  	(erf) = vpow2.f32 v56;
	v26 =	vadd.f32 v26, v2;
	v56 =	vadd.s32 $0x5A, v6  }
0x146: {  	v53 =	vld.idx.msk [tilespmem:v44+s12+$0x0], $0xffff;
	v17 =	vadd.f32 v25, v27;
	v25 =	vmul.f32 v3, v58;
	(erf) = vpow2.f32 v21  }
0x147: {  	v57 =	vld.idx.msk [tilespmem:v49+s12+$0x0], $0xffff;
	v61 =	vadd.s32 $0x5C, v7;
	v20 =	vmul.f32 $1.442695020e+00, v34;
	v24 =	vmul.f32 v3, v36  }
0x148: {  	v27 =	vld.idx.msk [tilespmem:v59+s12+$0x0], $0xffff;
	v58 =	vadd.s32 $0x5B, v7;
	v59 =	vadd.s32 $0x5B, v6;
	v7 =	vadd.s32 $0x5F, v7  }
0x149: {  	v29 =	vld.idx.msk [tilespmem:v47+s12+$0x0], $0xffff;
	v6 =	vadd.s32 $0x5F, v6;
	v26 =	vmul.f32 $1.442695020e+00, v26;
	v19 =	vadd.f32 v30, v19  }
0x14a: {  	v22 =	vadd.f32 v25, v22;
	(erf) = vpow2.f32 v20;
	v25 =	vmul.f32 v4, v45  }
0x14b: {  	v44 =	vld.idx.msk [tilespmem:v37+s12+$0x0], $0xffff;
	v24 =	vadd.f32 v24, v41;
	v20 =	vmul.f32 v3, v53;
	(erf) = vpow2.f32 v43  }
0x14c: {  	v62 =	vld.idx.msk [tilespmem:v55+s12+$0x0], $0xffff;
	v50 =	vpop (erf);
	v28 =	vmul.f32 v3, v46;
	v21 =	vmul.f32 v3, v57;
	v22 =	vadd.f32 v22, v2  }
0x14d: {  	v46 =	vld.idx.msk [tilespmem:v38+s12+$0x0], $0xffff;
	(erf) = vpow2.f32 v26;
	v24 =	vadd.f32 v24, v2;
	v52 =	vmul.f32 $2.223810400e-01, v50  }
0x14e: {  	v26 =	vmul.f32 v4, v51;
	v36 =	vld.idx.msk [tilespmem:v56+s12+$0x0], $0xffff;
	v29 =	vmul.f32 v4, v29;
	v51 =	vadd.s32 $0x10, v5  }
0x14f: {  	v60 =	vpop (erf);
	v41 =	vld.idx.msk [tilespmem:v61+s12+$0x0], $0xffff;
	v27 =	vmul.f32 v4, v27;
	v25 =	vadd.f32 v28, v25;
	v48 =	vmul.f32 $1.442695020e+00, v22  }
0x150: {  	v28 =	vmul.f32 $2.223810400e-01, v60;
	v6 =	vld.idx.msk [tilespmem:v6+s12+$0x0], $0xffff;
	v54 =	vmul.f32 $1.442695020e+00, v24;
	v20 =	vadd.f32 v20, v26  }
0x151: {  	v22 =	vld.idx.msk [tilespmem:v58+s12+$0x0], $0xffff;
	v21 =	vadd.f32 v21, v29;
	v25 =	vadd.f32 v25, v2;
	v39 =	vpop (erf);
	(erf) = vpow2.f32 v48  }
0x152: {  	v24 =	vld.idx.msk [tilespmem:v63+s12+$0x0], $0xffff;
	v23 =	vadd.f32 v23, v27;
	v33 =	vmul.f32 $2.223810400e-01, v39;
	v55 =	vmul.f32 v3, v46  }
0x153: {  	v27 =	vld.idx.msk [tilespmem:v59+s12+$0x0], $0xffff;
	v20 =	vadd.f32 v20, v2;
	(erf) = vpow2.f32 v54;
	v25 =	vmul.f32 $1.442695020e+00, v25  }
0x154: {  	v49 =	vld.idx.msk [tilespmem:v42+s12+$0x0], $0xffff;
	v21 =	vadd.f32 v21, v2;
	v26 =	vmul.f32 v3, v36;
	v29 =	vmul.f32 v4, v41  }
0x155: {  	v23 =	vadd.f32 v23, v2;
	v54 =	vmul.f32 v4, v44;
	v20 =	vmul.f32 $1.442695020e+00, v20  }
0x156: {  	v18 =	vadd.f32 v52, v18;
	v43 =	vpop (erf);
	v21 =	vmul.f32 $1.442695020e+00, v21;
	v6 =	vmul.f32 v3, v6  }
0x157: {  	v15 =	vadd.f32 v28, v15;
	v45 =	vpop (erf);
	v23 =	vmul.f32 $1.442695020e+00, v23;
	v22 =	vmul.f32 v4, v22  }
0x158: {  	v47 =	vld.idx.msk [tilespmem:v40+s12+$0x0], $0xffff;
	v12 =	vadd.f32 v33, v12;
	v24 =	vmul.f32 v3, v24;
	v56 =	vpop (erf);
	v48 =	vmul.f32 v3, v27  }
0x159: {  	v7 =	vld.idx.msk [tilespmem:v7+s12+$0x0], $0xffff;
	v27 =	vmul.f32 v3, v49;
	v28 =	vmul.f32 $2.223810400e-01, v56;
	v3 =	vadd.f32 $1.000000000e+00, v3  }
0x15a: {  	(erf) = vpow2.f32 v23;
	v23 =	vmul.f32 v4, v62;
	v53 =	vadd.f32 v24, v29  }
0x15b: {  	v24 =	vadd.f32 v55, v54;
	(erf) = vpow2.f32 v25;
	v25 =	vmul.f32 $2.223810400e-01, v43  }
0x15c: {  	v57 =	vpop (erf);
	v50 =	vadd.f32 v48, v22;
	v8 =	vadd.f32 v28, v8;
	(erf) = vpow2.f32 v20  }
0x15d: {  	v61 =	vpop (erf);
	v23 =	vadd.f32 v26, v23;
	v20 =	vmul.f32 $2.223810400e-01, v45;
	v26 =	vmul.f32 v4, v47  }
0x15e: {  	v60 =	vadd.f32 v24, v2;
	v24 =	vmul.f32 $2.223810400e-01, v61;
	v4 =	vmul.f32 v4, v7  }
0x15f: {  	v14 =	vadd.f32 v25, v14;
	(erf) = vpow2.f32 v21;
	v25 =	vmul.f32 $2.223810400e-01, v57  }
0x160: {  	v21 =	vshll.u32 v51, $0x4;
	v23 =	vadd.f32 v23, v2;
	v13 =	vadd.f32 v20, v13  }
0x161: {  	v20 =	vadd.f32 v50, v2;
	v59 =	vadd.f32 v27, v26;
	v63 =	vpop (erf);
	v47 =	vor.u32 $0x1, v21  }
0x162: {  	v4 =	vadd.f32 v6, v4;
	v28 =	vpop (erf);
	v52 =	vmul.f32 $1.442695020e+00, v23;
	v23 =	vadd.f32 v53, v2  }
0x163: {  	v11 =	vadd.f32 v25, v11;
	v20 =	vmul.f32 $1.442695020e+00, v20;
	v30 =	vmul.f32 $1.012285350e-01, v28  }
0x164: {  	v62 =	vadd.f32 v59, v2;
	(erf) = vpow2.f32 v52;
	v58 =	vmul.f32 $1.442695020e+00, v23  }
0x165: {  	v53 =	vor.u32 $0x2, v21;
	(erf) = vpow2.f32 v20;
	v20 =	vmul.f32 $1.442695020e+00, v60  }
0x166: {  	v2 =	vadd.f32 v4, v2;
	v59 =	vor.u32 $0x3, v21;
	(erf) = vpow2.f32 v58  }
0x167: {  	v23 =	vmul.f32 $1.012285350e-01, v63;
	(erf) = vpow2.f32 v20;
	v20 =	vshll.u32 v5, $0x4  }
0x168: {  	v28 =	vor.u32 $0x4, v21;
	v22 =	vmul.f32 $1.442695020e+00, v62;
	v2 =	vmul.f32 $1.442695020e+00, v2;
	v29 =	vpop (erf)  }
0x169: {  	v31 =	vpop (erf);
	v9 =	vadd.f32 v23, v9;
	v33 =	vmul.f32 $1.012285350e-01, v29;
	v36 =	vor.u32 $0x1, v20  }
0x16a: {  	v58 =	vld.idx.msk [tilespmem:v47+s13+$0x0], $0xffff;
	v47 =	vor.u32 $0xA, v21;
	v5 =	vadd.f32 v24, v10;
	v24 =	vmul.f32 $1.012285350e-01, v31  }
0x16b: {  	v32 =	vpop (erf);
	v10 =	vadd.f32 v30, v16;
	v30 =	vor.u32 $0x5, v21;
	v42 =	vor.u32 $0x2, v20  }
0x16c: {  	(erf) = vpow2.f32 v22;
	v35 =	vmul.f32 $1.012285350e-01, v32;
	v17 =	vadd.f32 v33, v17;
	v41 =	vld.idx.msk [tilespmem:v20+s13+$0x0], $0xffff  }
0x16d: {  	v34 =	vpop (erf);
	v49 =	vor.u32 $0x3, v20;
	v55 =	vor.u32 $0x4, v20;
	v57 =	vor.u32 $0x5, v20  }
0x16e: {  	v62 =	vor.u32 $0x6, v20;
	v29 =	vor.u32 $0x7, v20;
	v38 =	vmul.f32 $1.012285350e-01, v34;
	v46 =	vld.idx.msk [tilespmem:v36+s13+$0x0], $0xffff  }
0x16f: {  	v31 =	vor.u32 $0x8, v20;
	v19 =	vadd.f32 v24, v19;
	v34 =	vor.u32 $0x6, v21  }
0x170: {  	v16 =	vadd.f32 v35, v18;
	v15 =	vadd.f32 v38, v15;
	v38 =	vor.u32 $0x7, v21;
	v37 =	vpop (erf);
	v52 =	vld.idx.msk [tilespmem:v42+s13+$0x0], $0xffff  }
0x171: {  	v54 =	vld.idx.msk [tilespmem:v21+s13+$0x0], $0xffff;
	(erf) = vpow2.f32 v2;
	v36 =	vor.u32 $0x9, v20;
	v39 =	vpop (erf);
	v51 =	vmul.f32 v41, v3  }
0x172: {  	v18 =	vld.idx.msk [tilespmem:v49+s13+$0x0], $0xffff;
	v40 =	vmul.f32 $1.012285350e-01, v37;
	v44 =	vmul.f32 $1.012285350e-01, v39;
	v39 =	vor.u32 $0xA, v20  }
0x173: {  	v60 =	vld.idx.msk [tilespmem:v53+s13+$0x0], $0xffff;
	v43 =	vpop (erf);
	v20 =	vor.u32 $0xB, v20;
	v7 =	vmul.f32 v46, v3;
	v56 =	vmul.f32 v51, v9  }
0x174: {  	v63 =	vld.idx.msk [tilespmem:v55+s13+$0x0], $0xffff;
	v12 =	vadd.f32 v40, v12;
	v45 =	vmul.f32 $1.012285350e-01, v43;
	v43 =	vor.u32 $0x9, v21  }
0x175: {  	v6 =	vld.idx.msk [tilespmem:v57+s13+$0x0], $0xffff;
	v48 =	vpop (erf);
	v61 =	vmul.f32 v52, v3;
	v7 =	vmul.f32 v7, v10;
	v4 =	vmax.f32 v56, $1.000000000e-30  }
0x176: {  	v22 =	vld.idx.msk [tilespmem:v59+s13+$0x0], $0xffff;
	v14 =	vadd.f32 v44, v14;
	v24 =	vmul.f32 $1.012285350e-01, v48;
	v2 =	vmul.f32 v4, v54  }
0x177: {  	v35 =	vld.idx.msk [tilespmem:v28+s13+$0x0], $0xffff;
	v50 =	vpop (erf);
	v18 =	vmul.f32 v18, v3;
	v17 =	vmul.f32 v61, v17;
	v7 =	vmax.f32 v7, $1.000000000e-30  }
0x178: {  	v33 =	vld.idx.msk [tilespmem:v62+s13+$0x0], $0xffff;
	v23 =	vmul.f32 $1.012285350e-01, v50;
	v7 =	vmul.f32 v7, v58;
	v2 =	vadd.f32 $0.0e+00, v2  }
0x179: {  	v37 =	vld.idx.msk [tilespmem:v29+s13+$0x0], $0xffff;
	v18 =	vmul.f32 v18, v19;
	v17 =	vmax.f32 v17, $1.000000000e-30;
	v4 =	vmul.f32 v63, v3  }
0x17a: {  	v40 =	vld.idx.msk [tilespmem:v31+s13+$0x0], $0xffff;
	v6 =	vmul.f32 v6, v3;
	v32 =	vmul.f32 v17, v60;
	v2 =	vadd.f32 v7, v2  }
0x17b: {  	v9 =	vadd.f32 v23, v11;
	v11 =	vld.idx.msk [tilespmem:v30+s13+$0x0], $0xffff;
	v18 =	vmax.f32 v18, $1.000000000e-30;
	v4 =	vmul.f32 v4, v16  }
0x17c: {  	v41 =	vor.u32 $0x8, v21;
	v44 =	vld.idx.msk [tilespmem:v38+s13+$0x0], $0xffff;
	v18 =	vmul.f32 v18, v22;
	v2 =	vadd.f32 v32, v2  }
0x17d: {  	v6 =	vmul.f32 v6, v15;
	v10 =	vmul.f32 v33, v3;
	v17 =	vld.idx.msk [tilespmem:v34+s13+$0x0], $0xffff;
	v4 =	vmax.f32 v4, $1.000000000e-30  }
0x17e: {  	v13 =	vadd.f32 v45, v13;
	v42 =	vld.idx.msk [tilespmem:v36+s13+$0x0], $0xffff;
	v4 =	vmul.f32 v4, v35;
	v2 =	vadd.f32 v18, v2  }
0x17f: {  	v46 =	vld.idx.msk [tilespmem:v39+s13+$0x0], $0xffff;
	v10 =	vmul.f32 v10, v12;
	v6 =	vmax.f32 v6, $1.000000000e-30;
	v7 =	vmul.f32 v37, v3  }
0x180: {  	v8 =	vadd.f32 v24, v8;
	v45 =	vmul.f32 v6, v11;
	v2 =	vadd.f32 v4, v2  }
0x181: {  	v15 =	vmul.f32 v40, v3;
	v48 =	vld.idx.msk [tilespmem:v41+s13+$0x0], $0xffff;
	v10 =	vmax.f32 v10, $1.000000000e-30;
	v7 =	vmul.f32 v7, v14  }
0x182: {  	v51 =	vor.u32 $0xB, v21;
	v50 =	vld.idx.msk [tilespmem:v20+s13+$0x0], $0xffff;
	v49 =	vmul.f32 v10, v17;
	v2 =	vadd.f32 v45, v2  }
0x183: {  	v53 =	vld.idx.msk [tilespmem:v43+s13+$0x0], $0xffff;
	v13 =	vmul.f32 v15, v13;
	v7 =	vmax.f32 v7, $1.000000000e-30;
	v18 =	vmul.f32 v42, v3  }
0x184: {  	v52 =	vpop (erf);
	v6 =	vmul.f32 v46, v3;
	v54 =	vmul.f32 v7, v44;
	v2 =	vadd.f32 v49, v2  }
0x185: {  	v55 =	vmax.f32 v13, $1.000000000e-30;
	v11 =	vld.idx.msk [tilespmem:v47+s13+$0x0], $0xffff;
	v17 =	vmul.f32 $1.012285350e-01, v52;
	v8 =	vmul.f32 v18, v8  }
0x186: {  	v56 =	vmul.f32 v55, v48;
	v6 =	vmul.f32 v6, v9;
	v2 =	vadd.f32 v54, v2  }
0x187: {  	v58 =	vld.idx.msk [tilespmem:v51+s13+$0x0], $0xffff;
	v5 =	vadd.f32 v17, v5;
	v3 =	vmul.f32 v50, v3;
	v57 =	vmax.f32 v8, $1.000000000e-30  }
0x188: {  	v59 =	vmul.f32 v57, v53;
	v2 =	vadd.f32 v56, v2  }
0x189: {  	v6 =	vmax.f32 v6, $1.000000000e-30;
	v3 =	vmul.f32 v3, v5  }
0x18a: {  	v60 =	vmul.f32 v6, v11;
	v2 =	vadd.f32 v59, v2  }
0x18b: {  	v3 =	vmax.f32 v3, $1.000000000e-30  }
0x18c: {  	v3 =	vmul.f32 v3, v58;
	v2 =	vadd.f32 v60, v2;
	_ =	sdelay $0x1  }
0x18d: {  	v2 =	vadd.f32 v3, v2;
	_ =	sdelay $0x1  }
0x18e: {  	v3 =	vand.u32 $0x7FFFFF, v2  }
0x18f: {  	v3 =	vor.u32 $0x3F800000, v3  }
0x190: {  	v61 =	vmul.f32 $5.000000000e-01, v3  }
0x191: {  	vm15 =	vgt.f32 v3, $1.414213540e+00  }
0x192: {  	v3 =	vsel vm15, v61, v3  }
0x193: {  	v4 =	vadd.f32 $1.000000000e+00, v3;
	_ =	sdelay $0x1  }
0x194: {  	(erf) = vrcp.f32 v4;
	_ =	sdelay $0x7  }
0x195: {  	v3 =	vadd.f32 $-1.000000000e+00, v3  }
0x196: {  	v4 =	vpop (erf)  }
0x197: {  	v3 =	vmul.f32 v4, v3;
	_ =	sdelay $0x1  }
0x198: {  	v4 =	vmul.f32 v3, v3;
	_ =	sdelay $0x1  }
0x199: {  	v62 =	vmul.f32 $1.111111120e-01, v4;
	_ =	sdelay $0x1  }
0x19a: {  	v5 =	vadd.f32 $1.428571490e-01, v62;
	_ =	sdelay $0x1  }
0x19b: {  	v5 =	vmul.f32 v5, v4;
	_ =	sdelay $0x1  }
0x19c: {  	v5 =	vadd.f32 $2.000000030e-01, v5;
	_ =	sdelay $0x1  }
0x19d: {  	v5 =	vmul.f32 v5, v4;
	_ =	sdelay $0x1  }
0x19e: {  	v1 =	vadd.s32 $0x80, v1;
	v5 =	vadd.f32 $3.333333430e-01, v5  }
0x19f: {  	v2 =	vshrl.u32 v2, $0x17;
	v63 =	vsel vm15, $0x1, v0  }
0x1a0: {  	v2 =	vadd.s32 v63, v2;
	v4 =	vmul.f32 v5, v4  }
0x1a1: {  	v2 =	vadd.s32 $0xFFFFFF81, v2  }
0x1a2: {  	v2 =	vcvt.s32.f32 v2;
	v3 =	vadd.f32 v3, v3;
	v4 =	vadd.f32 $1.000000000e+00, v4  }
0x1a3: {  	v1 =	vld.idx.msk [tilespmem:v1+s14+$0x0], $0xffff  }
0x1a4: {  	v2 =	vmul.f32 $6.931471820e-01, v2;
	v3 =	vmul.f32 v4, v3  }
0x1a5: {  	p0 =	sne.s32 s17, $0x7C0  }
.Ltmp0:
0x1a6: {  	v2 =	vadd.f32 v3, v2;
	(pc) =	sbr.rel @p0 .LBB2_2-.Ltmp0, $3  }
0x1a7: {  	_ = 	snop  }
0x1a8: {  	v1 =	vsub.f32 v2, v1;
	_ =	sdelay $0x1  }
0x1a9: {  	s17 =	sadd.s32 $0x40, s17;
	[tilespmem:s18+$0x1600] =	vst v1  }
0x1aa: {  	s16 =	sadd.s32 $0x1, s16  }
0x1ab: {  	p0 =	sne.s32 s16, s8  }
.Ltmp1:
0x1ac: {  	_ = 	snop;
	(pc) =	sbr.rel @p0 .LBB2_1-.Ltmp1, $4  }
0x1ad: {  	[hbm4b:s7+s2] =	stream.linear.scatter [tilespmem:s15], [sflag:$0x1], $0x200, $0x38;
	[tilespmem:$0x1800] =	vst v63  }
0x1ae: {  	_ =	swait.ge [sflag:s11], $0x200  }
0x1af: {  	[sflag:s11] =	ssyncset.done $0x0  }
0x1b0: {  	[sflag:s11] =	ssyncadd.s32 $0xFFFFFE00  }
0x1b1: {  	_ =	sfence.sel $0x180000  }
0x1b2: {  	[bflag:$0x0] =	sbarrier.arrive $0xFFFF  }
0x1b3: {  	p0 =	sne.s32 s1, $0x0;
	_ =	strace $0x90000047  }
0x1b4: {  	s0 =	sadd.s32 @!p0 $0x100000, s0;
	[bflag:$0x2] =	sbarrier.arrive $0xFFFF  }
0x1b5: {  	[sflag:s0] =	ssyncadd.tile.s32 @!p0 $0x1;
	_ =	shalt  }
.Lfunc_end2:
_tile_overlayer_lowered:
.L_overlay_start_2:
0x1b6: {  	(tag) =	ssettag $0x2  }
0x1b7: {  	s0 =	rddreg [dreg:$0x0];
	s2 =	stileid.u32  }
0x1b8: {  	s1 =	rddreg [dreg:$0x1];
	p0 =	sne.s32 s2, $0x0  }
0x1b9: {  	s3 =	rddreg [dreg:$0x2];
	[bflag:$0x3] =	sbarrier.arrive $0xFFFF;
	s2 =	simm.s32 @!p0 $0x1C01  }
0x1ba: {  	[timem:s3], [sflag:s2] =	dma.local @!p0 [hbm:s0], s1  }
0x1bb: {  	s0 =	simm.s32 @!p0 $0x1  }
0x1bc: {  	_ =	swait.ge @!p0 [sflag:s0], s1  }
0x1bd: {  	s1 =	ssub.s32 @!p0 $0x0, s1;
	[sflag:s0] =	ssyncset.done @!p0 $0x0  }
0x1be: {  	[sflag:s0] =	ssyncadd.s32 @!p0 s1  }
0x1bf: {  	[bflag:$0x3] =	sbarrier.arrive $0xFFFF  }
0x1c0: {  	_ =	shalt  }

</sc_bundles>
